<compile_context>
chip_gen: v7x
topology: tpu7x:2x2x1
jax: 0.10.2.dev20260603
libtpu: 0.0.44.dev20260713+nightly
codegen_flags: <defaults>
</compile_context>

<pallas_src>
import functools

import jax
import jax.numpy as jnp
from jax import lax
from jax.experimental import pallas as pl
from jax.experimental.pallas import tpu as pltpu
from jax.experimental.pallas import tpu_sc as plsc

E = 320000
NUM_HE = 10000
D = 128
HEADS = 8
D_H = 16

BE = 2000
RB = 1000
CHUNK = 128
IDXR = CHUNK // 128
N_CHUNKS = E // CHUNK
SCH = 64
N_SCH = E // SCH
GSZ = 8
N_GROUPS = N_SCH // GSZ
G_PER_W = N_GROUPS // 32
G_HI = N_GROUPS - 32 * G_PER_W
NHE_PAD = 10240
ROWS_PER_TILE = NHE_PAD // 16
CLAMP = 70.0


def _edge_body(x_ref, w1_ref, b1_ref, wv_ref, bv_ref, wa_ref, ba_ref,
               w_out_ref, ex_out_ref):
    x = x_ref[...]
    h = jnp.maximum(
        jnp.dot(x, w1_ref[...], preferred_element_type=jnp.float32) + b1_ref[...], 0.0)
    v = jnp.dot(h, wv_ref[...], preferred_element_type=jnp.float32) + bv_ref[...]
    a = jnp.dot(h, wa_ref[...], preferred_element_type=jnp.float32) + ba_ref[...]
    e = jnp.exp(jnp.minimum(a, CLAMP))
    w_out_ref[...] = e * v
    ex_out_ref[...] = e


def _post_body(aggp_ref, denp_ref, he_ref, att_ref, g0_ref, be0_ref,
               wr_ref, br_ref, g1_ref, be1_ref, wut_ref, wub_ref, bu_ref,
               out_ref):
    hi = jax.lax.Precision.HIGHEST
    aggp = aggp_ref[...]
    denp = denp_ref[...]
    agg = aggp[0] + aggp[1]
    den = denp[0] + denp[1]
    out = agg / (den + 1e-16) + att_ref[...]
    mu = jnp.mean(out, axis=-1, keepdims=True)
    var = jnp.mean((out - mu) ** 2, axis=-1, keepdims=True)
    out = (out - mu) * lax.rsqrt(var + 1e-5) * g0_ref[...] + be0_ref[...]
    rff = jnp.maximum(
        jnp.dot(out, wr_ref[...], preferred_element_type=jnp.float32,
                precision=hi) + br_ref[...], 0.0)
    y = out + rff
    mu2 = jnp.mean(y, axis=-1, keepdims=True)
    var2 = jnp.mean((y - mu2) ** 2, axis=-1, keepdims=True)
    y = (y - mu2) * lax.rsqrt(var2 + 1e-5) * g1_ref[...] + be1_ref[...]
    tem = jnp.maximum(y, 0.0)
    fin = (jnp.dot(tem, wut_ref[...], preferred_element_type=jnp.float32,
                   precision=hi)
           + jnp.dot(he_ref[...], wub_ref[...], preferred_element_type=jnp.float32,
                     precision=hi)
           + bu_ref[...])
    out_ref[...] = jnp.maximum(fin, 0.0)


def _sc_scatter_agg(w_hbm, idxg_hbm, agg_out,
                    w_v0, w_v1, idx_v, sem0, sem1, agg_sh):
    cid = lax.axis_index("c")
    sid = lax.axis_index("s")
    wid = cid * 16 + sid

    zeros16 = jnp.zeros((16,), jnp.float32)

    def zrow(r, carry):
        for c in range(8):
            w_v0[r, pl.ds(c * 16, 16)] = zeros16
        return carry
    lax.fori_loop(0, SCH, zrow, 0)

    base = sid * ROWS_PER_TILE
    for k in range(ROWS_PER_TILE // SCH):
        pltpu.sync_copy(w_v0, agg_sh.at[pl.ds(base + k * SCH, SCH)])
    plsc.subcore_barrier()

    bufs = (w_v0, w_v1)
    sems = (sem0, sem1)

    def do_group(g):
        pltpu.sync_copy(idxg_hbm.at[g], idx_v)
        c0 = g * GSZ
        pending = pltpu.async_copy(
            w_hbm.at[pl.ds(c0 * SCH, SCH)], w_v0, sem0)
        for j in range(GSZ):
            if j + 1 < GSZ:
                nxt = pltpu.async_copy(
                    w_hbm.at[pl.ds((c0 + j + 1) * SCH, SCH)],
                    bufs[(j + 1) % 2], sems[(j + 1) % 2])
            pending.wait()
            pltpu.sync_copy(bufs[j % 2], agg_sh.at[idx_v.at[j]], add=True)
            if j + 1 < GSZ:
                pending = nxt

    gbase = wid * G_PER_W + jnp.minimum(wid, G_HI)

    def body(k, carry):
        do_group(gbase + k)
        return carry
    lax.fori_loop(0, G_PER_W, body, 0)

    @pl.when(wid < G_HI)
    def _extra():
        do_group(gbase + G_PER_W)

    plsc.subcore_barrier()
    ob = sid * ROWS_PER_TILE
    pltpu.sync_copy(agg_sh.at[pl.ds(ob, ROWS_PER_TILE)],
                    agg_out.at[pl.ds(cid * NHE_PAD + ob, ROWS_PER_TILE)])


def _run_sc_segment_sum(w, ex, idxg):
    mesh = plsc.VectorSubcoreMesh(core_axis_name="c", subcore_axis_name="s")
    agg_flat = functools.partial(
        pl.kernel,
        mesh=mesh,
        out_type=jax.ShapeDtypeStruct((2 * NHE_PAD, 128), jnp.float32),
        scratch_types=[
            pltpu.VMEM((SCH, 128), jnp.float32),
            pltpu.VMEM((SCH, 128), jnp.float32),
            pltpu.VMEM((GSZ, SCH), jnp.int32),
            pltpu.SemaphoreType.DMA,
            pltpu.SemaphoreType.DMA,
            pltpu.VMEM_SHARED((NHE_PAD, 128), jnp.float32),
        ],
    )(_sc_scatter_agg)(w, idxg)
    idxg_dep, agg_flat = lax.optimization_barrier((idxg, agg_flat))
    den_flat = functools.partial(
        pl.kernel,
        mesh=mesh,
        out_type=jax.ShapeDtypeStruct((2 * NHE_PAD, 128), jnp.float32),
        scratch_types=[
            pltpu.VMEM((SCH, 128), jnp.float32),
            pltpu.VMEM((SCH, 128), jnp.float32),
            pltpu.VMEM((GSZ, SCH), jnp.int32),
            pltpu.SemaphoreType.DMA,
            pltpu.SemaphoreType.DMA,
            pltpu.VMEM_SHARED((NHE_PAD, 128), jnp.float32),
        ],
    )(_sc_scatter_agg)(ex, idxg_dep)
    return (agg_flat.reshape(2, NHE_PAD, 128), den_flat.reshape(2, NHE_PAD, 128))


def kernel(hyperedge, hyper_node, ve_affiliation, W_v2e, b_v2e, W_k, b_k,
           W_v, b_v, att_r, ln0_g, ln0_b, W_rff, b_rff, ln1_g, ln1_b,
           W_upd, b_upd):
    f32 = jnp.float32
    dstg = ve_affiliation[0].reshape(N_GROUPS, GSZ, SCH)

    attm = att_r.reshape(HEADS, D_H)
    P = (jnp.eye(HEADS, dtype=f32)[:, None, :] * attm[:, :, None]).reshape(D, HEADS)
    scale = 1.0 / jnp.sqrt(jnp.float32(D_H))
    Wa8 = (W_k @ P) * scale
    ba8 = (b_k @ P) * scale
    Wa = jnp.repeat(Wa8, D_H, axis=1)
    ba = jnp.repeat(ba8, D_H).reshape(1, D)

    b1r = b_v2e.reshape(1, D)
    bvr = b_v.reshape(1, D)
    att_row = att_r.reshape(1, D)

    full = lambda shape: pl.BlockSpec(shape, lambda i: tuple(0 for _ in shape))
    W, EX = pl.pallas_call(
        _edge_body,
        grid=(E // BE,),
        in_specs=[
            pl.BlockSpec((BE, D), lambda i: (i, 0)),
            full((D, D)), full((1, D)),
            full((D, D)), full((1, D)),
            full((D, D)), full((1, D)),
        ],
        out_specs=[
            pl.BlockSpec((BE, D), lambda i: (i, 0)),
            pl.BlockSpec((BE, D), lambda i: (i, 0)),
        ],
        out_shape=[
            jax.ShapeDtypeStruct((E, D), f32),
            jax.ShapeDtypeStruct((E, D), f32),
        ],
    )(hyper_node, W_v2e, b1r, W_v, bvr, Wa, ba)

    aggp, denp = _run_sc_segment_sum(W, EX, dstg)

    out = pl.pallas_call(
        _post_body,
        grid=(NUM_HE // RB,),
        in_specs=[
            pl.BlockSpec((2, RB, D), lambda i: (0, i, 0)),
            pl.BlockSpec((2, RB, D), lambda i: (0, i, 0)),
            pl.BlockSpec((RB, D), lambda i: (i, 0)),
            full((1, D)),
            full((1, D)), full((1, D)),
            full((D, D)), full((1, D)),
            full((1, D)), full((1, D)),
            full((D, D)), full((D, D)), full((1, D)),
        ],
        out_specs=pl.BlockSpec((RB, D), lambda i: (i, 0)),
        out_shape=jax.ShapeDtypeStruct((NUM_HE, D), f32),
    )(aggp, denp, hyperedge, att_row,
      ln0_g.reshape(1, D), ln0_b.reshape(1, D),
      W_rff, b_rff.reshape(1, D),
      ln1_g.reshape(1, D), ln1_b.reshape(1, D),
      W_upd[:D], W_upd[D:], b_upd.reshape(1, D))
    return out

# --- scband reference (transcript-rebuilt; emitter-appended) ---
"""Pipeline reference for scband-v2-e-layer-set-27393301414291 (READ-ONLY COPY).

The authoritative reference and input builder live on the scoring server;
editing this copy changes nothing except your own understanding.
"""

import jax, jax.numpy as jnp
import numpy as np

NUM_HE = 10000
E = 320000
D_NODE = 128
D_EDGE_IN = 128
D_OUT = 128
HEADS = 8
D_H = D_OUT // HEADS


def _layernorm(x, g, b, eps=1e-5):
    mu = jnp.mean(x, axis=-1, keepdims=True)
    var = jnp.mean((x - mu) ** 2, axis=-1, keepdims=True)
    return (x - mu) / jnp.sqrt(var + eps) * g + b


def _glorot(k, shape):
    lim = np.sqrt(6.0 / (shape[0] + shape[1]))
    return jax.random.uniform(k, shape, jnp.float32, -lim, lim)


def setup_inputs(seed: int = 0) -> dict:
    key = jax.random.key(seed)
    ks = jax.random.split(key, 12)
    return {
        "hyperedge": jax.random.normal(ks[0], (NUM_HE, D_EDGE_IN), jnp.float32),
        "hyper_node": jax.random.normal(ks[1], (E, D_NODE), jnp.float32),
        "ve_affiliation": jax.random.randint(ks[2], (2, E), 0, NUM_HE, jnp.int32),
        "W_v2e": _glorot(ks[3], (D_NODE, D_OUT)),
        "b_v2e": jnp.zeros((D_OUT,), jnp.float32),
        "W_k": _glorot(ks[4], (D_OUT, D_OUT)),
        "b_k": jnp.zeros((D_OUT,), jnp.float32),
        "W_v": _glorot(ks[5], (D_OUT, D_OUT)),
        "b_v": jnp.zeros((D_OUT,), jnp.float32),
        "att_r": jax.random.normal(ks[6], (1, HEADS, D_H), jnp.float32) * 0.1,
        "ln0_g": jnp.ones((D_OUT,), jnp.float32),
        "ln0_b": jnp.zeros((D_OUT,), jnp.float32),
        "W_rff": _glorot(ks[7], (D_OUT, D_OUT)),
        "b_rff": jnp.zeros((D_OUT,), jnp.float32),
        "ln1_g": jnp.ones((D_OUT,), jnp.float32),
        "ln1_b": jnp.zeros((D_OUT,), jnp.float32),
        "W_upd": _glorot(ks[8], (D_EDGE_IN + D_OUT, D_OUT)),
        "b_upd": jnp.zeros((D_OUT,), jnp.float32),
    }


def reference(hyperedge, hyper_node, ve_affiliation, W_v2e, b_v2e, W_k, b_k, W_v, b_v, att_r, ln0_g, ln0_b, W_rff, b_rff, ln1_g, ln1_b, W_upd, b_upd):
    # edge_index construction in torch: edge_index[1] = ve_affiliation[0]
    dst = ve_affiliation[0]
    # hyper_node = v2e_activation(v2e_lin(hyper_node))
    h = jax.nn.relu(hyper_node @ W_v2e + b_v2e)
    # AllSetTrans (PMA-style multi-head set-attention aggregation per hyperedge)
    K = (h @ W_k + b_k).reshape(-1, HEADS, D_H)
    V = (h @ W_v + b_v).reshape(-1, HEADS, D_H)
    alpha = jnp.sum(K * att_r, axis=-1) / jnp.sqrt(float(D_H))  # [E, H]
    m = jax.ops.segment_max(alpha, dst, num_segments=NUM_HE)
    m = jnp.where(jnp.isfinite(m), m, 0.0)
    ex = jnp.exp(alpha - m[dst])  # [E, H]
    denom = jax.ops.segment_sum(ex, dst, num_segments=NUM_HE)  # [NUM_HE, H]
    agg = jax.ops.segment_sum(ex[:, :, None] * V, dst, num_segments=NUM_HE)
    agg = agg / (denom[:, :, None] + 1e-16)
    out = agg.reshape(NUM_HE, D_OUT) + att_r.reshape(1, D_OUT)
    out = _layernorm(out, ln0_g, ln0_b)
    out = _layernorm(out + jax.nn.relu(out @ W_rff + b_rff), ln1_g, ln1_b)
    hyperedge_tem = jax.nn.relu(out)
    # update_activation(update_lin(cat([hyperedge_tem, hyperedge], -1)))
    out = jax.nn.relu(jnp.concatenate([hyperedge_tem, hyperedge], axis=-1) @ W_upd + b_upd)
    return out

if __name__ == "__main__":
    import jax
    _d = setup_inputs()
    print(jax.jit(kernel)(*tuple(_d.values())))

</pallas_src>

<mosaic_0001>
#map = affine_map<(d0, d1) -> (0, 0)>
#map1 = affine_map<(d0, d1) -> (0, 0, 0)>
module attributes {stable_mosaic.version = 14 : i64} {
  func.func @_sc_scatter_agg(%arg0: i32, %arg1: i32, %arg2: memref<320000x128xf32, #tpu.memory_space<hbm>>, %arg3: memref<625x8x64xi32, #tpu.memory_space<hbm>>, %arg4: memref<20480x128xf32, #tpu.memory_space<hbm>>, %arg5: memref<64x128xf32, #tpu.memory_space<vmem>>, %arg6: memref<64x128xf32, #tpu.memory_space<vmem>>, %arg7: memref<8x64xi32, #tpu.memory_space<vmem>>, %arg8: memref<!tpu.dma_semaphore, #tpu.memory_space<semaphore_mem>>, %arg9: memref<!tpu.dma_semaphore, #tpu.memory_space<semaphore_mem>>, %arg10: memref<10240x128xf32, #tpu.memory_space<vmem_shared>>) attributes {dimension_semantics = [#tpu.dimension_semantics<core_parallel>, #tpu.dimension_semantics<subcore_parallel>], iteration_bounds = array<i64: 2, 16>, scalar_prefetch = 0 : i64, scratch_operands = 6 : i64, tpu.core_type = #tpu.core_type<sc_vector_subcore>, window_params = [{transform_indices = #map}, {transform_indices = #map1}, {transform_indices = #map}]} {
    %mul3A = arith.constant 16 : i32
    %mul3A_0 = arith.muli %arg0, %mul3A : i32
    %add3A = arith.addi %mul3A_0, %arg1 : i32
    %broadcast_in_dim3A = arith.constant 0.000000e+00 : f32
    %broadcast_in_dim3A_1 = vector.broadcast %broadcast_in_dim3A : f32 to vector<16xf32>
    %scan3A = arith.constant 0 : i32
    %scan3A_2 = arith.constant 0 : i32
    %scan3A_3 = arith.constant 64 : i32
    %scan3A_4 = arith.addi %scan3A_2, %scan3A_3 : i32
    %scan3A_5 = arith.constant 1 : i32
    scf.for %scan3A_47 = %scan3A_2 to %scan3A_4 step %scan3A_5  : i32 {
      %swap3A = arith.index_cast %scan3A_47 : i32 to index
      %swap3A_48 = arith.constant 0 : index
      %swap3A_49 = tpu.vector_load %arg5[%swap3A, %swap3A_48] {strides = array<i32>} : memref<64x128xf32, #tpu.memory_space<vmem>>, vector<1x16xf32>,
      %swap3A_50 = vector.shape_cast %swap3A_49 : vector<1x16xf32> to vector<16xf32>
      %swap3A_51 = vector.shape_cast %broadcast_in_dim3A_1 : vector<16xf32> to vector<1x16xf32>
      tpu.vector_store %arg5[%swap3A, %swap3A_48], %swap3A_51 {strides = array<i32>} : memref<64x128xf32, #tpu.memory_space<vmem>>, vector<1x16xf32>,
      %swap3A_52 = arith.index_cast %scan3A_47 : i32 to index
      %swap3A_53 = arith.constant 16 : index
      %swap3A_54 = tpu.vector_load %arg5[%swap3A_52, %swap3A_53] {strides = array<i32>} : memref<64x128xf32, #tpu.memory_space<vmem>>, vector<1x16xf32>,
      %swap3A_55 = vector.shape_cast %swap3A_54 : vector<1x16xf32> to vector<16xf32>
      %swap3A_56 = vector.shape_cast %broadcast_in_dim3A_1 : vector<16xf32> to vector<1x16xf32>
      tpu.vector_store %arg5[%swap3A_52, %swap3A_53], %swap3A_56 {strides = array<i32>} : memref<64x128xf32, #tpu.memory_space<vmem>>, vector<1x16xf32>,
      %swap3A_57 = arith.index_cast %scan3A_47 : i32 to index
      %swap3A_58 = arith.constant 32 : index
      %swap3A_59 = tpu.vector_load %arg5[%swap3A_57, %swap3A_58] {strides = array<i32>} : memref<64x128xf32, #tpu.memory_space<vmem>>, vector<1x16xf32>,
      %swap3A_60 = vector.shape_cast %swap3A_59 : vector<1x16xf32> to vector<16xf32>
      %swap3A_61 = vector.shape_cast %broadcast_in_dim3A_1 : vector<16xf32> to vector<1x16xf32>
      tpu.vector_store %arg5[%swap3A_57, %swap3A_58], %swap3A_61 {strides = array<i32>} : memref<64x128xf32, #tpu.memory_space<vmem>>, vector<1x16xf32>,
      %swap3A_62 = arith.index_cast %scan3A_47 : i32 to index
      %swap3A_63 = arith.constant 48 : index
      %swap3A_64 = tpu.vector_load %arg5[%swap3A_62, %swap3A_63] {strides = array<i32>} : memref<64x128xf32, #tpu.memory_space<vmem>>, vector<1x16xf32>,
      %swap3A_65 = vector.shape_cast %swap3A_64 : vector<1x16xf32> to vector<16xf32>
      %swap3A_66 = vector.shape_cast %broadcast_in_dim3A_1 : vector<16xf32> to vector<1x16xf32>
      tpu.vector_store %arg5[%swap3A_62, %swap3A_63], %swap3A_66 {strides = array<i32>} : memref<64x128xf32, #tpu.memory_space<vmem>>, vector<1x16xf32>,
      %swap3A_67 = arith.index_cast %scan3A_47 : i32 to index
      %swap3A_68 = arith.constant 64 : index
      %swap3A_69 = tpu.vector_load %arg5[%swap3A_67, %swap3A_68] {strides = array<i32>} : memref<64x128xf32, #tpu.memory_space<vmem>>, vector<1x16xf32>,
      %swap3A_70 = vector.shape_cast %swap3A_69 : vector<1x16xf32> to vector<16xf32>
      %swap3A_71 = vector.shape_cast %broadcast_in_dim3A_1 : vector<16xf32> to vector<1x16xf32>
      tpu.vector_store %arg5[%swap3A_67, %swap3A_68], %swap3A_71 {strides = array<i32>} : memref<64x128xf32, #tpu.memory_space<vmem>>, vector<1x16xf32>,
      %swap3A_72 = arith.index_cast %scan3A_47 : i32 to index
      %swap3A_73 = arith.constant 80 : index
      %swap3A_74 = tpu.vector_load %arg5[%swap3A_72, %swap3A_73] {strides = array<i32>} : memref<64x128xf32, #tpu.memory_space<vmem>>, vector<1x16xf32>,
      %swap3A_75 = vector.shape_cast %swap3A_74 : vector<1x16xf32> to vector<16xf32>
      %swap3A_76 = vector.shape_cast %broadcast_in_dim3A_1 : vector<16xf32> to vector<1x16xf32>
      tpu.vector_store %arg5[%swap3A_72, %swap3A_73], %swap3A_76 {strides = array<i32>} : memref<64x128xf32, #tpu.memory_space<vmem>>, vector<1x16xf32>,
      %swap3A_77 = arith.index_cast %scan3A_47 : i32 to index
      %swap3A_78 = arith.constant 96 : index
      %swap3A_79 = tpu.vector_load %arg5[%swap3A_77, %swap3A_78] {strides = array<i32>} : memref<64x128xf32, #tpu.memory_space<vmem>>, vector<1x16xf32>,
      %swap3A_80 = vector.shape_cast %swap3A_79 : vector<1x16xf32> to vector<16xf32>
      %swap3A_81 = vector.shape_cast %broadcast_in_dim3A_1 : vector<16xf32> to vector<1x16xf32>
      tpu.vector_store %arg5[%swap3A_77, %swap3A_78], %swap3A_81 {strides = array<i32>} : memref<64x128xf32, #tpu.memory_space<vmem>>, vector<1x16xf32>,
      %swap3A_82 = arith.index_cast %scan3A_47 : i32 to index
      %swap3A_83 = arith.constant 112 : index
      %swap3A_84 = tpu.vector_load %arg5[%swap3A_82, %swap3A_83] {strides = array<i32>} : memref<64x128xf32, #tpu.memory_space<vmem>>, vector<1x16xf32>,
      %swap3A_85 = vector.shape_cast %swap3A_84 : vector<1x16xf32> to vector<16xf32>
      %swap3A_86 = vector.shape_cast %broadcast_in_dim3A_1 : vector<16xf32> to vector<1x16xf32>
      tpu.vector_store %arg5[%swap3A_82, %swap3A_83], %swap3A_86 {strides = array<i32>} : memref<64x128xf32, #tpu.memory_space<vmem>>, vector<1x16xf32>,
    }
    %scan3A_6 = arith.constant 64 : i32
    %mul3A_7 = arith.constant 640 : i32
    %mul3A_8 = arith.muli %arg1, %mul3A_7 : i32
    %add3A_9 = arith.constant 0 : i32
    %add3A_10 = arith.addi %mul3A_8, %add3A_9 : i32
    "tpu.region"() ({
      %run_scoped3A = tpu.sem_alloc : memref<!tpu.dma_semaphore, #tpu.memory_space<semaphore_mem>>
      %dma_start3A = arith.constant 0 : i32
      %dma_start3A_47 = tpu.memref_slice %arg10[%add3A_10, %dma_start3A] : memref<10240x128xf32, #tpu.memory_space<vmem_shared>> -> memref<64x128xf32, #tpu.memory_space<vmem_shared>>
      %dma_start3A_48 = arith.constant 0 : i32
      %dma_start3A_49 = tpu.memref_slice %arg10[%add3A_10, %dma_start3A_48] : memref<10240x128xf32, #tpu.memory_space<vmem_shared>> -> memref<64x128xf32, #tpu.memory_space<vmem_shared>>
      tpu.enqueue_dma source(%arg5 : memref<64x128xf32, #tpu.memory_space<vmem>>) target(%dma_start3A_49 : memref<64x128xf32, #tpu.memory_space<vmem_shared>>) target_semaphore(%run_scoped3A : memref<!tpu.dma_semaphore, #tpu.memory_space<semaphore_mem>>)
      %dma_wait3A = arith.constant 0 : i32
      %dma_wait3A_50 = tpu.memref_slice %arg10[%add3A_10, %dma_wait3A] : memref<10240x128xf32, #tpu.memory_space<vmem_shared>> -> memref<64x128xf32, #tpu.memory_space<vmem_shared>>
      %dma_wait3A_51 = arith.constant 0 : i32
      %dma_wait3A_52 = tpu.memref_slice %arg10[%add3A_10, %dma_wait3A_51] : memref<10240x128xf32, #tpu.memory_space<vmem_shared>> -> memref<64x128xf32, #tpu.memory_space<vmem_shared>>
      tpu.wait_dma2 semaphore(%run_scoped3A : memref<!tpu.dma_semaphore, #tpu.memory_space<semaphore_mem>>) src(%arg5 : memref<64x128xf32, #tpu.memory_space<vmem>>) dst(%dma_wait3A_52 : memref<64x128xf32, #tpu.memory_space<vmem_shared>>)
      tpu.yield
    }) : () -> ()
    %add3A_11 = arith.constant 64 : i32
    %add3A_12 = arith.addi %mul3A_8, %add3A_11 : i32
    "tpu.region"() ({
      %run_scoped3A = tpu.sem_alloc : memref<!tpu.dma_semaphore, #tpu.memory_space<semaphore_mem>>
      %dma_start3A = arith.constant 0 : i32
      %dma_start3A_47 = tpu.memref_slice %arg10[%add3A_12, %dma_start3A] : memref<10240x128xf32, #tpu.memory_space<vmem_shared>> -> memref<64x128xf32, #tpu.memory_space<vmem_shared>>
      %dma_start3A_48 = arith.constant 0 : i32
      %dma_start3A_49 = tpu.memref_slice %arg10[%add3A_12, %dma_start3A_48] : memref<10240x128xf32, #tpu.memory_space<vmem_shared>> -> memref<64x128xf32, #tpu.memory_space<vmem_shared>>
      tpu.enqueue_dma source(%arg5 : memref<64x128xf32, #tpu.memory_space<vmem>>) target(%dma_start3A_49 : memref<64x128xf32, #tpu.memory_space<vmem_shared>>) target_semaphore(%run_scoped3A : memref<!tpu.dma_semaphore, #tpu.memory_space<semaphore_mem>>)
      %dma_wait3A = arith.constant 0 : i32
      %dma_wait3A_50 = tpu.memref_slice %arg10[%add3A_12, %dma_wait3A] : memref<10240x128xf32, #tpu.memory_space<vmem_shared>> -> memref<64x128xf32, #tpu.memory_space<vmem_shared>>
      %dma_wait3A_51 = arith.constant 0 : i32
      %dma_wait3A_52 = tpu.memref_slice %arg10[%add3A_12, %dma_wait3A_51] : memref<10240x128xf32, #tpu.memory_space<vmem_shared>> -> memref<64x128xf32, #tpu.memory_space<vmem_shared>>
      tpu.wait_dma2 semaphore(%run_scoped3A : memref<!tpu.dma_semaphore, #tpu.memory_space<semaphore_mem>>) src(%arg5 : memref<64x128xf32, #tpu.memory_space<vmem>>) dst(%dma_wait3A_52 : memref<64x128xf32, #tpu.memory_space<vmem_shared>>)
      tpu.yield
    }) : () -> ()
    %add3A_13 = arith.constant 128 : i32
    %add3A_14 = arith.addi %mul3A_8, %add3A_13 : i32
    "tpu.region"() ({
      %run_scoped3A = tpu.sem_alloc : memref<!tpu.dma_semaphore, #tpu.memory_space<semaphore_mem>>
      %dma_start3A = arith.constant 0 : i32
      %dma_start3A_47 = tpu.memref_slice %arg10[%add3A_14, %dma_start3A] : memref<10240x128xf32, #tpu.memory_space<vmem_shared>> -> memref<64x128xf32, #tpu.memory_space<vmem_shared>>
      %dma_start3A_48 = arith.constant 0 : i32
      %dma_start3A_49 = tpu.memref_slice %arg10[%add3A_14, %dma_start3A_48] : memref<10240x128xf32, #tpu.memory_space<vmem_shared>> -> memref<64x128xf32, #tpu.memory_space<vmem_shared>>
      tpu.enqueue_dma source(%arg5 : memref<64x128xf32, #tpu.memory_space<vmem>>) target(%dma_start3A_49 : memref<64x128xf32, #tpu.memory_space<vmem_shared>>) target_semaphore(%run_scoped3A : memref<!tpu.dma_semaphore, #tpu.memory_space<semaphore_mem>>)
      %dma_wait3A = arith.constant 0 : i32
      %dma_wait3A_50 = tpu.memref_slice %arg10[%add3A_14, %dma_wait3A] : memref<10240x128xf32, #tpu.memory_space<vmem_shared>> -> memref<64x128xf32, #tpu.memory_space<vmem_shared>>
      %dma_wait3A_51 = arith.constant 0 : i32
      %dma_wait3A_52 = tpu.memref_slice %arg10[%add3A_14, %dma_wait3A_51] : memref<10240x128xf32, #tpu.memory_space<vmem_shared>> -> memref<64x128xf32, #tpu.memory_space<vmem_shared>>
      tpu.wait_dma2 semaphore(%run_scoped3A : memref<!tpu.dma_semaphore, #tpu.memory_space<semaphore_mem>>) src(%arg5 : memref<64x128xf32, #tpu.memory_space<vmem>>) dst(%dma_wait3A_52 : memref<64x128xf32, #tpu.memory_space<vmem_shared>>)
      tpu.yield
    }) : () -> ()
    %add3A_15 = arith.constant 192 : i32
    %add3A_16 = arith.addi %mul3A_8, %add3A_15 : i32
    "tpu.region"() ({
      %run_scoped3A = tpu.sem_alloc : memref<!tpu.dma_semaphore, #tpu.memory_space<semaphore_mem>>
      %dma_start3A = arith.constant 0 : i32
      %dma_start3A_47 = tpu.memref_slice %arg10[%add3A_16, %dma_start3A] : memref<10240x128xf32, #tpu.memory_space<vmem_shared>> -> memref<64x128xf32, #tpu.memory_space<vmem_shared>>
      %dma_start3A_48 = arith.constant 0 : i32
      %dma_start3A_49 = tpu.memref_slice %arg10[%add3A_16, %dma_start3A_48] : memref<10240x128xf32, #tpu.memory_space<vmem_shared>> -> memref<64x128xf32, #tpu.memory_space<vmem_shared>>
      tpu.enqueue_dma source(%arg5 : memref<64x128xf32, #tpu.memory_space<vmem>>) target(%dma_start3A_49 : memref<64x128xf32, #tpu.memory_space<vmem_shared>>) target_semaphore(%run_scoped3A : memref<!tpu.dma_semaphore, #tpu.memory_space<semaphore_mem>>)
      %dma_wait3A = arith.constant 0 : i32
      %dma_wait3A_50 = tpu.memref_slice %arg10[%add3A_16, %dma_wait3A] : memref<10240x128xf32, #tpu.memory_space<vmem_shared>> -> memref<64x128xf32, #tpu.memory_space<vmem_shared>>
      %dma_wait3A_51 = arith.constant 0 : i32
      %dma_wait3A_52 = tpu.memref_slice %arg10[%add3A_16, %dma_wait3A_51] : memref<10240x128xf32, #tpu.memory_space<vmem_shared>> -> memref<64x128xf32, #tpu.memory_space<vmem_shared>>
      tpu.wait_dma2 semaphore(%run_scoped3A : memref<!tpu.dma_semaphore, #tpu.memory_space<semaphore_mem>>) src(%arg5 : memref<64x128xf32, #tpu.memory_space<vmem>>) dst(%dma_wait3A_52 : memref<64x128xf32, #tpu.memory_space<vmem_shared>>)
      tpu.yield
    }) : () -> ()
    %add3A_17 = arith.constant 256 : i32
    %add3A_18 = arith.addi %mul3A_8, %add3A_17 : i32
    "tpu.region"() ({
      %run_scoped3A = tpu.sem_alloc : memref<!tpu.dma_semaphore, #tpu.memory_space<semaphore_mem>>
      %dma_start3A = arith.constant 0 : i32
      %dma_start3A_47 = tpu.memref_slice %arg10[%add3A_18, %dma_start3A] : memref<10240x128xf32, #tpu.memory_space<vmem_shared>> -> memref<64x128xf32, #tpu.memory_space<vmem_shared>>
      %dma_start3A_48 = arith.constant 0 : i32
      %dma_start3A_49 = tpu.memref_slice %arg10[%add3A_18, %dma_start3A_48] : memref<10240x128xf32, #tpu.memory_space<vmem_shared>> -> memref<64x128xf32, #tpu.memory_space<vmem_shared>>
      tpu.enqueue_dma source(%arg5 : memref<64x128xf32, #tpu.memory_space<vmem>>) target(%dma_start3A_49 : memref<64x128xf32, #tpu.memory_space<vmem_shared>>) target_semaphore(%run_scoped3A : memref<!tpu.dma_semaphore, #tpu.memory_space<semaphore_mem>>)
      %dma_wait3A = arith.constant 0 : i32
      %dma_wait3A_50 = tpu.memref_slice %arg10[%add3A_18, %dma_wait3A] : memref<10240x128xf32, #tpu.memory_space<vmem_shared>> -> memref<64x128xf32, #tpu.memory_space<vmem_shared>>
      %dma_wait3A_51 = arith.constant 0 : i32
      %dma_wait3A_52 = tpu.memref_slice %arg10[%add3A_18, %dma_wait3A_51] : memref<10240x128xf32, #tpu.memory_space<vmem_shared>> -> memref<64x128xf32, #tpu.memory_space<vmem_shared>>
      tpu.wait_dma2 semaphore(%run_scoped3A : memref<!tpu.dma_semaphore, #tpu.memory_space<semaphore_mem>>) src(%arg5 : memref<64x128xf32, #tpu.memory_space<vmem>>) dst(%dma_wait3A_52 : memref<64x128xf32, #tpu.memory_space<vmem_shared>>)
      tpu.yield
    }) : () -> ()
    %add3A_19 = arith.constant 320 : i32
    %add3A_20 = arith.addi %mul3A_8, %add3A_19 : i32
    "tpu.region"() ({
      %run_scoped3A = tpu.sem_alloc : memref<!tpu.dma_semaphore, #tpu.memory_space<semaphore_mem>>
      %dma_start3A = arith.constant 0 : i32
      %dma_start3A_47 = tpu.memref_slice %arg10[%add3A_20, %dma_start3A] : memref<10240x128xf32, #tpu.memory_space<vmem_shared>> -> memref<64x128xf32, #tpu.memory_space<vmem_shared>>
      %dma_start3A_48 = arith.constant 0 : i32
      %dma_start3A_49 = tpu.memref_slice %arg10[%add3A_20, %dma_start3A_48] : memref<10240x128xf32, #tpu.memory_space<vmem_shared>> -> memref<64x128xf32, #tpu.memory_space<vmem_shared>>
      tpu.enqueue_dma source(%arg5 : memref<64x128xf32, #tpu.memory_space<vmem>>) target(%dma_start3A_49 : memref<64x128xf32, #tpu.memory_space<vmem_shared>>) target_semaphore(%run_scoped3A : memref<!tpu.dma_semaphore, #tpu.memory_space<semaphore_mem>>)
      %dma_wait3A = arith.constant 0 : i32
      %dma_wait3A_50 = tpu.memref_slice %arg10[%add3A_20, %dma_wait3A] : memref<10240x128xf32, #tpu.memory_space<vmem_shared>> -> memref<64x128xf32, #tpu.memory_space<vmem_shared>>
      %dma_wait3A_51 = arith.constant 0 : i32
      %dma_wait3A_52 = tpu.memref_slice %arg10[%add3A_20, %dma_wait3A_51] : memref<10240x128xf32, #tpu.memory_space<vmem_shared>> -> memref<64x128xf32, #tpu.memory_space<vmem_shared>>
      tpu.wait_dma2 semaphore(%run_scoped3A : memref<!tpu.dma_semaphore, #tpu.memory_space<semaphore_mem>>) src(%arg5 : memref<64x128xf32, #tpu.memory_space<vmem>>) dst(%dma_wait3A_52 : memref<64x128xf32, #tpu.memory_space<vmem_shared>>)
      tpu.yield
    }) : () -> ()
    %add3A_21 = arith.constant 384 : i32
    %add3A_22 = arith.addi %mul3A_8, %add3A_21 : i32
    "tpu.region"() ({
      %run_scoped3A = tpu.sem_alloc : memref<!tpu.dma_semaphore, #tpu.memory_space<semaphore_mem>>
      %dma_start3A = arith.constant 0 : i32
      %dma_start3A_47 = tpu.memref_slice %arg10[%add3A_22, %dma_start3A] : memref<10240x128xf32, #tpu.memory_space<vmem_shared>> -> memref<64x128xf32, #tpu.memory_space<vmem_shared>>
      %dma_start3A_48 = arith.constant 0 : i32
      %dma_start3A_49 = tpu.memref_slice %arg10[%add3A_22, %dma_start3A_48] : memref<10240x128xf32, #tpu.memory_space<vmem_shared>> -> memref<64x128xf32, #tpu.memory_space<vmem_shared>>
      tpu.enqueue_dma source(%arg5 : memref<64x128xf32, #tpu.memory_space<vmem>>) target(%dma_start3A_49 : memref<64x128xf32, #tpu.memory_space<vmem_shared>>) target_semaphore(%run_scoped3A : memref<!tpu.dma_semaphore, #tpu.memory_space<semaphore_mem>>)
      %dma_wait3A = arith.constant 0 : i32
      %dma_wait3A_50 = tpu.memref_slice %arg10[%add3A_22, %dma_wait3A] : memref<10240x128xf32, #tpu.memory_space<vmem_shared>> -> memref<64x128xf32, #tpu.memory_space<vmem_shared>>
      %dma_wait3A_51 = arith.constant 0 : i32
      %dma_wait3A_52 = tpu.memref_slice %arg10[%add3A_22, %dma_wait3A_51] : memref<10240x128xf32, #tpu.memory_space<vmem_shared>> -> memref<64x128xf32, #tpu.memory_space<vmem_shared>>
      tpu.wait_dma2 semaphore(%run_scoped3A : memref<!tpu.dma_semaphore, #tpu.memory_space<semaphore_mem>>) src(%arg5 : memref<64x128xf32, #tpu.memory_space<vmem>>) dst(%dma_wait3A_52 : memref<64x128xf32, #tpu.memory_space<vmem_shared>>)
      tpu.yield
    }) : () -> ()
    %add3A_23 = arith.constant 448 : i32
    %add3A_24 = arith.addi %mul3A_8, %add3A_23 : i32
    "tpu.region"() ({
      %run_scoped3A = tpu.sem_alloc : memref<!tpu.dma_semaphore, #tpu.memory_space<semaphore_mem>>
      %dma_start3A = arith.constant 0 : i32
      %dma_start3A_47 = tpu.memref_slice %arg10[%add3A_24, %dma_start3A] : memref<10240x128xf32, #tpu.memory_space<vmem_shared>> -> memref<64x128xf32, #tpu.memory_space<vmem_shared>>
      %dma_start3A_48 = arith.constant 0 : i32
      %dma_start3A_49 = tpu.memref_slice %arg10[%add3A_24, %dma_start3A_48] : memref<10240x128xf32, #tpu.memory_space<vmem_shared>> -> memref<64x128xf32, #tpu.memory_space<vmem_shared>>
      tpu.enqueue_dma source(%arg5 : memref<64x128xf32, #tpu.memory_space<vmem>>) target(%dma_start3A_49 : memref<64x128xf32, #tpu.memory_space<vmem_shared>>) target_semaphore(%run_scoped3A : memref<!tpu.dma_semaphore, #tpu.memory_space<semaphore_mem>>)
      %dma_wait3A = arith.constant 0 : i32
      %dma_wait3A_50 = tpu.memref_slice %arg10[%add3A_24, %dma_wait3A] : memref<10240x128xf32, #tpu.memory_space<vmem_shared>> -> memref<64x128xf32, #tpu.memory_space<vmem_shared>>
      %dma_wait3A_51 = arith.constant 0 : i32
      %dma_wait3A_52 = tpu.memref_slice %arg10[%add3A_24, %dma_wait3A_51] : memref<10240x128xf32, #tpu.memory_space<vmem_shared>> -> memref<64x128xf32, #tpu.memory_space<vmem_shared>>
      tpu.wait_dma2 semaphore(%run_scoped3A : memref<!tpu.dma_semaphore, #tpu.memory_space<semaphore_mem>>) src(%arg5 : memref<64x128xf32, #tpu.memory_space<vmem>>) dst(%dma_wait3A_52 : memref<64x128xf32, #tpu.memory_space<vmem_shared>>)
      tpu.yield
    }) : () -> ()
    %add3A_25 = arith.constant 512 : i32
    %add3A_26 = arith.addi %mul3A_8, %add3A_25 : i32
    "tpu.region"() ({
      %run_scoped3A = tpu.sem_alloc : memref<!tpu.dma_semaphore, #tpu.memory_space<semaphore_mem>>
      %dma_start3A = arith.constant 0 : i32
      %dma_start3A_47 = tpu.memref_slice %arg10[%add3A_26, %dma_start3A] : memref<10240x128xf32, #tpu.memory_space<vmem_shared>> -> memref<64x128xf32, #tpu.memory_space<vmem_shared>>
      %dma_start3A_48 = arith.constant 0 : i32
      %dma_start3A_49 = tpu.memref_slice %arg10[%add3A_26, %dma_start3A_48] : memref<10240x128xf32, #tpu.memory_space<vmem_shared>> -> memref<64x128xf32, #tpu.memory_space<vmem_shared>>
      tpu.enqueue_dma source(%arg5 : memref<64x128xf32, #tpu.memory_space<vmem>>) target(%dma_start3A_49 : memref<64x128xf32, #tpu.memory_space<vmem_shared>>) target_semaphore(%run_scoped3A : memref<!tpu.dma_semaphore, #tpu.memory_space<semaphore_mem>>)
      %dma_wait3A = arith.constant 0 : i32
      %dma_wait3A_50 = tpu.memref_slice %arg10[%add3A_26, %dma_wait3A] : memref<10240x128xf32, #tpu.memory_space<vmem_shared>> -> memref<64x128xf32, #tpu.memory_space<vmem_shared>>
      %dma_wait3A_51 = arith.constant 0 : i32
      %dma_wait3A_52 = tpu.memref_slice %arg10[%add3A_26, %dma_wait3A_51] : memref<10240x128xf32, #tpu.memory_space<vmem_shared>> -> memref<64x128xf32, #tpu.memory_space<vmem_shared>>
      tpu.wait_dma2 semaphore(%run_scoped3A : memref<!tpu.dma_semaphore, #tpu.memory_space<semaphore_mem>>) src(%arg5 : memref<64x128xf32, #tpu.memory_space<vmem>>) dst(%dma_wait3A_52 : memref<64x128xf32, #tpu.memory_space<vmem_shared>>)
      tpu.yield
    }) : () -> ()
    %add3A_27 = arith.constant 576 : i32
    %add3A_28 = arith.addi %mul3A_8, %add3A_27 : i32
    "tpu.region"() ({
      %run_scoped3A = tpu.sem_alloc : memref<!tpu.dma_semaphore, #tpu.memory_space<semaphore_mem>>
      %dma_start3A = arith.constant 0 : i32
      %dma_start3A_47 = tpu.memref_slice %arg10[%add3A_28, %dma_start3A] : memref<10240x128xf32, #tpu.memory_space<vmem_shared>> -> memref<64x128xf32, #tpu.memory_space<vmem_shared>>
      %dma_start3A_48 = arith.constant 0 : i32
      %dma_start3A_49 = tpu.memref_slice %arg10[%add3A_28, %dma_start3A_48] : memref<10240x128xf32, #tpu.memory_space<vmem_shared>> -> memref<64x128xf32, #tpu.memory_space<vmem_shared>>
      tpu.enqueue_dma source(%arg5 : memref<64x128xf32, #tpu.memory_space<vmem>>) target(%dma_start3A_49 : memref<64x128xf32, #tpu.memory_space<vmem_shared>>) target_semaphore(%run_scoped3A : memref<!tpu.dma_semaphore, #tpu.memory_space<semaphore_mem>>)
      %dma_wait3A = arith.constant 0 : i32
      %dma_wait3A_50 = tpu.memref_slice %arg10[%add3A_28, %dma_wait3A] : memref<10240x128xf32, #tpu.memory_space<vmem_shared>> -> memref<64x128xf32, #tpu.memory_space<vmem_shared>>
      %dma_wait3A_51 = arith.constant 0 : i32
      %dma_wait3A_52 = tpu.memref_slice %arg10[%add3A_28, %dma_wait3A_51] : memref<10240x128xf32, #tpu.memory_space<vmem_shared>> -> memref<64x128xf32, #tpu.memory_space<vmem_shared>>
      tpu.wait_dma2 semaphore(%run_scoped3A : memref<!tpu.dma_semaphore, #tpu.memory_space<semaphore_mem>>) src(%arg5 : memref<64x128xf32, #tpu.memory_space<vmem>>) dst(%dma_wait3A_52 : memref<64x128xf32, #tpu.memory_space<vmem_shared>>)
      tpu.yield
    }) : () -> ()
    %barrier3A = arith.constant 0 : index
    tpu.barrier barrier_id(%barrier3A)
    %mul3A_29 = arith.constant 19 : i32
    %mul3A_30 = arith.muli %add3A, %mul3A_29 : i32
    %min3A = arith.constant 17 : i32
    %min3A_31 = arith.minsi %add3A, %min3A : i32
    %add3A_32 = arith.addi %mul3A_30, %min3A_31 : i32
    %scan3A_33 = arith.constant 0 : i32
    %scan3A_34 = arith.constant 0 : i32
    %scan3A_35 = arith.constant 19 : i32
    %scan3A_36 = arith.addi %scan3A_34, %scan3A_35 : i32
    %scan3A_37 = arith.constant 1 : i32
    scf.for %scan3A_47 = %scan3A_34 to %scan3A_36 step %scan3A_37  : i32 {
      %add3A_48 = arith.addi %add3A_32, %scan3A_47 : i32
      "tpu.region"() ({
        %run_scoped3A_164 = tpu.sem_alloc : memref<!tpu.dma_semaphore, #tpu.memory_space<semaphore_mem>>
        %dma_start3A_165 = arith.constant 0 : i32
        %dma_start3A_166 = arith.constant 0 : i32
        %dma_start3A_167 = tpu.memref_slice %arg3[%add3A_48, %dma_start3A_165, %dma_start3A_166] : memref<625x8x64xi32, #tpu.memory_space<hbm>> -> memref<1x8x64xi32, #tpu.memory_space<hbm>>
        %dma_start3A_168 = tpu.memref_squeeze %dma_start3A_167 : memref<1x8x64xi32, #tpu.memory_space<hbm>> -> memref<8x64xi32, #tpu.memory_space<hbm>>
        %dma_start3A_169 = arith.constant 0 : i32
        %dma_start3A_170 = arith.constant 0 : i32
        %dma_start3A_171 = tpu.memref_slice %arg3[%add3A_48, %dma_start3A_169, %dma_start3A_170] : memref<625x8x64xi32, #tpu.memory_space<hbm>> -> memref<1x8x64xi32, #tpu.memory_space<hbm>>
        %dma_start3A_172 = tpu.memref_squeeze %dma_start3A_171 : memref<1x8x64xi32, #tpu.memory_space<hbm>> -> memref<8x64xi32, #tpu.memory_space<hbm>>
        tpu.enqueue_dma source(%dma_start3A_172 : memref<8x64xi32, #tpu.memory_space<hbm>>) target(%arg7 : memref<8x64xi32, #tpu.memory_space<vmem>>) target_semaphore(%run_scoped3A_164 : memref<!tpu.dma_semaphore, #tpu.memory_space<semaphore_mem>>)
        %dma_wait3A_173 = arith.constant 0 : i32
        %dma_wait3A_174 = arith.constant 0 : i32
        %dma_wait3A_175 = tpu.memref_slice %arg3[%add3A_48, %dma_wait3A_173, %dma_wait3A_174] : memref<625x8x64xi32, #tpu.memory_space<hbm>> -> memref<1x8x64xi32, #tpu.memory_space<hbm>>
        %dma_wait3A_176 = tpu.memref_squeeze %dma_wait3A_175 : memref<1x8x64xi32, #tpu.memory_space<hbm>> -> memref<8x64xi32, #tpu.memory_space<hbm>>
        %dma_wait3A_177 = arith.constant 0 : i32
        %dma_wait3A_178 = arith.constant 0 : i32
        %dma_wait3A_179 = tpu.memref_slice %arg3[%add3A_48, %dma_wait3A_177, %dma_wait3A_178] : memref<625x8x64xi32, #tpu.memory_space<hbm>> -> memref<1x8x64xi32, #tpu.memory_space<hbm>>
        %dma_wait3A_180 = tpu.memref_squeeze %dma_wait3A_179 : memref<1x8x64xi32, #tpu.memory_space<hbm>> -> memref<8x64xi32, #tpu.memory_space<hbm>>
        tpu.wait_dma2 semaphore(%run_scoped3A_164 : memref<!tpu.dma_semaphore, #tpu.memory_space<semaphore_mem>>) src(%dma_wait3A_180 : memref<8x64xi32, #tpu.memory_space<hbm>>) dst(%arg7 : memref<8x64xi32, #tpu.memory_space<vmem>>)
        tpu.yield
      }) : () -> ()
      %mul3A_49 = arith.constant 8 : i32
      %mul3A_50 = arith.muli %add3A_48, %mul3A_49 : i32
      %mul3A_51 = arith.constant 64 : i32
      %mul3A_52 = arith.muli %mul3A_50, %mul3A_51 : i32
      %dma_start3A = arith.constant 0 : i32
      %dma_start3A_53 = tpu.memref_slice %arg2[%mul3A_52, %dma_start3A] : memref<320000x128xf32, #tpu.memory_space<hbm>> -> memref<64x128xf32, #tpu.memory_space<hbm>>
      %dma_start3A_54 = arith.constant 0 : i32
      %dma_start3A_55 = tpu.memref_slice %arg2[%mul3A_52, %dma_start3A_54] : memref<320000x128xf32, #tpu.memory_space<hbm>> -> memref<64x128xf32, #tpu.memory_space<hbm>>
      tpu.enqueue_dma source(%dma_start3A_55 : memref<64x128xf32, #tpu.memory_space<hbm>>) target(%arg5 : memref<64x128xf32, #tpu.memory_space<vmem>>) target_semaphore(%arg8 : memref<!tpu.dma_semaphore, #tpu.memory_space<semaphore_mem>>)
      %add3A_56 = arith.constant 0 : i32
      %add3A_57 = arith.addi %mul3A_50, %add3A_56 : i32
      %add3A_58 = arith.constant 1 : i32
      %add3A_59 = arith.addi %add3A_57, %add3A_58 : i32
      %mul3A_60 = arith.constant 64 : i32
      %mul3A_61 = arith.muli %add3A_59, %mul3A_60 : i32
      %dma_start3A_62 = arith.constant 0 : i32
      %dma_start3A_63 = tpu.memref_slice %arg2[%mul3A_61, %dma_start3A_62] : memref<320000x128xf32, #tpu.memory_space<hbm>> -> memref<64x128xf32, #tpu.memory_space<hbm>>
      %dma_start3A_64 = arith.constant 0 : i32
      %dma_start3A_65 = tpu.memref_slice %arg2[%mul3A_61, %dma_start3A_64] : memref<320000x128xf32, #tpu.memory_space<hbm>> -> memref<64x128xf32, #tpu.memory_space<hbm>>
      tpu.enqueue_dma source(%dma_start3A_65 : memref<64x128xf32, #tpu.memory_space<hbm>>) target(%arg6 : memref<64x128xf32, #tpu.memory_space<vmem>>) target_semaphore(%arg9 : memref<!tpu.dma_semaphore, #tpu.memory_space<semaphore_mem>>)
      %dma_wait3A = arith.constant 0 : i32
      %dma_wait3A_66 = tpu.memref_slice %arg2[%mul3A_52, %dma_wait3A] : memref<320000x128xf32, #tpu.memory_space<hbm>> -> memref<64x128xf32, #tpu.memory_space<hbm>>
      %dma_wait3A_67 = arith.constant 0 : i32
      %dma_wait3A_68 = tpu.memref_slice %arg2[%mul3A_52, %dma_wait3A_67] : memref<320000x128xf32, #tpu.memory_space<hbm>> -> memref<64x128xf32, #tpu.memory_space<hbm>>
      tpu.wait_dma2 semaphore(%arg8 : memref<!tpu.dma_semaphore, #tpu.memory_space<semaphore_mem>>) src(%dma_wait3A_68 : memref<64x128xf32, #tpu.memory_space<hbm>>) dst(%arg5 : memref<64x128xf32, #tpu.memory_space<vmem>>)
      %run_scoped3A = arith.constant 0 : i32
      "tpu.region"() ({
        %run_scoped3A_164 = tpu.sem_alloc : memref<!tpu.dma_semaphore, #tpu.memory_space<semaphore_mem>>
        %dma_start3A_165 = arith.constant 0 : i32
        %dma_start3A_166 = tpu.memref_slice %arg7[%run_scoped3A, %dma_start3A_165] : memref<8x64xi32, #tpu.memory_space<vmem>> -> memref<1x64xi32, #tpu.memory_space<vmem>>
        %dma_start3A_167 = tpu.memref_squeeze %dma_start3A_166 : memref<1x64xi32, #tpu.memory_space<vmem>> -> memref<64xi32, #tpu.memory_space<vmem>>
        %dma_start3A_168 = arith.constant 0 : i32
        %dma_start3A_169 = arith.constant 0 : i32
        %dma_start3A_170 = tpu.memref_slice %arg10[%dma_start3A_168, %dma_start3A_169] : memref<10240x128xf32, #tpu.memory_space<vmem_shared>> -> memref<10240x128xf32, #tpu.memory_space<vmem_shared>>
        tpu.enqueue_indirect_dma source(%arg5 : memref<64x128xf32, #tpu.memory_space<vmem>>) target(%dma_start3A_170 : memref<10240x128xf32, #tpu.memory_space<vmem_shared>>) offsets(%dma_start3A_167 : memref<64xi32, #tpu.memory_space<vmem>>) semaphore(%run_scoped3A_164 : memref<!tpu.dma_semaphore, #tpu.memory_space<semaphore_mem>>) {add = true}
        %dma_wait3A_171 = arith.constant 0 : i32
        %dma_wait3A_172 = tpu.memref_slice %arg7[%run_scoped3A, %dma_wait3A_171] : memref<8x64xi32, #tpu.memory_space<vmem>> -> memref<1x64xi32, #tpu.memory_space<vmem>>
        %dma_wait3A_173 = tpu.memref_squeeze %dma_wait3A_172 : memref<1x64xi32, #tpu.memory_space<vmem>> -> memref<64xi32, #tpu.memory_space<vmem>>
        %dma_wait3A_174 = arith.constant 0 : i32
        %dma_wait3A_175 = arith.constant 0 : i32
        %dma_wait3A_176 = tpu.memref_slice %arg10[%dma_wait3A_174, %dma_wait3A_175] : memref<10240x128xf32, #tpu.memory_space<vmem_shared>> -> memref<10240x128xf32, #tpu.memory_space<vmem_shared>>
        tpu.wait_indirect_dma semaphore(%run_scoped3A_164 : memref<!tpu.dma_semaphore, #tpu.memory_space<semaphore_mem>>) src(%arg5 : memref<64x128xf32, #tpu.memory_space<vmem>>) dst(%dma_wait3A_176 : memref<10240x128xf32, #tpu.memory_space<vmem_shared>>)
        tpu.yield
      }) : () -> ()
      %add3A_69 = arith.constant 1 : i32
      %add3A_70 = arith.addi %mul3A_50, %add3A_69 : i32
      %add3A_71 = arith.constant 1 : i32
      %add3A_72 = arith.addi %add3A_70, %add3A_71 : i32
      %mul3A_73 = arith.constant 64 : i32
      %mul3A_74 = arith.muli %add3A_72, %mul3A_73 : i32
      %dma_start3A_75 = arith.constant 0 : i32
      %dma_start3A_76 = tpu.memref_slice %arg2[%mul3A_74, %dma_start3A_75] : memref<320000x128xf32, #tpu.memory_space<hbm>> -> memref<64x128xf32, #tpu.memory_space<hbm>>
      %dma_start3A_77 = arith.constant 0 : i32
      %dma_start3A_78 = tpu.memref_slice %arg2[%mul3A_74, %dma_start3A_77] : memref<320000x128xf32, #tpu.memory_space<hbm>> -> memref<64x128xf32, #tpu.memory_space<hbm>>
      tpu.enqueue_dma source(%dma_start3A_78 : memref<64x128xf32, #tpu.memory_space<hbm>>) target(%arg5 : memref<64x128xf32, #tpu.memory_space<vmem>>) target_semaphore(%arg8 : memref<!tpu.dma_semaphore, #tpu.memory_space<semaphore_mem>>)
      %dma_wait3A_79 = arith.constant 0 : i32
      %dma_wait3A_80 = tpu.memref_slice %arg2[%mul3A_61, %dma_wait3A_79] : memref<320000x128xf32, #tpu.memory_space<hbm>> -> memref<64x128xf32, #tpu.memory_space<hbm>>
      %dma_wait3A_81 = arith.constant 0 : i32
      %dma_wait3A_82 = tpu.memref_slice %arg2[%mul3A_61, %dma_wait3A_81] : memref<320000x128xf32, #tpu.memory_space<hbm>> -> memref<64x128xf32, #tpu.memory_space<hbm>>
      tpu.wait_dma2 semaphore(%arg9 : memref<!tpu.dma_semaphore, #tpu.memory_space<semaphore_mem>>) src(%dma_wait3A_82 : memref<64x128xf32, #tpu.memory_space<hbm>>) dst(%arg6 : memref<64x128xf32, #tpu.memory_space<vmem>>)
      %run_scoped3A_83 = arith.constant 1 : i32
      "tpu.region"() ({
        %run_scoped3A_164 = tpu.sem_alloc : memref<!tpu.dma_semaphore, #tpu.memory_space<semaphore_mem>>
        %dma_start3A_165 = arith.constant 0 : i32
        %dma_start3A_166 = tpu.memref_slice %arg7[%run_scoped3A_83, %dma_start3A_165] : memref<8x64xi32, #tpu.memory_space<vmem>> -> memref<1x64xi32, #tpu.memory_space<vmem>>
        %dma_start3A_167 = tpu.memref_squeeze %dma_start3A_166 : memref<1x64xi32, #tpu.memory_space<vmem>> -> memref<64xi32, #tpu.memory_space<vmem>>
        %dma_start3A_168 = arith.constant 0 : i32
        %dma_start3A_169 = arith.constant 0 : i32
        %dma_start3A_170 = tpu.memref_slice %arg10[%dma_start3A_168, %dma_start3A_169] : memref<10240x128xf32, #tpu.memory_space<vmem_shared>> -> memref<10240x128xf32, #tpu.memory_space<vmem_shared>>
        tpu.enqueue_indirect_dma source(%arg6 : memref<64x128xf32, #tpu.memory_space<vmem>>) target(%dma_start3A_170 : memref<10240x128xf32, #tpu.memory_space<vmem_shared>>) offsets(%dma_start3A_167 : memref<64xi32, #tpu.memory_space<vmem>>) semaphore(%run_scoped3A_164 : memref<!tpu.dma_semaphore, #tpu.memory_space<semaphore_mem>>) {add = true}
        %dma_wait3A_171 = arith.constant 0 : i32
        %dma_wait3A_172 = tpu.memref_slice %arg7[%run_scoped3A_83, %dma_wait3A_171] : memref<8x64xi32, #tpu.memory_space<vmem>> -> memref<1x64xi32, #tpu.memory_space<vmem>>
        %dma_wait3A_173 = tpu.memref_squeeze %dma_wait3A_172 : memref<1x64xi32, #tpu.memory_space<vmem>> -> memref<64xi32, #tpu.memory_space<vmem>>
        %dma_wait3A_174 = arith.constant 0 : i32
        %dma_wait3A_175 = arith.constant 0 : i32
        %dma_wait3A_176 = tpu.memref_slice %arg10[%dma_wait3A_174, %dma_wait3A_175] : memref<10240x128xf32, #tpu.memory_space<vmem_shared>> -> memref<10240x128xf32, #tpu.memory_space<vmem_shared>>
        tpu.wait_indirect_dma semaphore(%run_scoped3A_164 : memref<!tpu.dma_semaphore, #tpu.memory_space<semaphore_mem>>) src(%arg6 : memref<64x128xf32, #tpu.memory_space<vmem>>) dst(%dma_wait3A_176 : memref<10240x128xf32, #tpu.memory_space<vmem_shared>>)
        tpu.yield
      }) : () -> ()
      %add3A_84 = arith.constant 2 : i32
      %add3A_85 = arith.addi %mul3A_50, %add3A_84 : i32
      %add3A_86 = arith.constant 1 : i32
      %add3A_87 = arith.addi %add3A_85, %add3A_86 : i32
      %mul3A_88 = arith.constant 64 : i32
      %mul3A_89 = arith.muli %add3A_87, %mul3A_88 : i32
      %dma_start3A_90 = arith.constant 0 : i32
      %dma_start3A_91 = tpu.memref_slice %arg2[%mul3A_89, %dma_start3A_90] : memref<320000x128xf32, #tpu.memory_space<hbm>> -> memref<64x128xf32, #tpu.memory_space<hbm>>
      %dma_start3A_92 = arith.constant 0 : i32
      %dma_start3A_93 = tpu.memref_slice %arg2[%mul3A_89, %dma_start3A_92] : memref<320000x128xf32, #tpu.memory_space<hbm>> -> memref<64x128xf32, #tpu.memory_space<hbm>>
      tpu.enqueue_dma source(%dma_start3A_93 : memref<64x128xf32, #tpu.memory_space<hbm>>) target(%arg6 : memref<64x128xf32, #tpu.memory_space<vmem>>) target_semaphore(%arg9 : memref<!tpu.dma_semaphore, #tpu.memory_space<semaphore_mem>>)
      %dma_wait3A_94 = arith.constant 0 : i32
      %dma_wait3A_95 = tpu.memref_slice %arg2[%mul3A_74, %dma_wait3A_94] : memref<320000x128xf32, #tpu.memory_space<hbm>> -> memref<64x128xf32, #tpu.memory_space<hbm>>
      %dma_wait3A_96 = arith.constant 0 : i32
      %dma_wait3A_97 = tpu.memref_slice %arg2[%mul3A_74, %dma_wait3A_96] : memref<320000x128xf32, #tpu.memory_space<hbm>> -> memref<64x128xf32, #tpu.memory_space<hbm>>
      tpu.wait_dma2 semaphore(%arg8 : memref<!tpu.dma_semaphore, #tpu.memory_space<semaphore_mem>>) src(%dma_wait3A_97 : memref<64x128xf32, #tpu.memory_space<hbm>>) dst(%arg5 : memref<64x128xf32, #tpu.memory_space<vmem>>)
      %run_scoped3A_98 = arith.constant 2 : i32
      "tpu.region"() ({
        %run_scoped3A_164 = tpu.sem_alloc : memref<!tpu.dma_semaphore, #tpu.memory_space<semaphore_mem>>
        %dma_start3A_165 = arith.constant 0 : i32
        %dma_start3A_166 = tpu.memref_slice %arg7[%run_scoped3A_98, %dma_start3A_165] : memref<8x64xi32, #tpu.memory_space<vmem>> -> memref<1x64xi32, #tpu.memory_space<vmem>>
        %dma_start3A_167 = tpu.memref_squeeze %dma_start3A_166 : memref<1x64xi32, #tpu.memory_space<vmem>> -> memref<64xi32, #tpu.memory_space<vmem>>
        %dma_start3A_168 = arith.constant 0 : i32
        %dma_start3A_169 = arith.constant 0 : i32
        %dma_start3A_170 = tpu.memref_slice %arg10[%dma_start3A_168, %dma_start3A_169] : memref<10240x128xf32, #tpu.memory_space<vmem_shared>> -> memref<10240x128xf32, #tpu.memory_space<vmem_shared>>
        tpu.enqueue_indirect_dma source(%arg5 : memref<64x128xf32, #tpu.memory_space<vmem>>) target(%dma_start3A_170 : memref<10240x128xf32, #tpu.memory_space<vmem_shared>>) offsets(%dma_start3A_167 : memref<64xi32, #tpu.memory_space<vmem>>) semaphore(%run_scoped3A_164 : memref<!tpu.dma_semaphore, #tpu.memory_space<semaphore_mem>>) {add = true}
        %dma_wait3A_171 = arith.constant 0 : i32
        %dma_wait3A_172 = tpu.memref_slice %arg7[%run_scoped3A_98, %dma_wait3A_171] : memref<8x64xi32, #tpu.memory_space<vmem>> -> memref<1x64xi32, #tpu.memory_space<vmem>>
        %dma_wait3A_173 = tpu.memref_squeeze %dma_wait3A_172 : memref<1x64xi32, #tpu.memory_space<vmem>> -> memref<64xi32, #tpu.memory_space<vmem>>
        %dma_wait3A_174 = arith.constant 0 : i32
        %dma_wait3A_175 = arith.constant 0 : i32
        %dma_wait3A_176 = tpu.memref_slice %arg10[%dma_wait3A_174, %dma_wait3A_175] : memref<10240x128xf32, #tpu.memory_space<vmem_shared>> -> memref<10240x128xf32, #tpu.memory_space<vmem_shared>>
        tpu.wait_indirect_dma semaphore(%run_scoped3A_164 : memref<!tpu.dma_semaphore, #tpu.memory_space<semaphore_mem>>) src(%arg5 : memref<64x128xf32, #tpu.memory_space<vmem>>) dst(%dma_wait3A_176 : memref<10240x128xf32, #tpu.memory_space<vmem_shared>>)
        tpu.yield
      }) : () -> ()
      %add3A_99 = arith.constant 3 : i32
      %add3A_100 = arith.addi %mul3A_50, %add3A_99 : i32
      %add3A_101 = arith.constant 1 : i32
      %add3A_102 = arith.addi %add3A_100, %add3A_101 : i32
      %mul3A_103 = arith.constant 64 : i32
      %mul3A_104 = arith.muli %add3A_102, %mul3A_103 : i32
      %dma_start3A_105 = arith.constant 0 : i32
      %dma_start3A_106 = tpu.memref_slice %arg2[%mul3A_104, %dma_start3A_105] : memref<320000x128xf32, #tpu.memory_space<hbm>> -> memref<64x128xf32, #tpu.memory_space<hbm>>
      %dma_start3A_107 = arith.constant 0 : i32
      %dma_start3A_108 = tpu.memref_slice %arg2[%mul3A_104, %dma_start3A_107] : memref<320000x128xf32, #tpu.memory_space<hbm>> -> memref<64x128xf32, #tpu.memory_space<hbm>>
      tpu.enqueue_dma source(%dma_start3A_108 : memref<64x128xf32, #tpu.memory_space<hbm>>) target(%arg5 : memref<64x128xf32, #tpu.memory_space<vmem>>) target_semaphore(%arg8 : memref<!tpu.dma_semaphore, #tpu.memory_space<semaphore_mem>>)
      %dma_wait3A_109 = arith.constant 0 : i32
      %dma_wait3A_110 = tpu.memref_slice %arg2[%mul3A_89, %dma_wait3A_109] : memref<320000x128xf32, #tpu.memory_space<hbm>> -> memref<64x128xf32, #tpu.memory_space<hbm>>
      %dma_wait3A_111 = arith.constant 0 : i32
      %dma_wait3A_112 = tpu.memref_slice %arg2[%mul3A_89, %dma_wait3A_111] : memref<320000x128xf32, #tpu.memory_space<hbm>> -> memref<64x128xf32, #tpu.memory_space<hbm>>
      tpu.wait_dma2 semaphore(%arg9 : memref<!tpu.dma_semaphore, #tpu.memory_space<semaphore_mem>>) src(%dma_wait3A_112 : memref<64x128xf32, #tpu.memory_space<hbm>>) dst(%arg6 : memref<64x128xf32, #tpu.memory_space<vmem>>)
      %run_scoped3A_113 = arith.constant 3 : i32
      "tpu.region"() ({
        %run_scoped3A_164 = tpu.sem_alloc : memref<!tpu.dma_semaphore, #tpu.memory_space<semaphore_mem>>
        %dma_start3A_165 = arith.constant 0 : i32
        %dma_start3A_166 = tpu.memref_slice %arg7[%run_scoped3A_113, %dma_start3A_165] : memref<8x64xi32, #tpu.memory_space<vmem>> -> memref<1x64xi32, #tpu.memory_space<vmem>>
        %dma_start3A_167 = tpu.memref_squeeze %dma_start3A_166 : memref<1x64xi32, #tpu.memory_space<vmem>> -> memref<64xi32, #tpu.memory_space<vmem>>
        %dma_start3A_168 = arith.constant 0 : i32
        %dma_start3A_169 = arith.constant 0 : i32
        %dma_start3A_170 = tpu.memref_slice %arg10[%dma_start3A_168, %dma_start3A_169] : memref<10240x128xf32, #tpu.memory_space<vmem_shared>> -> memref<10240x128xf32, #tpu.memory_space<vmem_shared>>
        tpu.enqueue_indirect_dma source(%arg6 : memref<64x128xf32, #tpu.memory_space<vmem>>) target(%dma_start3A_170 : memref<10240x128xf32, #tpu.memory_space<vmem_shared>>) offsets(%dma_start3A_167 : memref<64xi32, #tpu.memory_space<vmem>>) semaphore(%run_scoped3A_164 : memref<!tpu.dma_semaphore, #tpu.memory_space<semaphore_mem>>) {add = true}
        %dma_wait3A_171 = arith.constant 0 : i32
        %dma_wait3A_172 = tpu.memref_slice %arg7[%run_scoped3A_113, %dma_wait3A_171] : memref<8x64xi32, #tpu.memory_space<vmem>> -> memref<1x64xi32, #tpu.memory_space<vmem>>
        %dma_wait3A_173 = tpu.memref_squeeze %dma_wait3A_172 : memref<1x64xi32, #tpu.memory_space<vmem>> -> memref<64xi32, #tpu.memory_space<vmem>>
        %dma_wait3A_174 = arith.constant 0 : i32
        %dma_wait3A_175 = arith.constant 0 : i32
        %dma_wait3A_176 = tpu.memref_slice %arg10[%dma_wait3A_174, %dma_wait3A_175] : memref<10240x128xf32, #tpu.memory_space<vmem_shared>> -> memref<10240x128xf32, #tpu.memory_space<vmem_shared>>
        tpu.wait_indirect_dma semaphore(%run_scoped3A_164 : memref<!tpu.dma_semaphore, #tpu.memory_space<semaphore_mem>>) src(%arg6 : memref<64x128xf32, #tpu.memory_space<vmem>>) dst(%dma_wait3A_176 : memref<10240x128xf32, #tpu.memory_space<vmem_shared>>)
        tpu.yield
      }) : () -> ()
      %add3A_114 = arith.constant 4 : i32
      %add3A_115 = arith.addi %mul3A_50, %add3A_114 : i32
      %add3A_116 = arith.constant 1 : i32
      %add3A_117 = arith.addi %add3A_115, %add3A_116 : i32
      %mul3A_118 = arith.constant 64 : i32
      %mul3A_119 = arith.muli %add3A_117, %mul3A_118 : i32
      %dma_start3A_120 = arith.constant 0 : i32
      %dma_start3A_121 = tpu.memref_slice %arg2[%mul3A_119, %dma_start3A_120] : memref<320000x128xf32, #tpu.memory_space<hbm>> -> memref<64x128xf32, #tpu.memory_space<hbm>>
      %dma_start3A_122 = arith.constant 0 : i32
      %dma_start3A_123 = tpu.memref_slice %arg2[%mul3A_119, %dma_start3A_122] : memref<320000x128xf32, #tpu.memory_space<hbm>> -> memref<64x128xf32, #tpu.memory_space<hbm>>
      tpu.enqueue_dma source(%dma_start3A_123 : memref<64x128xf32, #tpu.memory_space<hbm>>) target(%arg6 : memref<64x128xf32, #tpu.memory_space<vmem>>) target_semaphore(%arg9 : memref<!tpu.dma_semaphore, #tpu.memory_space<semaphore_mem>>)
      %dma_wait3A_124 = arith.constant 0 : i32
      %dma_wait3A_125 = tpu.memref_slice %arg2[%mul3A_104, %dma_wait3A_124] : memref<320000x128xf32, #tpu.memory_space<hbm>> -> memref<64x128xf32, #tpu.memory_space<hbm>>
      %dma_wait3A_126 = arith.constant 0 : i32
      %dma_wait3A_127 = tpu.memref_slice %arg2[%mul3A_104, %dma_wait3A_126] : memref<320000x128xf32, #tpu.memory_space<hbm>> -> memref<64x128xf32, #tpu.memory_space<hbm>>
      tpu.wait_dma2 semaphore(%arg8 : memref<!tpu.dma_semaphore, #tpu.memory_space<semaphore_mem>>) src(%dma_wait3A_127 : memref<64x128xf32, #tpu.memory_space<hbm>>) dst(%arg5 : memref<64x128xf32, #tpu.memory_space<vmem>>)
      %run_scoped3A_128 = arith.constant 4 : i32
      "tpu.region"() ({
        %run_scoped3A_164 = tpu.sem_alloc : memref<!tpu.dma_semaphore, #tpu.memory_space<semaphore_mem>>
        %dma_start3A_165 = arith.constant 0 : i32
        %dma_start3A_166 = tpu.memref_slice %arg7[%run_scoped3A_128, %dma_start3A_165] : memref<8x64xi32, #tpu.memory_space<vmem>> -> memref<1x64xi32, #tpu.memory_space<vmem>>
        %dma_start3A_167 = tpu.memref_squeeze %dma_start3A_166 : memref<1x64xi32, #tpu.memory_space<vmem>> -> memref<64xi32, #tpu.memory_space<vmem>>
        %dma_start3A_168 = arith.constant 0 : i32
        %dma_start3A_169 = arith.constant 0 : i32
        %dma_start3A_170 = tpu.memref_slice %arg10[%dma_start3A_168, %dma_start3A_169] : memref<10240x128xf32, #tpu.memory_space<vmem_shared>> -> memref<10240x128xf32, #tpu.memory_space<vmem_shared>>
        tpu.enqueue_indirect_dma source(%arg5 : memref<64x128xf32, #tpu.memory_space<vmem>>) target(%dma_start3A_170 : memref<10240x128xf32, #tpu.memory_space<vmem_shared>>) offsets(%dma_start3A_167 : memref<64xi32, #tpu.memory_space<vmem>>) semaphore(%run_scoped3A_164 : memref<!tpu.dma_semaphore, #tpu.memory_space<semaphore_mem>>) {add = true}
        %dma_wait3A_171 = arith.constant 0 : i32
        %dma_wait3A_172 = tpu.memref_slice %arg7[%run_scoped3A_128, %dma_wait3A_171] : memref<8x64xi32, #tpu.memory_space<vmem>> -> memref<1x64xi32, #tpu.memory_space<vmem>>
        %dma_wait3A_173 = tpu.memref_squeeze %dma_wait3A_172 : memref<1x64xi32, #tpu.memory_space<vmem>> -> memref<64xi32, #tpu.memory_space<vmem>>
        %dma_wait3A_174 = arith.constant 0 : i32
        %dma_wait3A_175 = arith.constant 0 : i32
        %dma_wait3A_176 = tpu.memref_slice %arg10[%dma_wait3A_174, %dma_wait3A_175] : memref<10240x128xf32, #tpu.memory_space<vmem_shared>> -> memref<10240x128xf32, #tpu.memory_space<vmem_shared>>
        tpu.wait_indirect_dma semaphore(%run_scoped3A_164 : memref<!tpu.dma_semaphore, #tpu.memory_space<semaphore_mem>>) src(%arg5 : memref<64x128xf32, #tpu.memory_space<vmem>>) dst(%dma_wait3A_176 : memref<10240x128xf32, #tpu.memory_space<vmem_shared>>)
        tpu.yield
      }) : () -> ()
      %add3A_129 = arith.constant 5 : i32
      %add3A_130 = arith.addi %mul3A_50, %add3A_129 : i32
      %add3A_131 = arith.constant 1 : i32
      %add3A_132 = arith.addi %add3A_130, %add3A_131 : i32
      %mul3A_133 = arith.constant 64 : i32
      %mul3A_134 = arith.muli %add3A_132, %mul3A_133 : i32
      %dma_start3A_135 = arith.constant 0 : i32
      %dma_start3A_136 = tpu.memref_slice %arg2[%mul3A_134, %dma_start3A_135] : memref<320000x128xf32, #tpu.memory_space<hbm>> -> memref<64x128xf32, #tpu.memory_space<hbm>>
      %dma_start3A_137 = arith.constant 0 : i32
      %dma_start3A_138 = tpu.memref_slice %arg2[%mul3A_134, %dma_start3A_137] : memref<320000x128xf32, #tpu.memory_space<hbm>> -> memref<64x128xf32, #tpu.memory_space<hbm>>
      tpu.enqueue_dma source(%dma_start3A_138 : memref<64x128xf32, #tpu.memory_space<hbm>>) target(%arg5 : memref<64x128xf32, #tpu.memory_space<vmem>>) target_semaphore(%arg8 : memref<!tpu.dma_semaphore, #tpu.memory_space<semaphore_mem>>)
      %dma_wait3A_139 = arith.constant 0 : i32
      %dma_wait3A_140 = tpu.memref_slice %arg2[%mul3A_119, %dma_wait3A_139] : memref<320000x128xf32, #tpu.memory_space<hbm>> -> memref<64x128xf32, #tpu.memory_space<hbm>>
      %dma_wait3A_141 = arith.constant 0 : i32
      %dma_wait3A_142 = tpu.memref_slice %arg2[%mul3A_119, %dma_wait3A_141] : memref<320000x128xf32, #tpu.memory_space<hbm>> -> memref<64x128xf32, #tpu.memory_space<hbm>>
      tpu.wait_dma2 semaphore(%arg9 : memref<!tpu.dma_semaphore, #tpu.memory_space<semaphore_mem>>) src(%dma_wait3A_142 : memref<64x128xf32, #tpu.memory_space<hbm>>) dst(%arg6 : memref<64x128xf32, #tpu.memory_space<vmem>>)
      %run_scoped3A_143 = arith.constant 5 : i32
      "tpu.region"() ({
        %run_scoped3A_164 = tpu.sem_alloc : memref<!tpu.dma_semaphore, #tpu.memory_space<semaphore_mem>>
        %dma_start3A_165 = arith.constant 0 : i32
        %dma_start3A_166 = tpu.memref_slice %arg7[%run_scoped3A_143, %dma_start3A_165] : memref<8x64xi32, #tpu.memory_space<vmem>> -> memref<1x64xi32, #tpu.memory_space<vmem>>
        %dma_start3A_167 = tpu.memref_squeeze %dma_start3A_166 : memref<1x64xi32, #tpu.memory_space<vmem>> -> memref<64xi32, #tpu.memory_space<vmem>>
        %dma_start3A_168 = arith.constant 0 : i32
        %dma_start3A_169 = arith.constant 0 : i32
        %dma_start3A_170 = tpu.memref_slice %arg10[%dma_start3A_168, %dma_start3A_169] : memref<10240x128xf32, #tpu.memory_space<vmem_shared>> -> memref<10240x128xf32, #tpu.memory_space<vmem_shared>>
        tpu.enqueue_indirect_dma source(%arg6 : memref<64x128xf32, #tpu.memory_space<vmem>>) target(%dma_start3A_170 : memref<10240x128xf32, #tpu.memory_space<vmem_shared>>) offsets(%dma_start3A_167 : memref<64xi32, #tpu.memory_space<vmem>>) semaphore(%run_scoped3A_164 : memref<!tpu.dma_semaphore, #tpu.memory_space<semaphore_mem>>) {add = true}
        %dma_wait3A_171 = arith.constant 0 : i32
        %dma_wait3A_172 = tpu.memref_slice %arg7[%run_scoped3A_143, %dma_wait3A_171] : memref<8x64xi32, #tpu.memory_space<vmem>> -> memref<1x64xi32, #tpu.memory_space<vmem>>
        %dma_wait3A_173 = tpu.memref_squeeze %dma_wait3A_172 : memref<1x64xi32, #tpu.memory_space<vmem>> -> memref<64xi32, #tpu.memory_space<vmem>>
        %dma_wait3A_174 = arith.constant 0 : i32
        %dma_wait3A_175 = arith.constant 0 : i32
        %dma_wait3A_176 = tpu.memref_slice %arg10[%dma_wait3A_174, %dma_wait3A_175] : memref<10240x128xf32, #tpu.memory_space<vmem_shared>> -> memref<10240x128xf32, #tpu.memory_space<vmem_shared>>
        tpu.wait_indirect_dma semaphore(%run_scoped3A_164 : memref<!tpu.dma_semaphore, #tpu.memory_space<semaphore_mem>>) src(%arg6 : memref<64x128xf32, #tpu.memory_space<vmem>>) dst(%dma_wait3A_176 : memref<10240x128xf32, #tpu.memory_space<vmem_shared>>)
        tpu.yield
      }) : () -> ()
      %add3A_144 = arith.constant 6 : i32
      %add3A_145 = arith.addi %mul3A_50, %add3A_144 : i32
      %add3A_146 = arith.constant 1 : i32
      %add3A_147 = arith.addi %add3A_145, %add3A_146 : i32
      %mul3A_148 = arith.constant 64 : i32
      %mul3A_149 = arith.muli %add3A_147, %mul3A_148 : i32
      %dma_start3A_150 = arith.constant 0 : i32
      %dma_start3A_151 = tpu.memref_slice %arg2[%mul3A_149, %dma_start3A_150] : memref<320000x128xf32, #tpu.memory_space<hbm>> -> memref<64x128xf32, #tpu.memory_space<hbm>>
      %dma_start3A_152 = arith.constant 0 : i32
      %dma_start3A_153 = tpu.memref_slice %arg2[%mul3A_149, %dma_start3A_152] : memref<320000x128xf32, #tpu.memory_space<hbm>> -> memref<64x128xf32, #tpu.memory_space<hbm>>
      tpu.enqueue_dma source(%dma_start3A_153 : memref<64x128xf32, #tpu.memory_space<hbm>>) target(%arg6 : memref<64x128xf32, #tpu.memory_space<vmem>>) target_semaphore(%arg9 : memref<!tpu.dma_semaphore, #tpu.memory_space<semaphore_mem>>)
      %dma_wait3A_154 = arith.constant 0 : i32
      %dma_wait3A_155 = tpu.memref_slice %arg2[%mul3A_134, %dma_wait3A_154] : memref<320000x128xf32, #tpu.memory_space<hbm>> -> memref<64x128xf32, #tpu.memory_space<hbm>>
      %dma_wait3A_156 = arith.constant 0 : i32
      %dma_wait3A_157 = tpu.memref_slice %arg2[%mul3A_134, %dma_wait3A_156] : memref<320000x128xf32, #tpu.memory_space<hbm>> -> memref<64x128xf32, #tpu.memory_space<hbm>>
      tpu.wait_dma2 semaphore(%arg8 : memref<!tpu.dma_semaphore, #tpu.memory_space<semaphore_mem>>) src(%dma_wait3A_157 : memref<64x128xf32, #tpu.memory_space<hbm>>) dst(%arg5 : memref<64x128xf32, #tpu.memory_space<vmem>>)
      %run_scoped3A_158 = arith.constant 6 : i32
      "tpu.region"() ({
        %run_scoped3A_164 = tpu.sem_alloc : memref<!tpu.dma_semaphore, #tpu.memory_space<semaphore_mem>>
        %dma_start3A_165 = arith.constant 0 : i32
        %dma_start3A_166 = tpu.memref_slice %arg7[%run_scoped3A_158, %dma_start3A_165] : memref<8x64xi32, #tpu.memory_space<vmem>> -> memref<1x64xi32, #tpu.memory_space<vmem>>
        %dma_start3A_167 = tpu.memref_squeeze %dma_start3A_166 : memref<1x64xi32, #tpu.memory_space<vmem>> -> memref<64xi32, #tpu.memory_space<vmem>>
        %dma_start3A_168 = arith.constant 0 : i32
        %dma_start3A_169 = arith.constant 0 : i32
        %dma_start3A_170 = tpu.memref_slice %arg10[%dma_start3A_168, %dma_start3A_169] : memref<10240x128xf32, #tpu.memory_space<vmem_shared>> -> memref<10240x128xf32, #tpu.memory_space<vmem_shared>>
        tpu.enqueue_indirect_dma source(%arg5 : memref<64x128xf32, #tpu.memory_space<vmem>>) target(%dma_start3A_170 : memref<10240x128xf32, #tpu.memory_space<vmem_shared>>) offsets(%dma_start3A_167 : memref<64xi32, #tpu.memory_space<vmem>>) semaphore(%run_scoped3A_164 : memref<!tpu.dma_semaphore, #tpu.memory_space<semaphore_mem>>) {add = true}
        %dma_wait3A_171 = arith.constant 0 : i32
        %dma_wait3A_172 = tpu.memref_slice %arg7[%run_scoped3A_158, %dma_wait3A_171] : memref<8x64xi32, #tpu.memory_space<vmem>> -> memref<1x64xi32, #tpu.memory_space<vmem>>
        %dma_wait3A_173 = tpu.memref_squeeze %dma_wait3A_172 : memref<1x64xi32, #tpu.memory_space<vmem>> -> memref<64xi32, #tpu.memory_space<vmem>>
        %dma_wait3A_174 = arith.constant 0 : i32
        %dma_wait3A_175 = arith.constant 0 : i32
        %dma_wait3A_176 = tpu.memref_slice %arg10[%dma_wait3A_174, %dma_wait3A_175] : memref<10240x128xf32, #tpu.memory_space<vmem_shared>> -> memref<10240x128xf32, #tpu.memory_space<vmem_shared>>
        tpu.wait_indirect_dma semaphore(%run_scoped3A_164 : memref<!tpu.dma_semaphore, #tpu.memory_space<semaphore_mem>>) src(%arg5 : memref<64x128xf32, #tpu.memory_space<vmem>>) dst(%dma_wait3A_176 : memref<10240x128xf32, #tpu.memory_space<vmem_shared>>)
        tpu.yield
      }) : () -> ()
      %dma_wait3A_159 = arith.constant 0 : i32
      %dma_wait3A_160 = tpu.memref_slice %arg2[%mul3A_149, %dma_wait3A_159] : memref<320000x128xf32, #tpu.memory_space<hbm>> -> memref<64x128xf32, #tpu.memory_space<hbm>>
      %dma_wait3A_161 = arith.constant 0 : i32
      %dma_wait3A_162 = tpu.memref_slice %arg2[%mul3A_149, %dma_wait3A_161] : memref<320000x128xf32, #tpu.memory_space<hbm>> -> memref<64x128xf32, #tpu.memory_space<hbm>>
      tpu.wait_dma2 semaphore(%arg9 : memref<!tpu.dma_semaphore, #tpu.memory_space<semaphore_mem>>) src(%dma_wait3A_162 : memref<64x128xf32, #tpu.memory_space<hbm>>) dst(%arg6 : memref<64x128xf32, #tpu.memory_space<vmem>>)
      %run_scoped3A_163 = arith.constant 7 : i32
      "tpu.region"() ({
        %run_scoped3A_164 = tpu.sem_alloc : memref<!tpu.dma_semaphore, #tpu.memory_space<semaphore_mem>>
        %dma_start3A_165 = arith.constant 0 : i32
        %dma_start3A_166 = tpu.memref_slice %arg7[%run_scoped3A_163, %dma_start3A_165] : memref<8x64xi32, #tpu.memory_space<vmem>> -> memref<1x64xi32, #tpu.memory_space<vmem>>
        %dma_start3A_167 = tpu.memref_squeeze %dma_start3A_166 : memref<1x64xi32, #tpu.memory_space<vmem>> -> memref<64xi32, #tpu.memory_space<vmem>>
        %dma_start3A_168 = arith.constant 0 : i32
        %dma_start3A_169 = arith.constant 0 : i32
        %dma_start3A_170 = tpu.memref_slice %arg10[%dma_start3A_168, %dma_start3A_169] : memref<10240x128xf32, #tpu.memory_space<vmem_shared>> -> memref<10240x128xf32, #tpu.memory_space<vmem_shared>>
        tpu.enqueue_indirect_dma source(%arg6 : memref<64x128xf32, #tpu.memory_space<vmem>>) target(%dma_start3A_170 : memref<10240x128xf32, #tpu.memory_space<vmem_shared>>) offsets(%dma_start3A_167 : memref<64xi32, #tpu.memory_space<vmem>>) semaphore(%run_scoped3A_164 : memref<!tpu.dma_semaphore, #tpu.memory_space<semaphore_mem>>) {add = true}
        %dma_wait3A_171 = arith.constant 0 : i32
        %dma_wait3A_172 = tpu.memref_slice %arg7[%run_scoped3A_163, %dma_wait3A_171] : memref<8x64xi32, #tpu.memory_space<vmem>> -> memref<1x64xi32, #tpu.memory_space<vmem>>
        %dma_wait3A_173 = tpu.memref_squeeze %dma_wait3A_172 : memref<1x64xi32, #tpu.memory_space<vmem>> -> memref<64xi32, #tpu.memory_space<vmem>>
        %dma_wait3A_174 = arith.constant 0 : i32
        %dma_wait3A_175 = arith.constant 0 : i32
        %dma_wait3A_176 = tpu.memref_slice %arg10[%dma_wait3A_174, %dma_wait3A_175] : memref<10240x128xf32, #tpu.memory_space<vmem_shared>> -> memref<10240x128xf32, #tpu.memory_space<vmem_shared>>
        tpu.wait_indirect_dma semaphore(%run_scoped3A_164 : memref<!tpu.dma_semaphore, #tpu.memory_space<semaphore_mem>>) src(%arg6 : memref<64x128xf32, #tpu.memory_space<vmem>>) dst(%dma_wait3A_176 : memref<10240x128xf32, #tpu.memory_space<vmem_shared>>)
        tpu.yield
      }) : () -> ()
    }
    %scan3A_38 = arith.constant 19 : i32
    %lt3A = arith.constant 17 : i32
    %lt3A_39 = arith.cmpi slt, %add3A, %lt3A : i32
    %convert_element_type3A = arith.extui %lt3A_39 : i1 to i32
    %cond3A = arith.constant 0 : i32
    %cond3A_40 = arith.cmpi ne, %convert_element_type3A, %cond3A : i32
    scf.if %cond3A_40 {
      %add3A_47 = arith.constant 19 : i32
      %add3A_48 = arith.addi %add3A_32, %add3A_47 : i32
      "tpu.region"() ({
        %run_scoped3A_164 = tpu.sem_alloc : memref<!tpu.dma_semaphore, #tpu.memory_space<semaphore_mem>>
        %dma_start3A_165 = arith.constant 0 : i32
        %dma_start3A_166 = arith.constant 0 : i32
        %dma_start3A_167 = tpu.memref_slice %arg3[%add3A_48, %dma_start3A_165, %dma_start3A_166] : memref<625x8x64xi32, #tpu.memory_space<hbm>> -> memref<1x8x64xi32, #tpu.memory_space<hbm>>
        %dma_start3A_168 = tpu.memref_squeeze %dma_start3A_167 : memref<1x8x64xi32, #tpu.memory_space<hbm>> -> memref<8x64xi32, #tpu.memory_space<hbm>>
        %dma_start3A_169 = arith.constant 0 : i32
        %dma_start3A_170 = arith.constant 0 : i32
        %dma_start3A_171 = tpu.memref_slice %arg3[%add3A_48, %dma_start3A_169, %dma_start3A_170] : memref<625x8x64xi32, #tpu.memory_space<hbm>> -> memref<1x8x64xi32, #tpu.memory_space<hbm>>
        %dma_start3A_172 = tpu.memref_squeeze %dma_start3A_171 : memref<1x8x64xi32, #tpu.memory_space<hbm>> -> memref<8x64xi32, #tpu.memory_space<hbm>>
        tpu.enqueue_dma source(%dma_start3A_172 : memref<8x64xi32, #tpu.memory_space<hbm>>) target(%arg7 : memref<8x64xi32, #tpu.memory_space<vmem>>) target_semaphore(%run_scoped3A_164 : memref<!tpu.dma_semaphore, #tpu.memory_space<semaphore_mem>>)
        %dma_wait3A_173 = arith.constant 0 : i32
        %dma_wait3A_174 = arith.constant 0 : i32
        %dma_wait3A_175 = tpu.memref_slice %arg3[%add3A_48, %dma_wait3A_173, %dma_wait3A_174] : memref<625x8x64xi32, #tpu.memory_space<hbm>> -> memref<1x8x64xi32, #tpu.memory_space<hbm>>
        %dma_wait3A_176 = tpu.memref_squeeze %dma_wait3A_175 : memref<1x8x64xi32, #tpu.memory_space<hbm>> -> memref<8x64xi32, #tpu.memory_space<hbm>>
        %dma_wait3A_177 = arith.constant 0 : i32
        %dma_wait3A_178 = arith.constant 0 : i32
        %dma_wait3A_179 = tpu.memref_slice %arg3[%add3A_48, %dma_wait3A_177, %dma_wait3A_178] : memref<625x8x64xi32, #tpu.memory_space<hbm>> -> memref<1x8x64xi32, #tpu.memory_space<hbm>>
        %dma_wait3A_180 = tpu.memref_squeeze %dma_wait3A_179 : memref<1x8x64xi32, #tpu.memory_space<hbm>> -> memref<8x64xi32, #tpu.memory_space<hbm>>
        tpu.wait_dma2 semaphore(%run_scoped3A_164 : memref<!tpu.dma_semaphore, #tpu.memory_space<semaphore_mem>>) src(%dma_wait3A_180 : memref<8x64xi32, #tpu.memory_space<hbm>>) dst(%arg7 : memref<8x64xi32, #tpu.memory_space<vmem>>)
        tpu.yield
      }) : () -> ()
      %mul3A_49 = arith.constant 8 : i32
      %mul3A_50 = arith.muli %add3A_48, %mul3A_49 : i32
      %mul3A_51 = arith.constant 64 : i32
      %mul3A_52 = arith.muli %mul3A_50, %mul3A_51 : i32
      %dma_start3A = arith.constant 0 : i32
      %dma_start3A_53 = tpu.memref_slice %arg2[%mul3A_52, %dma_start3A] : memref<320000x128xf32, #tpu.memory_space<hbm>> -> memref<64x128xf32, #tpu.memory_space<hbm>>
      %dma_start3A_54 = arith.constant 0 : i32
      %dma_start3A_55 = tpu.memref_slice %arg2[%mul3A_52, %dma_start3A_54] : memref<320000x128xf32, #tpu.memory_space<hbm>> -> memref<64x128xf32, #tpu.memory_space<hbm>>
      tpu.enqueue_dma source(%dma_start3A_55 : memref<64x128xf32, #tpu.memory_space<hbm>>) target(%arg5 : memref<64x128xf32, #tpu.memory_space<vmem>>) target_semaphore(%arg8 : memref<!tpu.dma_semaphore, #tpu.memory_space<semaphore_mem>>)
      %add3A_56 = arith.constant 0 : i32
      %add3A_57 = arith.addi %mul3A_50, %add3A_56 : i32
      %add3A_58 = arith.constant 1 : i32
      %add3A_59 = arith.addi %add3A_57, %add3A_58 : i32
      %mul3A_60 = arith.constant 64 : i32
      %mul3A_61 = arith.muli %add3A_59, %mul3A_60 : i32
      %dma_start3A_62 = arith.constant 0 : i32
      %dma_start3A_63 = tpu.memref_slice %arg2[%mul3A_61, %dma_start3A_62] : memref<320000x128xf32, #tpu.memory_space<hbm>> -> memref<64x128xf32, #tpu.memory_space<hbm>>
      %dma_start3A_64 = arith.constant 0 : i32
      %dma_start3A_65 = tpu.memref_slice %arg2[%mul3A_61, %dma_start3A_64] : memref<320000x128xf32, #tpu.memory_space<hbm>> -> memref<64x128xf32, #tpu.memory_space<hbm>>
      tpu.enqueue_dma source(%dma_start3A_65 : memref<64x128xf32, #tpu.memory_space<hbm>>) target(%arg6 : memref<64x128xf32, #tpu.memory_space<vmem>>) target_semaphore(%arg9 : memref<!tpu.dma_semaphore, #tpu.memory_space<semaphore_mem>>)
      %dma_wait3A = arith.constant 0 : i32
      %dma_wait3A_66 = tpu.memref_slice %arg2[%mul3A_52, %dma_wait3A] : memref<320000x128xf32, #tpu.memory_space<hbm>> -> memref<64x128xf32, #tpu.memory_space<hbm>>
      %dma_wait3A_67 = arith.constant 0 : i32
      %dma_wait3A_68 = tpu.memref_slice %arg2[%mul3A_52, %dma_wait3A_67] : memref<320000x128xf32, #tpu.memory_space<hbm>> -> memref<64x128xf32, #tpu.memory_space<hbm>>
      tpu.wait_dma2 semaphore(%arg8 : memref<!tpu.dma_semaphore, #tpu.memory_space<semaphore_mem>>) src(%dma_wait3A_68 : memref<64x128xf32, #tpu.memory_space<hbm>>) dst(%arg5 : memref<64x128xf32, #tpu.memory_space<vmem>>)
      %run_scoped3A = arith.constant 0 : i32
      "tpu.region"() ({
        %run_scoped3A_164 = tpu.sem_alloc : memref<!tpu.dma_semaphore, #tpu.memory_space<semaphore_mem>>
        %dma_start3A_165 = arith.constant 0 : i32
        %dma_start3A_166 = tpu.memref_slice %arg7[%run_scoped3A, %dma_start3A_165] : memref<8x64xi32, #tpu.memory_space<vmem>> -> memref<1x64xi32, #tpu.memory_space<vmem>>
        %dma_start3A_167 = tpu.memref_squeeze %dma_start3A_166 : memref<1x64xi32, #tpu.memory_space<vmem>> -> memref<64xi32, #tpu.memory_space<vmem>>
        %dma_start3A_168 = arith.constant 0 : i32
        %dma_start3A_169 = arith.constant 0 : i32
        %dma_start3A_170 = tpu.memref_slice %arg10[%dma_start3A_168, %dma_start3A_169] : memref<10240x128xf32, #tpu.memory_space<vmem_shared>> -> memref<10240x128xf32, #tpu.memory_space<vmem_shared>>
        tpu.enqueue_indirect_dma source(%arg5 : memref<64x128xf32, #tpu.memory_space<vmem>>) target(%dma_start3A_170 : memref<10240x128xf32, #tpu.memory_space<vmem_shared>>) offsets(%dma_start3A_167 : memref<64xi32, #tpu.memory_space<vmem>>) semaphore(%run_scoped3A_164 : memref<!tpu.dma_semaphore, #tpu.memory_space<semaphore_mem>>) {add = true}
        %dma_wait3A_171 = arith.constant 0 : i32
        %dma_wait3A_172 = tpu.memref_slice %arg7[%run_scoped3A, %dma_wait3A_171] : memref<8x64xi32, #tpu.memory_space<vmem>> -> memref<1x64xi32, #tpu.memory_space<vmem>>
        %dma_wait3A_173 = tpu.memref_squeeze %dma_wait3A_172 : memref<1x64xi32, #tpu.memory_space<vmem>> -> memref<64xi32, #tpu.memory_space<vmem>>
        %dma_wait3A_174 = arith.constant 0 : i32
        %dma_wait3A_175 = arith.constant 0 : i32
        %dma_wait3A_176 = tpu.memref_slice %arg10[%dma_wait3A_174, %dma_wait3A_175] : memref<10240x128xf32, #tpu.memory_space<vmem_shared>> -> memref<10240x128xf32, #tpu.memory_space<vmem_shared>>
        tpu.wait_indirect_dma semaphore(%run_scoped3A_164 : memref<!tpu.dma_semaphore, #tpu.memory_space<semaphore_mem>>) src(%arg5 : memref<64x128xf32, #tpu.memory_space<vmem>>) dst(%dma_wait3A_176 : memref<10240x128xf32, #tpu.memory_space<vmem_shared>>)
        tpu.yield
      }) : () -> ()
      %add3A_69 = arith.constant 1 : i32
      %add3A_70 = arith.addi %mul3A_50, %add3A_69 : i32
      %add3A_71 = arith.constant 1 : i32
      %add3A_72 = arith.addi %add3A_70, %add3A_71 : i32
      %mul3A_73 = arith.constant 64 : i32
      %mul3A_74 = arith.muli %add3A_72, %mul3A_73 : i32
      %dma_start3A_75 = arith.constant 0 : i32
      %dma_start3A_76 = tpu.memref_slice %arg2[%mul3A_74, %dma_start3A_75] : memref<320000x128xf32, #tpu.memory_space<hbm>> -> memref<64x128xf32, #tpu.memory_space<hbm>>
      %dma_start3A_77 = arith.constant 0 : i32
      %dma_start3A_78 = tpu.memref_slice %arg2[%mul3A_74, %dma_start3A_77] : memref<320000x128xf32, #tpu.memory_space<hbm>> -> memref<64x128xf32, #tpu.memory_space<hbm>>
      tpu.enqueue_dma source(%dma_start3A_78 : memref<64x128xf32, #tpu.memory_space<hbm>>) target(%arg5 : memref<64x128xf32, #tpu.memory_space<vmem>>) target_semaphore(%arg8 : memref<!tpu.dma_semaphore, #tpu.memory_space<semaphore_mem>>)
      %dma_wait3A_79 = arith.constant 0 : i32
      %dma_wait3A_80 = tpu.memref_slice %arg2[%mul3A_61, %dma_wait3A_79] : memref<320000x128xf32, #tpu.memory_space<hbm>> -> memref<64x128xf32, #tpu.memory_space<hbm>>
      %dma_wait3A_81 = arith.constant 0 : i32
      %dma_wait3A_82 = tpu.memref_slice %arg2[%mul3A_61, %dma_wait3A_81] : memref<320000x128xf32, #tpu.memory_space<hbm>> -> memref<64x128xf32, #tpu.memory_space<hbm>>
      tpu.wait_dma2 semaphore(%arg9 : memref<!tpu.dma_semaphore, #tpu.memory_space<semaphore_mem>>) src(%dma_wait3A_82 : memref<64x128xf32, #tpu.memory_space<hbm>>) dst(%arg6 : memref<64x128xf32, #tpu.memory_space<vmem>>)
      %run_scoped3A_83 = arith.constant 1 : i32
      "tpu.region"() ({
        %run_scoped3A_164 = tpu.sem_alloc : memref<!tpu.dma_semaphore, #tpu.memory_space<semaphore_mem>>
        %dma_start3A_165 = arith.constant 0 : i32
        %dma_start3A_166 = tpu.memref_slice %arg7[%run_scoped3A_83, %dma_start3A_165] : memref<8x64xi32, #tpu.memory_space<vmem>> -> memref<1x64xi32, #tpu.memory_space<vmem>>
        %dma_start3A_167 = tpu.memref_squeeze %dma_start3A_166 : memref<1x64xi32, #tpu.memory_space<vmem>> -> memref<64xi32, #tpu.memory_space<vmem>>
        %dma_start3A_168 = arith.constant 0 : i32
        %dma_start3A_169 = arith.constant 0 : i32
        %dma_start3A_170 = tpu.memref_slice %arg10[%dma_start3A_168, %dma_start3A_169] : memref<10240x128xf32, #tpu.memory_space<vmem_shared>> -> memref<10240x128xf32, #tpu.memory_space<vmem_shared>>
        tpu.enqueue_indirect_dma source(%arg6 : memref<64x128xf32, #tpu.memory_space<vmem>>) target(%dma_start3A_170 : memref<10240x128xf32, #tpu.memory_space<vmem_shared>>) offsets(%dma_start3A_167 : memref<64xi32, #tpu.memory_space<vmem>>) semaphore(%run_scoped3A_164 : memref<!tpu.dma_semaphore, #tpu.memory_space<semaphore_mem>>) {add = true}
        %dma_wait3A_171 = arith.constant 0 : i32
        %dma_wait3A_172 = tpu.memref_slice %arg7[%run_scoped3A_83, %dma_wait3A_171] : memref<8x64xi32, #tpu.memory_space<vmem>> -> memref<1x64xi32, #tpu.memory_space<vmem>>
        %dma_wait3A_173 = tpu.memref_squeeze %dma_wait3A_172 : memref<1x64xi32, #tpu.memory_space<vmem>> -> memref<64xi32, #tpu.memory_space<vmem>>
        %dma_wait3A_174 = arith.constant 0 : i32
        %dma_wait3A_175 = arith.constant 0 : i32
        %dma_wait3A_176 = tpu.memref_slice %arg10[%dma_wait3A_174, %dma_wait3A_175] : memref<10240x128xf32, #tpu.memory_space<vmem_shared>> -> memref<10240x128xf32, #tpu.memory_space<vmem_shared>>
        tpu.wait_indirect_dma semaphore(%run_scoped3A_164 : memref<!tpu.dma_semaphore, #tpu.memory_space<semaphore_mem>>) src(%arg6 : memref<64x128xf32, #tpu.memory_space<vmem>>) dst(%dma_wait3A_176 : memref<10240x128xf32, #tpu.memory_space<vmem_shared>>)
        tpu.yield
      }) : () -> ()
      %add3A_84 = arith.constant 2 : i32
      %add3A_85 = arith.addi %mul3A_50, %add3A_84 : i32
      %add3A_86 = arith.constant 1 : i32
      %add3A_87 = arith.addi %add3A_85, %add3A_86 : i32
      %mul3A_88 = arith.constant 64 : i32
      %mul3A_89 = arith.muli %add3A_87, %mul3A_88 : i32
      %dma_start3A_90 = arith.constant 0 : i32
      %dma_start3A_91 = tpu.memref_slice %arg2[%mul3A_89, %dma_start3A_90] : memref<320000x128xf32, #tpu.memory_space<hbm>> -> memref<64x128xf32, #tpu.memory_space<hbm>>
      %dma_start3A_92 = arith.constant 0 : i32
      %dma_start3A_93 = tpu.memref_slice %arg2[%mul3A_89, %dma_start3A_92] : memref<320000x128xf32, #tpu.memory_space<hbm>> -> memref<64x128xf32, #tpu.memory_space<hbm>>
      tpu.enqueue_dma source(%dma_start3A_93 : memref<64x128xf32, #tpu.memory_space<hbm>>) target(%arg6 : memref<64x128xf32, #tpu.memory_space<vmem>>) target_semaphore(%arg9 : memref<!tpu.dma_semaphore, #tpu.memory_space<semaphore_mem>>)
      %dma_wait3A_94 = arith.constant 0 : i32
      %dma_wait3A_95 = tpu.memref_slice %arg2[%mul3A_74, %dma_wait3A_94] : memref<320000x128xf32, #tpu.memory_space<hbm>> -> memref<64x128xf32, #tpu.memory_space<hbm>>
      %dma_wait3A_96 = arith.constant 0 : i32
      %dma_wait3A_97 = tpu.memref_slice %arg2[%mul3A_74, %dma_wait3A_96] : memref<320000x128xf32, #tpu.memory_space<hbm>> -> memref<64x128xf32, #tpu.memory_space<hbm>>
      tpu.wait_dma2 semaphore(%arg8 : memref<!tpu.dma_semaphore, #tpu.memory_space<semaphore_mem>>) src(%dma_wait3A_97 : memref<64x128xf32, #tpu.memory_space<hbm>>) dst(%arg5 : memref<64x128xf32, #tpu.memory_space<vmem>>)
      %run_scoped3A_98 = arith.constant 2 : i32
      "tpu.region"() ({
        %run_scoped3A_164 = tpu.sem_alloc : memref<!tpu.dma_semaphore, #tpu.memory_space<semaphore_mem>>
        %dma_start3A_165 = arith.constant 0 : i32
        %dma_start3A_166 = tpu.memref_slice %arg7[%run_scoped3A_98, %dma_start3A_165] : memref<8x64xi32, #tpu.memory_space<vmem>> -> memref<1x64xi32, #tpu.memory_space<vmem>>
        %dma_start3A_167 = tpu.memref_squeeze %dma_start3A_166 : memref<1x64xi32, #tpu.memory_space<vmem>> -> memref<64xi32, #tpu.memory_space<vmem>>
        %dma_start3A_168 = arith.constant 0 : i32
        %dma_start3A_169 = arith.constant 0 : i32
        %dma_start3A_170 = tpu.memref_slice %arg10[%dma_start3A_168, %dma_start3A_169] : memref<10240x128xf32, #tpu.memory_space<vmem_shared>> -> memref<10240x128xf32, #tpu.memory_space<vmem_shared>>
        tpu.enqueue_indirect_dma source(%arg5 : memref<64x128xf32, #tpu.memory_space<vmem>>) target(%dma_start3A_170 : memref<10240x128xf32, #tpu.memory_space<vmem_shared>>) offsets(%dma_start3A_167 : memref<64xi32, #tpu.memory_space<vmem>>) semaphore(%run_scoped3A_164 : memref<!tpu.dma_semaphore, #tpu.memory_space<semaphore_mem>>) {add = true}
        %dma_wait3A_171 = arith.constant 0 : i32
        %dma_wait3A_172 = tpu.memref_slice %arg7[%run_scoped3A_98, %dma_wait3A_171] : memref<8x64xi32, #tpu.memory_space<vmem>> -> memref<1x64xi32, #tpu.memory_space<vmem>>
        %dma_wait3A_173 = tpu.memref_squeeze %dma_wait3A_172 : memref<1x64xi32, #tpu.memory_space<vmem>> -> memref<64xi32, #tpu.memory_space<vmem>>
        %dma_wait3A_174 = arith.constant 0 : i32
        %dma_wait3A_175 = arith.constant 0 : i32
        %dma_wait3A_176 = tpu.memref_slice %arg10[%dma_wait3A_174, %dma_wait3A_175] : memref<10240x128xf32, #tpu.memory_space<vmem_shared>> -> memref<10240x128xf32, #tpu.memory_space<vmem_shared>>
        tpu.wait_indirect_dma semaphore(%run_scoped3A_164 : memref<!tpu.dma_semaphore, #tpu.memory_space<semaphore_mem>>) src(%arg5 : memref<64x128xf32, #tpu.memory_space<vmem>>) dst(%dma_wait3A_176 : memref<10240x128xf32, #tpu.memory_space<vmem_shared>>)
        tpu.yield
      }) : () -> ()
      %add3A_99 = arith.constant 3 : i32
      %add3A_100 = arith.addi %mul3A_50, %add3A_99 : i32
      %add3A_101 = arith.constant 1 : i32
      %add3A_102 = arith.addi %add3A_100, %add3A_101 : i32
      %mul3A_103 = arith.constant 64 : i32
      %mul3A_104 = arith.muli %add3A_102, %mul3A_103 : i32
      %dma_start3A_105 = arith.constant 0 : i32
      %dma_start3A_106 = tpu.memref_slice %arg2[%mul3A_104, %dma_start3A_105] : memref<320000x128xf32, #tpu.memory_space<hbm>> -> memref<64x128xf32, #tpu.memory_space<hbm>>
      %dma_start3A_107 = arith.constant 0 : i32
      %dma_start3A_108 = tpu.memref_slice %arg2[%mul3A_104, %dma_start3A_107] : memref<320000x128xf32, #tpu.memory_space<hbm>> -> memref<64x128xf32, #tpu.memory_space<hbm>>
      tpu.enqueue_dma source(%dma_start3A_108 : memref<64x128xf32, #tpu.memory_space<hbm>>) target(%arg5 : memref<64x128xf32, #tpu.memory_space<vmem>>) target_semaphore(%arg8 : memref<!tpu.dma_semaphore, #tpu.memory_space<semaphore_mem>>)
      %dma_wait3A_109 = arith.constant 0 : i32
      %dma_wait3A_110 = tpu.memref_slice %arg2[%mul3A_89, %dma_wait3A_109] : memref<320000x128xf32, #tpu.memory_space<hbm>> -> memref<64x128xf32, #tpu.memory_space<hbm>>
      %dma_wait3A_111 = arith.constant 0 : i32
      %dma_wait3A_112 = tpu.memref_slice %arg2[%mul3A_89, %dma_wait3A_111] : memref<320000x128xf32, #tpu.memory_space<hbm>> -> memref<64x128xf32, #tpu.memory_space<hbm>>
      tpu.wait_dma2 semaphore(%arg9 : memref<!tpu.dma_semaphore, #tpu.memory_space<semaphore_mem>>) src(%dma_wait3A_112 : memref<64x128xf32, #tpu.memory_space<hbm>>) dst(%arg6 : memref<64x128xf32, #tpu.memory_space<vmem>>)
      %run_scoped3A_113 = arith.constant 3 : i32
      "tpu.region"() ({
        %run_scoped3A_164 = tpu.sem_alloc : memref<!tpu.dma_semaphore, #tpu.memory_space<semaphore_mem>>
        %dma_start3A_165 = arith.constant 0 : i32
        %dma_start3A_166 = tpu.memref_slice %arg7[%run_scoped3A_113, %dma_start3A_165] : memref<8x64xi32, #tpu.memory_space<vmem>> -> memref<1x64xi32, #tpu.memory_space<vmem>>
        %dma_start3A_167 = tpu.memref_squeeze %dma_start3A_166 : memref<1x64xi32, #tpu.memory_space<vmem>> -> memref<64xi32, #tpu.memory_space<vmem>>
        %dma_start3A_168 = arith.constant 0 : i32
        %dma_start3A_169 = arith.constant 0 : i32
        %dma_start3A_170 = tpu.memref_slice %arg10[%dma_start3A_168, %dma_start3A_169] : memref<10240x128xf32, #tpu.memory_space<vmem_shared>> -> memref<10240x128xf32, #tpu.memory_space<vmem_shared>>
        tpu.enqueue_indirect_dma source(%arg6 : memref<64x128xf32, #tpu.memory_space<vmem>>) target(%dma_start3A_170 : memref<10240x128xf32, #tpu.memory_space<vmem_shared>>) offsets(%dma_start3A_167 : memref<64xi32, #tpu.memory_space<vmem>>) semaphore(%run_scoped3A_164 : memref<!tpu.dma_semaphore, #tpu.memory_space<semaphore_mem>>) {add = true}
        %dma_wait3A_171 = arith.constant 0 : i32
        %dma_wait3A_172 = tpu.memref_slice %arg7[%run_scoped3A_113, %dma_wait3A_171] : memref<8x64xi32, #tpu.memory_space<vmem>> -> memref<1x64xi32, #tpu.memory_space<vmem>>
        %dma_wait3A_173 = tpu.memref_squeeze %dma_wait3A_172 : memref<1x64xi32, #tpu.memory_space<vmem>> -> memref<64xi32, #tpu.memory_space<vmem>>
        %dma_wait3A_174 = arith.constant 0 : i32
        %dma_wait3A_175 = arith.constant 0 : i32
        %dma_wait3A_176 = tpu.memref_slice %arg10[%dma_wait3A_174, %dma_wait3A_175] : memref<10240x128xf32, #tpu.memory_space<vmem_shared>> -> memref<10240x128xf32, #tpu.memory_space<vmem_shared>>
        tpu.wait_indirect_dma semaphore(%run_scoped3A_164 : memref<!tpu.dma_semaphore, #tpu.memory_space<semaphore_mem>>) src(%arg6 : memref<64x128xf32, #tpu.memory_space<vmem>>) dst(%dma_wait3A_176 : memref<10240x128xf32, #tpu.memory_space<vmem_shared>>)
        tpu.yield
      }) : () -> ()
      %add3A_114 = arith.constant 4 : i32
      %add3A_115 = arith.addi %mul3A_50, %add3A_114 : i32
      %add3A_116 = arith.constant 1 : i32
      %add3A_117 = arith.addi %add3A_115, %add3A_116 : i32
      %mul3A_118 = arith.constant 64 : i32
      %mul3A_119 = arith.muli %add3A_117, %mul3A_118 : i32
      %dma_start3A_120 = arith.constant 0 : i32
      %dma_start3A_121 = tpu.memref_slice %arg2[%mul3A_119, %dma_start3A_120] : memref<320000x128xf32, #tpu.memory_space<hbm>> -> memref<64x128xf32, #tpu.memory_space<hbm>>
      %dma_start3A_122 = arith.constant 0 : i32
      %dma_start3A_123 = tpu.memref_slice %arg2[%mul3A_119, %dma_start3A_122] : memref<320000x128xf32, #tpu.memory_space<hbm>> -> memref<64x128xf32, #tpu.memory_space<hbm>>
      tpu.enqueue_dma source(%dma_start3A_123 : memref<64x128xf32, #tpu.memory_space<hbm>>) target(%arg6 : memref<64x128xf32, #tpu.memory_space<vmem>>) target_semaphore(%arg9 : memref<!tpu.dma_semaphore, #tpu.memory_space<semaphore_mem>>)
      %dma_wait3A_124 = arith.constant 0 : i32
      %dma_wait3A_125 = tpu.memref_slice %arg2[%mul3A_104, %dma_wait3A_124] : memref<320000x128xf32, #tpu.memory_space<hbm>> -> memref<64x128xf32, #tpu.memory_space<hbm>>
      %dma_wait3A_126 = arith.constant 0 : i32
      %dma_wait3A_127 = tpu.memref_slice %arg2[%mul3A_104, %dma_wait3A_126] : memref<320000x128xf32, #tpu.memory_space<hbm>> -> memref<64x128xf32, #tpu.memory_space<hbm>>
      tpu.wait_dma2 semaphore(%arg8 : memref<!tpu.dma_semaphore, #tpu.memory_space<semaphore_mem>>) src(%dma_wait3A_127 : memref<64x128xf32, #tpu.memory_space<hbm>>) dst(%arg5 : memref<64x128xf32, #tpu.memory_space<vmem>>)
      %run_scoped3A_128 = arith.constant 4 : i32
      "tpu.region"() ({
        %run_scoped3A_164 = tpu.sem_alloc : memref<!tpu.dma_semaphore, #tpu.memory_space<semaphore_mem>>
        %dma_start3A_165 = arith.constant 0 : i32
        %dma_start3A_166 = tpu.memref_slice %arg7[%run_scoped3A_128, %dma_start3A_165] : memref<8x64xi32, #tpu.memory_space<vmem>> -> memref<1x64xi32, #tpu.memory_space<vmem>>
        %dma_start3A_167 = tpu.memref_squeeze %dma_start3A_166 : memref<1x64xi32, #tpu.memory_space<vmem>> -> memref<64xi32, #tpu.memory_space<vmem>>
        %dma_start3A_168 = arith.constant 0 : i32
        %dma_start3A_169 = arith.constant 0 : i32
        %dma_start3A_170 = tpu.memref_slice %arg10[%dma_start3A_168, %dma_start3A_169] : memref<10240x128xf32, #tpu.memory_space<vmem_shared>> -> memref<10240x128xf32, #tpu.memory_space<vmem_shared>>
        tpu.enqueue_indirect_dma source(%arg5 : memref<64x128xf32, #tpu.memory_space<vmem>>) target(%dma_start3A_170 : memref<10240x128xf32, #tpu.memory_space<vmem_shared>>) offsets(%dma_start3A_167 : memref<64xi32, #tpu.memory_space<vmem>>) semaphore(%run_scoped3A_164 : memref<!tpu.dma_semaphore, #tpu.memory_space<semaphore_mem>>) {add = true}
        %dma_wait3A_171 = arith.constant 0 : i32
        %dma_wait3A_172 = tpu.memref_slice %arg7[%run_scoped3A_128, %dma_wait3A_171] : memref<8x64xi32, #tpu.memory_space<vmem>> -> memref<1x64xi32, #tpu.memory_space<vmem>>
        %dma_wait3A_173 = tpu.memref_squeeze %dma_wait3A_172 : memref<1x64xi32, #tpu.memory_space<vmem>> -> memref<64xi32, #tpu.memory_space<vmem>>
        %dma_wait3A_174 = arith.constant 0 : i32
        %dma_wait3A_175 = arith.constant 0 : i32
        %dma_wait3A_176 = tpu.memref_slice %arg10[%dma_wait3A_174, %dma_wait3A_175] : memref<10240x128xf32, #tpu.memory_space<vmem_shared>> -> memref<10240x128xf32, #tpu.memory_space<vmem_shared>>
        tpu.wait_indirect_dma semaphore(%run_scoped3A_164 : memref<!tpu.dma_semaphore, #tpu.memory_space<semaphore_mem>>) src(%arg5 : memref<64x128xf32, #tpu.memory_space<vmem>>) dst(%dma_wait3A_176 : memref<10240x128xf32, #tpu.memory_space<vmem_shared>>)
        tpu.yield
      }) : () -> ()
      %add3A_129 = arith.constant 5 : i32
      %add3A_130 = arith.addi %mul3A_50, %add3A_129 : i32
      %add3A_131 = arith.constant 1 : i32
      %add3A_132 = arith.addi %add3A_130, %add3A_131 : i32
      %mul3A_133 = arith.constant 64 : i32
      %mul3A_134 = arith.muli %add3A_132, %mul3A_133 : i32
      %dma_start3A_135 = arith.constant 0 : i32
      %dma_start3A_136 = tpu.memref_slice %arg2[%mul3A_134, %dma_start3A_135] : memref<320000x128xf32, #tpu.memory_space<hbm>> -> memref<64x128xf32, #tpu.memory_space<hbm>>
      %dma_start3A_137 = arith.constant 0 : i32
      %dma_start3A_138 = tpu.memref_slice %arg2[%mul3A_134, %dma_start3A_137] : memref<320000x128xf32, #tpu.memory_space<hbm>> -> memref<64x128xf32, #tpu.memory_space<hbm>>
      tpu.enqueue_dma source(%dma_start3A_138 : memref<64x128xf32, #tpu.memory_space<hbm>>) target(%arg5 : memref<64x128xf32, #tpu.memory_space<vmem>>) target_semaphore(%arg8 : memref<!tpu.dma_semaphore, #tpu.memory_space<semaphore_mem>>)
      %dma_wait3A_139 = arith.constant 0 : i32
      %dma_wait3A_140 = tpu.memref_slice %arg2[%mul3A_119, %dma_wait3A_139] : memref<320000x128xf32, #tpu.memory_space<hbm>> -> memref<64x128xf32, #tpu.memory_space<hbm>>
      %dma_wait3A_141 = arith.constant 0 : i32
      %dma_wait3A_142 = tpu.memref_slice %arg2[%mul3A_119, %dma_wait3A_141] : memref<320000x128xf32, #tpu.memory_space<hbm>> -> memref<64x128xf32, #tpu.memory_space<hbm>>
      tpu.wait_dma2 semaphore(%arg9 : memref<!tpu.dma_semaphore, #tpu.memory_space<semaphore_mem>>) src(%dma_wait3A_142 : memref<64x128xf32, #tpu.memory_space<hbm>>) dst(%arg6 : memref<64x128xf32, #tpu.memory_space<vmem>>)
      %run_scoped3A_143 = arith.constant 5 : i32
      "tpu.region"() ({
        %run_scoped3A_164 = tpu.sem_alloc : memref<!tpu.dma_semaphore, #tpu.memory_space<semaphore_mem>>
        %dma_start3A_165 = arith.constant 0 : i32
        %dma_start3A_166 = tpu.memref_slice %arg7[%run_scoped3A_143, %dma_start3A_165] : memref<8x64xi32, #tpu.memory_space<vmem>> -> memref<1x64xi32, #tpu.memory_space<vmem>>
        %dma_start3A_167 = tpu.memref_squeeze %dma_start3A_166 : memref<1x64xi32, #tpu.memory_space<vmem>> -> memref<64xi32, #tpu.memory_space<vmem>>
        %dma_start3A_168 = arith.constant 0 : i32
        %dma_start3A_169 = arith.constant 0 : i32
        %dma_start3A_170 = tpu.memref_slice %arg10[%dma_start3A_168, %dma_start3A_169] : memref<10240x128xf32, #tpu.memory_space<vmem_shared>> -> memref<10240x128xf32, #tpu.memory_space<vmem_shared>>
        tpu.enqueue_indirect_dma source(%arg6 : memref<64x128xf32, #tpu.memory_space<vmem>>) target(%dma_start3A_170 : memref<10240x128xf32, #tpu.memory_space<vmem_shared>>) offsets(%dma_start3A_167 : memref<64xi32, #tpu.memory_space<vmem>>) semaphore(%run_scoped3A_164 : memref<!tpu.dma_semaphore, #tpu.memory_space<semaphore_mem>>) {add = true}
        %dma_wait3A_171 = arith.constant 0 : i32
        %dma_wait3A_172 = tpu.memref_slice %arg7[%run_scoped3A_143, %dma_wait3A_171] : memref<8x64xi32, #tpu.memory_space<vmem>> -> memref<1x64xi32, #tpu.memory_space<vmem>>
        %dma_wait3A_173 = tpu.memref_squeeze %dma_wait3A_172 : memref<1x64xi32, #tpu.memory_space<vmem>> -> memref<64xi32, #tpu.memory_space<vmem>>
        %dma_wait3A_174 = arith.constant 0 : i32
        %dma_wait3A_175 = arith.constant 0 : i32
        %dma_wait3A_176 = tpu.memref_slice %arg10[%dma_wait3A_174, %dma_wait3A_175] : memref<10240x128xf32, #tpu.memory_space<vmem_shared>> -> memref<10240x128xf32, #tpu.memory_space<vmem_shared>>
        tpu.wait_indirect_dma semaphore(%run_scoped3A_164 : memref<!tpu.dma_semaphore, #tpu.memory_space<semaphore_mem>>) src(%arg6 : memref<64x128xf32, #tpu.memory_space<vmem>>) dst(%dma_wait3A_176 : memref<10240x128xf32, #tpu.memory_space<vmem_shared>>)
        tpu.yield
      }) : () -> ()
      %add3A_144 = arith.constant 6 : i32
      %add3A_145 = arith.addi %mul3A_50, %add3A_144 : i32
      %add3A_146 = arith.constant 1 : i32
      %add3A_147 = arith.addi %add3A_145, %add3A_146 : i32
      %mul3A_148 = arith.constant 64 : i32
      %mul3A_149 = arith.muli %add3A_147, %mul3A_148 : i32
      %dma_start3A_150 = arith.constant 0 : i32
      %dma_start3A_151 = tpu.memref_slice %arg2[%mul3A_149, %dma_start3A_150] : memref<320000x128xf32, #tpu.memory_space<hbm>> -> memref<64x128xf32, #tpu.memory_space<hbm>>
      %dma_start3A_152 = arith.constant 0 : i32
      %dma_start3A_153 = tpu.memref_slice %arg2[%mul3A_149, %dma_start3A_152] : memref<320000x128xf32, #tpu.memory_space<hbm>> -> memref<64x128xf32, #tpu.memory_space<hbm>>
      tpu.enqueue_dma source(%dma_start3A_153 : memref<64x128xf32, #tpu.memory_space<hbm>>) target(%arg6 : memref<64x128xf32, #tpu.memory_space<vmem>>) target_semaphore(%arg9 : memref<!tpu.dma_semaphore, #tpu.memory_space<semaphore_mem>>)
      %dma_wait3A_154 = arith.constant 0 : i32
      %dma_wait3A_155 = tpu.memref_slice %arg2[%mul3A_134, %dma_wait3A_154] : memref<320000x128xf32, #tpu.memory_space<hbm>> -> memref<64x128xf32, #tpu.memory_space<hbm>>
      %dma_wait3A_156 = arith.constant 0 : i32
      %dma_wait3A_157 = tpu.memref_slice %arg2[%mul3A_134, %dma_wait3A_156] : memref<320000x128xf32, #tpu.memory_space<hbm>> -> memref<64x128xf32, #tpu.memory_space<hbm>>
      tpu.wait_dma2 semaphore(%arg8 : memref<!tpu.dma_semaphore, #tpu.memory_space<semaphore_mem>>) src(%dma_wait3A_157 : memref<64x128xf32, #tpu.memory_space<hbm>>) dst(%arg5 : memref<64x128xf32, #tpu.memory_space<vmem>>)
      %run_scoped3A_158 = arith.constant 6 : i32
      "tpu.region"() ({
        %run_scoped3A_164 = tpu.sem_alloc : memref<!tpu.dma_semaphore, #tpu.memory_space<semaphore_mem>>
        %dma_start3A_165 = arith.constant 0 : i32
        %dma_start3A_166 = tpu.memref_slice %arg7[%run_scoped3A_158, %dma_start3A_165] : memref<8x64xi32, #tpu.memory_space<vmem>> -> memref<1x64xi32, #tpu.memory_space<vmem>>
        %dma_start3A_167 = tpu.memref_squeeze %dma_start3A_166 : memref<1x64xi32, #tpu.memory_space<vmem>> -> memref<64xi32, #tpu.memory_space<vmem>>
        %dma_start3A_168 = arith.constant 0 : i32
        %dma_start3A_169 = arith.constant 0 : i32
        %dma_start3A_170 = tpu.memref_slice %arg10[%dma_start3A_168, %dma_start3A_169] : memref<10240x128xf32, #tpu.memory_space<vmem_shared>> -> memref<10240x128xf32, #tpu.memory_space<vmem_shared>>
        tpu.enqueue_indirect_dma source(%arg5 : memref<64x128xf32, #tpu.memory_space<vmem>>) target(%dma_start3A_170 : memref<10240x128xf32, #tpu.memory_space<vmem_shared>>) offsets(%dma_start3A_167 : memref<64xi32, #tpu.memory_space<vmem>>) semaphore(%run_scoped3A_164 : memref<!tpu.dma_semaphore, #tpu.memory_space<semaphore_mem>>) {add = true}
        %dma_wait3A_171 = arith.constant 0 : i32
        %dma_wait3A_172 = tpu.memref_slice %arg7[%run_scoped3A_158, %dma_wait3A_171] : memref<8x64xi32, #tpu.memory_space<vmem>> -> memref<1x64xi32, #tpu.memory_space<vmem>>
        %dma_wait3A_173 = tpu.memref_squeeze %dma_wait3A_172 : memref<1x64xi32, #tpu.memory_space<vmem>> -> memref<64xi32, #tpu.memory_space<vmem>>
        %dma_wait3A_174 = arith.constant 0 : i32
        %dma_wait3A_175 = arith.constant 0 : i32
        %dma_wait3A_176 = tpu.memref_slice %arg10[%dma_wait3A_174, %dma_wait3A_175] : memref<10240x128xf32, #tpu.memory_space<vmem_shared>> -> memref<10240x128xf32, #tpu.memory_space<vmem_shared>>
        tpu.wait_indirect_dma semaphore(%run_scoped3A_164 : memref<!tpu.dma_semaphore, #tpu.memory_space<semaphore_mem>>) src(%arg5 : memref<64x128xf32, #tpu.memory_space<vmem>>) dst(%dma_wait3A_176 : memref<10240x128xf32, #tpu.memory_space<vmem_shared>>)
        tpu.yield
      }) : () -> ()
      %dma_wait3A_159 = arith.constant 0 : i32
      %dma_wait3A_160 = tpu.memref_slice %arg2[%mul3A_149, %dma_wait3A_159] : memref<320000x128xf32, #tpu.memory_space<hbm>> -> memref<64x128xf32, #tpu.memory_space<hbm>>
      %dma_wait3A_161 = arith.constant 0 : i32
      %dma_wait3A_162 = tpu.memref_slice %arg2[%mul3A_149, %dma_wait3A_161] : memref<320000x128xf32, #tpu.memory_space<hbm>> -> memref<64x128xf32, #tpu.memory_space<hbm>>
      tpu.wait_dma2 semaphore(%arg9 : memref<!tpu.dma_semaphore, #tpu.memory_space<semaphore_mem>>) src(%dma_wait3A_162 : memref<64x128xf32, #tpu.memory_space<hbm>>) dst(%arg6 : memref<64x128xf32, #tpu.memory_space<vmem>>)
      %run_scoped3A_163 = arith.constant 7 : i32
      "tpu.region"() ({
        %run_scoped3A_164 = tpu.sem_alloc : memref<!tpu.dma_semaphore, #tpu.memory_space<semaphore_mem>>
        %dma_start3A_165 = arith.constant 0 : i32
        %dma_start3A_166 = tpu.memref_slice %arg7[%run_scoped3A_163, %dma_start3A_165] : memref<8x64xi32, #tpu.memory_space<vmem>> -> memref<1x64xi32, #tpu.memory_space<vmem>>
        %dma_start3A_167 = tpu.memref_squeeze %dma_start3A_166 : memref<1x64xi32, #tpu.memory_space<vmem>> -> memref<64xi32, #tpu.memory_space<vmem>>
        %dma_start3A_168 = arith.constant 0 : i32
        %dma_start3A_169 = arith.constant 0 : i32
        %dma_start3A_170 = tpu.memref_slice %arg10[%dma_start3A_168, %dma_start3A_169] : memref<10240x128xf32, #tpu.memory_space<vmem_shared>> -> memref<10240x128xf32, #tpu.memory_space<vmem_shared>>
        tpu.enqueue_indirect_dma source(%arg6 : memref<64x128xf32, #tpu.memory_space<vmem>>) target(%dma_start3A_170 : memref<10240x128xf32, #tpu.memory_space<vmem_shared>>) offsets(%dma_start3A_167 : memref<64xi32, #tpu.memory_space<vmem>>) semaphore(%run_scoped3A_164 : memref<!tpu.dma_semaphore, #tpu.memory_space<semaphore_mem>>) {add = true}
        %dma_wait3A_171 = arith.constant 0 : i32
        %dma_wait3A_172 = tpu.memref_slice %arg7[%run_scoped3A_163, %dma_wait3A_171] : memref<8x64xi32, #tpu.memory_space<vmem>> -> memref<1x64xi32, #tpu.memory_space<vmem>>
        %dma_wait3A_173 = tpu.memref_squeeze %dma_wait3A_172 : memref<1x64xi32, #tpu.memory_space<vmem>> -> memref<64xi32, #tpu.memory_space<vmem>>
        %dma_wait3A_174 = arith.constant 0 : i32
        %dma_wait3A_175 = arith.constant 0 : i32
        %dma_wait3A_176 = tpu.memref_slice %arg10[%dma_wait3A_174, %dma_wait3A_175] : memref<10240x128xf32, #tpu.memory_space<vmem_shared>> -> memref<10240x128xf32, #tpu.memory_space<vmem_shared>>
        tpu.wait_indirect_dma semaphore(%run_scoped3A_164 : memref<!tpu.dma_semaphore, #tpu.memory_space<semaphore_mem>>) src(%arg6 : memref<64x128xf32, #tpu.memory_space<vmem>>) dst(%dma_wait3A_176 : memref<10240x128xf32, #tpu.memory_space<vmem_shared>>)
        tpu.yield
      }) : () -> ()
    } else {
    }
    %barrier3A_41 = arith.constant 0 : index
    tpu.barrier barrier_id(%barrier3A_41)
    %mul3A_42 = arith.constant 640 : i32
    %mul3A_43 = arith.muli %arg1, %mul3A_42 : i32
    %mul3A_44 = arith.constant 10240 : i32
    %mul3A_45 = arith.muli %arg0, %mul3A_44 : i32
    %add3A_46 = arith.addi %mul3A_45, %mul3A_43 : i32
    "tpu.region"() ({
      %run_scoped3A = tpu.sem_alloc : memref<!tpu.dma_semaphore, #tpu.memory_space<semaphore_mem>>
      %dma_start3A = arith.constant 0 : i32
      %dma_start3A_47 = tpu.memref_slice %arg4[%add3A_46, %dma_start3A] : memref<20480x128xf32, #tpu.memory_space<hbm>> -> memref<640x128xf32, #tpu.memory_space<hbm>>
      %dma_start3A_48 = arith.constant 0 : i32
      %dma_start3A_49 = tpu.memref_slice %arg10[%mul3A_43, %dma_start3A_48] : memref<10240x128xf32, #tpu.memory_space<vmem_shared>> -> memref<640x128xf32, #tpu.memory_space<vmem_shared>>
      tpu.enqueue_dma source(%dma_start3A_49 : memref<640x128xf32, #tpu.memory_space<vmem_shared>>) target(%dma_start3A_47 : memref<640x128xf32, #tpu.memory_space<hbm>>) target_semaphore(%run_scoped3A : memref<!tpu.dma_semaphore, #tpu.memory_space<semaphore_mem>>)
      %dma_wait3A = arith.constant 0 : i32
      %dma_wait3A_50 = tpu.memref_slice %arg4[%add3A_46, %dma_wait3A] : memref<20480x128xf32, #tpu.memory_space<hbm>> -> memref<640x128xf32, #tpu.memory_space<hbm>>
      %dma_wait3A_51 = arith.constant 0 : i32
      %dma_wait3A_52 = tpu.memref_slice %arg10[%mul3A_43, %dma_wait3A_51] : memref<10240x128xf32, #tpu.memory_space<vmem_shared>> -> memref<640x128xf32, #tpu.memory_space<vmem_shared>>
      tpu.wait_dma2 semaphore(%run_scoped3A : memref<!tpu.dma_semaphore, #tpu.memory_space<semaphore_mem>>) src(%dma_wait3A_52 : memref<640x128xf32, #tpu.memory_space<vmem_shared>>) dst(%dma_wait3A_50 : memref<640x128xf32, #tpu.memory_space<hbm>>)
      tpu.yield
    }) : () -> ()
    return
  }
}

#map = affine_map<(d0, d1) -> (0, 0)>
#map1 = affine_map<(d0, d1) -> (0, 0, 0)>
module attributes {stable_mosaic.version = 14 : i64} {
  func.func @_sc_scatter_agg(%arg0: i32, %arg1: i32, %arg2: memref<320000x128xf32, #tpu.memory_space<hbm>>, %arg3: memref<625x8x64xi32, #tpu.memory_space<hbm>>, %arg4: memref<20480x128xf32, #tpu.memory_space<hbm>>, %arg5: memref<64x128xf32, #tpu.memory_space<vmem>>, %arg6: memref<64x128xf32, #tpu.memory_space<vmem>>, %arg7: memref<8x64xi32, #tpu.memory_space<vmem>>, %arg8: memref<!tpu.dma_semaphore, #tpu.memory_space<semaphore_mem>>, %arg9: memref<!tpu.dma_semaphore, #tpu.memory_space<semaphore_mem>>, %arg10: memref<10240x128xf32, #tpu.memory_space<vmem_shared>>) attributes {dimension_semantics = [#tpu.dimension_semantics<core_parallel>, #tpu.dimension_semantics<subcore_parallel>], iteration_bounds = array<i64: 2, 16>, scalar_prefetch = 0 : i64, scratch_operands = 6 : i64, tpu.core_type = #tpu.core_type<sc_vector_subcore>, window_params = [{transform_indices = #map}, {transform_indices = #map1}, {transform_indices = #map}]} {
    %mul3A = arith.constant 16 : i32
    %mul3A_0 = arith.muli %arg0, %mul3A : i32
    %add3A = arith.addi %mul3A_0, %arg1 : i32
    %broadcast_in_dim3A = arith.constant 0.000000e+00 : f32
    %broadcast_in_dim3A_1 = vector.broadcast %broadcast_in_dim3A : f32 to vector<16xf32>
    %scan3A = arith.constant 0 : i32
    %scan3A_2 = arith.constant 0 : i32
    %scan3A_3 = arith.constant 64 : i32
    %scan3A_4 = arith.addi %scan3A_2, %scan3A_3 : i32
    %scan3A_5 = arith.constant 1 : i32
    scf.for %scan3A_47 = %scan3A_2 to %scan3A_4 step %scan3A_5  : i32 {
      %swap3A = arith.index_cast %scan3A_47 : i32 to index
      %swap3A_48 = arith.constant 0 : index
      %swap3A_49 = tpu.vector_load %arg5[%swap3A, %swap3A_48] {strides = array<i32>} : memref<64x128xf32, #tpu.memory_space<vmem>>, vector<1x16xf32>,
      %swap3A_50 = vector.shape_cast %swap3A_49 : vector<1x16xf32> to vector<16xf32>
      %swap3A_51 = vector.shape_cast %broadcast_in_dim3A_1 : vector<16xf32> to vector<1x16xf32>
      tpu.vector_store %arg5[%swap3A, %swap3A_48], %swap3A_51 {strides = array<i32>} : memref<64x128xf32, #tpu.memory_space<vmem>>, vector<1x16xf32>,
      %swap3A_52 = arith.index_cast %scan3A_47 : i32 to index
      %swap3A_53 = arith.constant 16 : index
      %swap3A_54 = tpu.vector_load %arg5[%swap3A_52, %swap3A_53] {strides = array<i32>} : memref<64x128xf32, #tpu.memory_space<vmem>>, vector<1x16xf32>,
      %swap3A_55 = vector.shape_cast %swap3A_54 : vector<1x16xf32> to vector<16xf32>
      %swap3A_56 = vector.shape_cast %broadcast_in_dim3A_1 : vector<16xf32> to vector<1x16xf32>
      tpu.vector_store %arg5[%swap3A_52, %swap3A_53], %swap3A_56 {strides = array<i32>} : memref<64x128xf32, #tpu.memory_space<vmem>>, vector<1x16xf32>,
      %swap3A_57 = arith.index_cast %scan3A_47 : i32 to index
      %swap3A_58 = arith.constant 32 : index
      %swap3A_59 = tpu.vector_load %arg5[%swap3A_57, %swap3A_58] {strides = array<i32>} : memref<64x128xf32, #tpu.memory_space<vmem>>, vector<1x16xf32>,
      %swap3A_60 = vector.shape_cast %swap3A_59 : vector<1x16xf32> to vector<16xf32>
      %swap3A_61 = vector.shape_cast %broadcast_in_dim3A_1 : vector<16xf32> to vector<1x16xf32>
      tpu.vector_store %arg5[%swap3A_57, %swap3A_58], %swap3A_61 {strides = array<i32>} : memref<64x128xf32, #tpu.memory_space<vmem>>, vector<1x16xf32>,
      %swap3A_62 = arith.index_cast %scan3A_47 : i32 to index
      %swap3A_63 = arith.constant 48 : index
      %swap3A_64 = tpu.vector_load %arg5[%swap3A_62, %swap3A_63] {strides = array<i32>} : memref<64x128xf32, #tpu.memory_space<vmem>>, vector<1x16xf32>,
      %swap3A_65 = vector.shape_cast %swap3A_64 : vector<1x16xf32> to vector<16xf32>
      %swap3A_66 = vector.shape_cast %broadcast_in_dim3A_1 : vector<16xf32> to vector<1x16xf32>
      tpu.vector_store %arg5[%swap3A_62, %swap3A_63], %swap3A_66 {strides = array<i32>} : memref<64x128xf32, #tpu.memory_space<vmem>>, vector<1x16xf32>,
      %swap3A_67 = arith.index_cast %scan3A_47 : i32 to index
      %swap3A_68 = arith.constant 64 : index
      %swap3A_69 = tpu.vector_load %arg5[%swap3A_67, %swap3A_68] {strides = array<i32>} : memref<64x128xf32, #tpu.memory_space<vmem>>, vector<1x16xf32>,
      %swap3A_70 = vector.shape_cast %swap3A_69 : vector<1x16xf32> to vector<16xf32>
      %swap3A_71 = vector.shape_cast %broadcast_in_dim3A_1 : vector<16xf32> to vector<1x16xf32>
      tpu.vector_store %arg5[%swap3A_67, %swap3A_68], %swap3A_71 {strides = array<i32>} : memref<64x128xf32, #tpu.memory_space<vmem>>, vector<1x16xf32>,
      %swap3A_72 = arith.index_cast %scan3A_47 : i32 to index
      %swap3A_73 = arith.constant 80 : index
      %swap3A_74 = tpu.vector_load %arg5[%swap3A_72, %swap3A_73] {strides = array<i32>} : memref<64x128xf32, #tpu.memory_space<vmem>>, vector<1x16xf32>,
      %swap3A_75 = vector.shape_cast %swap3A_74 : vector<1x16xf32> to vector<16xf32>
      %swap3A_76 = vector.shape_cast %broadcast_in_dim3A_1 : vector<16xf32> to vector<1x16xf32>
      tpu.vector_store %arg5[%swap3A_72, %swap3A_73], %swap3A_76 {strides = array<i32>} : memref<64x128xf32, #tpu.memory_space<vmem>>, vector<1x16xf32>,
      %swap3A_77 = arith.index_cast %scan3A_47 : i32 to index
      %swap3A_78 = arith.constant 96 : index
      %swap3A_79 = tpu.vector_load %arg5[%swap3A_77, %swap3A_78] {strides = array<i32>} : memref<64x128xf32, #tpu.memory_space<vmem>>, vector<1x16xf32>,
      %swap3A_80 = vector.shape_cast %swap3A_79 : vector<1x16xf32> to vector<16xf32>
      %swap3A_81 = vector.shape_cast %broadcast_in_dim3A_1 : vector<16xf32> to vector<1x16xf32>
      tpu.vector_store %arg5[%swap3A_77, %swap3A_78], %swap3A_81 {strides = array<i32>} : memref<64x128xf32, #tpu.memory_space<vmem>>, vector<1x16xf32>,
      %swap3A_82 = arith.index_cast %scan3A_47 : i32 to index
      %swap3A_83 = arith.constant 112 : index
      %swap3A_84 = tpu.vector_load %arg5[%swap3A_82, %swap3A_83] {strides = array<i32>} : memref<64x128xf32, #tpu.memory_space<vmem>>, vector<1x16xf32>,
      %swap3A_85 = vector.shape_cast %swap3A_84 : vector<1x16xf32> to vector<16xf32>
      %swap3A_86 = vector.shape_cast %broadcast_in_dim3A_1 : vector<16xf32> to vector<1x16xf32>
      tpu.vector_store %arg5[%swap3A_82, %swap3A_83], %swap3A_86 {strides = array<i32>} : memref<64x128xf32, #tpu.memory_space<vmem>>, vector<1x16xf32>,
    }
    %scan3A_6 = arith.constant 64 : i32
    %mul3A_7 = arith.constant 640 : i32
    %mul3A_8 = arith.muli %arg1, %mul3A_7 : i32
    %add3A_9 = arith.constant 0 : i32
    %add3A_10 = arith.addi %mul3A_8, %add3A_9 : i32
    "tpu.region"() ({
      %run_scoped3A = tpu.sem_alloc : memref<!tpu.dma_semaphore, #tpu.memory_space<semaphore_mem>>
      %dma_start3A = arith.constant 0 : i32
      %dma_start3A_47 = tpu.memref_slice %arg10[%add3A_10, %dma_start3A] : memref<10240x128xf32, #tpu.memory_space<vmem_shared>> -> memref<64x128xf32, #tpu.memory_space<vmem_shared>>
      %dma_start3A_48 = arith.constant 0 : i32
      %dma_start3A_49 = tpu.memref_slice %arg10[%add3A_10, %dma_start3A_48] : memref<10240x128xf32, #tpu.memory_space<vmem_shared>> -> memref<64x128xf32, #tpu.memory_space<vmem_shared>>
      tpu.enqueue_dma source(%arg5 : memref<64x128xf32, #tpu.memory_space<vmem>>) target(%dma_start3A_49 : memref<64x128xf32, #tpu.memory_space<vmem_shared>>) target_semaphore(%run_scoped3A : memref<!tpu.dma_semaphore, #tpu.memory_space<semaphore_mem>>)
      %dma_wait3A = arith.constant 0 : i32
      %dma_wait3A_50 = tpu.memref_slice %arg10[%add3A_10, %dma_wait3A] : memref<10240x128xf32, #tpu.memory_space<vmem_shared>> -> memref<64x128xf32, #tpu.memory_space<vmem_shared>>
      %dma_wait3A_51 = arith.constant 0 : i32
      %dma_wait3A_52 = tpu.memref_slice %arg10[%add3A_10, %dma_wait3A_51] : memref<10240x128xf32, #tpu.memory_space<vmem_shared>> -> memref<64x128xf32, #tpu.memory_space<vmem_shared>>
      tpu.wait_dma2 semaphore(%run_scoped3A : memref<!tpu.dma_semaphore, #tpu.memory_space<semaphore_mem>>) src(%arg5 : memref<64x128xf32, #tpu.memory_space<vmem>>) dst(%dma_wait3A_52 : memref<64x128xf32, #tpu.memory_space<vmem_shared>>)
      tpu.yield
    }) : () -> ()
    %add3A_11 = arith.constant 64 : i32
    %add3A_12 = arith.addi %mul3A_8, %add3A_11 : i32
    "tpu.region"() ({
      %run_scoped3A = tpu.sem_alloc : memref<!tpu.dma_semaphore, #tpu.memory_space<semaphore_mem>>
      %dma_start3A = arith.constant 0 : i32
      %dma_start3A_47 = tpu.memref_slice %arg10[%add3A_12, %dma_start3A] : memref<10240x128xf32, #tpu.memory_space<vmem_shared>> -> memref<64x128xf32, #tpu.memory_space<vmem_shared>>
      %dma_start3A_48 = arith.constant 0 : i32
      %dma_start3A_49 = tpu.memref_slice %arg10[%add3A_12, %dma_start3A_48] : memref<10240x128xf32, #tpu.memory_space<vmem_shared>> -> memref<64x128xf32, #tpu.memory_space<vmem_shared>>
      tpu.enqueue_dma source(%arg5 : memref<64x128xf32, #tpu.memory_space<vmem>>) target(%dma_start3A_49 : memref<64x128xf32, #tpu.memory_space<vmem_shared>>) target_semaphore(%run_scoped3A : memref<!tpu.dma_semaphore, #tpu.memory_space<semaphore_mem>>)
      %dma_wait3A = arith.constant 0 : i32
      %dma_wait3A_50 = tpu.memref_slice %arg10[%add3A_12, %dma_wait3A] : memref<10240x128xf32, #tpu.memory_space<vmem_shared>> -> memref<64x128xf32, #tpu.memory_space<vmem_shared>>
      %dma_wait3A_51 = arith.constant 0 : i32
      %dma_wait3A_52 = tpu.memref_slice %arg10[%add3A_12, %dma_wait3A_51] : memref<10240x128xf32, #tpu.memory_space<vmem_shared>> -> memref<64x128xf32, #tpu.memory_space<vmem_shared>>
      tpu.wait_dma2 semaphore(%run_scoped3A : memref<!tpu.dma_semaphore, #tpu.memory_space<semaphore_mem>>) src(%arg5 : memref<64x128xf32, #tpu.memory_space<vmem>>) dst(%dma_wait3A_52 : memref<64x128xf32, #tpu.memory_space<vmem_shared>>)
      tpu.yield
    }) : () -> ()
    %add3A_13 = arith.constant 128 : i32
    %add3A_14 = arith.addi %mul3A_8, %add3A_13 : i32
    "tpu.region"() ({
      %run_scoped3A = tpu.sem_alloc : memref<!tpu.dma_semaphore, #tpu.memory_space<semaphore_mem>>
      %dma_start3A = arith.constant 0 : i32
      %dma_start3A_47 = tpu.memref_slice %arg10[%add3A_14, %dma_start3A] : memref<10240x128xf32, #tpu.memory_space<vmem_shared>> -> memref<64x128xf32, #tpu.memory_space<vmem_shared>>
      %dma_start3A_48 = arith.constant 0 : i32
      %dma_start3A_49 = tpu.memref_slice %arg10[%add3A_14, %dma_start3A_48] : memref<10240x128xf32, #tpu.memory_space<vmem_shared>> -> memref<64x128xf32, #tpu.memory_space<vmem_shared>>
      tpu.enqueue_dma source(%arg5 : memref<64x128xf32, #tpu.memory_space<vmem>>) target(%dma_start3A_49 : memref<64x128xf32, #tpu.memory_space<vmem_shared>>) target_semaphore(%run_scoped3A : memref<!tpu.dma_semaphore, #tpu.memory_space<semaphore_mem>>)
      %dma_wait3A = arith.constant 0 : i32
      %dma_wait3A_50 = tpu.memref_slice %arg10[%add3A_14, %dma_wait3A] : memref<10240x128xf32, #tpu.memory_space<vmem_shared>> -> memref<64x128xf32, #tpu.memory_space<vmem_shared>>
      %dma_wait3A_51 = arith.constant 0 : i32
      %dma_wait3A_52 = tpu.memref_slice %arg10[%add3A_14, %dma_wait3A_51] : memref<10240x128xf32, #tpu.memory_space<vmem_shared>> -> memref<64x128xf32, #tpu.memory_space<vmem_shared>>
      tpu.wait_dma2 semaphore(%run_scoped3A : memref<!tpu.dma_semaphore, #tpu.memory_space<semaphore_mem>>) src(%arg5 : memref<64x128xf32, #tpu.memory_space<vmem>>) dst(%dma_wait3A_52 : memref<64x128xf32, #tpu.memory_space<vmem_shared>>)
      tpu.yield
    }) : () -> ()
    %add3A_15 = arith.constant 192 : i32
    %add3A_16 = arith.addi %mul3A_8, %add3A_15 : i32
    "tpu.region"() ({
      %run_scoped3A = tpu.sem_alloc : memref<!tpu.dma_semaphore, #tpu.memory_space<semaphore_mem>>
      %dma_start3A = arith.constant 0 : i32
      %dma_start3A_47 = tpu.memref_slice %arg10[%add3A_16, %dma_start3A] : memref<10240x128xf32, #tpu.memory_space<vmem_shared>> -> memref<64x128xf32, #tpu.memory_space<vmem_shared>>
      %dma_start3A_48 = arith.constant 0 : i32
      %dma_start3A_49 = tpu.memref_slice %arg10[%add3A_16, %dma_start3A_48] : memref<10240x128xf32, #tpu.memory_space<vmem_shared>> -> memref<64x128xf32, #tpu.memory_space<vmem_shared>>
      tpu.enqueue_dma source(%arg5 : memref<64x128xf32, #tpu.memory_space<vmem>>) target(%dma_start3A_49 : memref<64x128xf32, #tpu.memory_space<vmem_shared>>) target_semaphore(%run_scoped3A : memref<!tpu.dma_semaphore, #tpu.memory_space<semaphore_mem>>)
      %dma_wait3A = arith.constant 0 : i32
      %dma_wait3A_50 = tpu.memref_slice %arg10[%add3A_16, %dma_wait3A] : memref<10240x128xf32, #tpu.memory_space<vmem_shared>> -> memref<64x128xf32, #tpu.memory_space<vmem_shared>>
      %dma_wait3A_51 = arith.constant 0 : i32
      %dma_wait3A_52 = tpu.memref_slice %arg10[%add3A_16, %dma_wait3A_51] : memref<10240x128xf32, #tpu.memory_space<vmem_shared>> -> memref<64x128xf32, #tpu.memory_space<vmem_shared>>
      tpu.wait_dma2 semaphore(%run_scoped3A : memref<!tpu.dma_semaphore, #tpu.memory_space<semaphore_mem>>) src(%arg5 : memref<64x128xf32, #tpu.memory_space<vmem>>) dst(%dma_wait3A_52 : memref<64x128xf32, #tpu.memory_space<vmem_shared>>)
      tpu.yield
    }) : () -> ()
    %add3A_17 = arith.constant 256 : i32
    %add3A_18 = arith.addi %mul3A_8, %add3A_17 : i32
    "tpu.region"() ({
      %run_scoped3A = tpu.sem_alloc : memref<!tpu.dma_semaphore, #tpu.memory_space<semaphore_mem>>
      %dma_start3A = arith.constant 0 : i32
      %dma_start3A_47 = tpu.memref_slice %arg10[%add3A_18, %dma_start3A] : memref<10240x128xf32, #tpu.memory_space<vmem_shared>> -> memref<64x128xf32, #tpu.memory_space<vmem_shared>>
      %dma_start3A_48 = arith.constant 0 : i32
      %dma_start3A_49 = tpu.memref_slice %arg10[%add3A_18, %dma_start3A_48] : memref<10240x128xf32, #tpu.memory_space<vmem_shared>> -> memref<64x128xf32, #tpu.memory_space<vmem_shared>>
      tpu.enqueue_dma source(%arg5 : memref<64x128xf32, #tpu.memory_space<vmem>>) target(%dma_start3A_49 : memref<64x128xf32, #tpu.memory_space<vmem_shared>>) target_semaphore(%run_scoped3A : memref<!tpu.dma_semaphore, #tpu.memory_space<semaphore_mem>>)
      %dma_wait3A = arith.constant 0 : i32
      %dma_wait3A_50 = tpu.memref_slice %arg10[%add3A_18, %dma_wait3A] : memref<10240x128xf32, #tpu.memory_space<vmem_shared>> -> memref<64x128xf32, #tpu.memory_space<vmem_shared>>
      %dma_wait3A_51 = arith.constant 0 : i32
      %dma_wait3A_52 = tpu.memref_slice %arg10[%add3A_18, %dma_wait3A_51] : memref<10240x128xf32, #tpu.memory_space<vmem_shared>> -> memref<64x128xf32, #tpu.memory_space<vmem_shared>>
      tpu.wait_dma2 semaphore(%run_scoped3A : memref<!tpu.dma_semaphore, #tpu.memory_space<semaphore_mem>>) src(%arg5 : memref<64x128xf32, #tpu.memory_space<vmem>>) dst(%dma_wait3A_52 : memref<64x128xf32, #tpu.memory_space<vmem_shared>>)
      tpu.yield
    }) : () -> ()
    %add3A_19 = arith.constant 320 : i32
    %add3A_20 = arith.addi %mul3A_8, %add3A_19 : i32
    "tpu.region"() ({
      %run_scoped3A = tpu.sem_alloc : memref<!tpu.dma_semaphore, #tpu.memory_space<semaphore_mem>>
      %dma_start3A = arith.constant 0 : i32
      %dma_start3A_47 = tpu.memref_slice %arg10[%add3A_20, %dma_start3A] : memref<10240x128xf32, #tpu.memory_space<vmem_shared>> -> memref<64x128xf32, #tpu.memory_space<vmem_shared>>
      %dma_start3A_48 = arith.constant 0 : i32
      %dma_start3A_49 = tpu.memref_slice %arg10[%add3A_20, %dma_start3A_48] : memref<10240x128xf32, #tpu.memory_space<vmem_shared>> -> memref<64x128xf32, #tpu.memory_space<vmem_shared>>
      tpu.enqueue_dma source(%arg5 : memref<64x128xf32, #tpu.memory_space<vmem>>) target(%dma_start3A_49 : memref<64x128xf32, #tpu.memory_space<vmem_shared>>) target_semaphore(%run_scoped3A : memref<!tpu.dma_semaphore, #tpu.memory_space<semaphore_mem>>)
      %dma_wait3A = arith.constant 0 : i32
      %dma_wait3A_50 = tpu.memref_slice %arg10[%add3A_20, %dma_wait3A] : memref<10240x128xf32, #tpu.memory_space<vmem_shared>> -> memref<64x128xf32, #tpu.memory_space<vmem_shared>>
      %dma_wait3A_51 = arith.constant 0 : i32
      %dma_wait3A_52 = tpu.memref_slice %arg10[%add3A_20, %dma_wait3A_51] : memref<10240x128xf32, #tpu.memory_space<vmem_shared>> -> memref<64x128xf32, #tpu.memory_space<vmem_shared>>
      tpu.wait_dma2 semaphore(%run_scoped3A : memref<!tpu.dma_semaphore, #tpu.memory_space<semaphore_mem>>) src(%arg5 : memref<64x128xf32, #tpu.memory_space<vmem>>) dst(%dma_wait3A_52 : memref<64x128xf32, #tpu.memory_space<vmem_shared>>)
      tpu.yield
    }) : () -> ()
    %add3A_21 = arith.constant 384 : i32
    %add3A_22 = arith.addi %mul3A_8, %add3A_21 : i32
    "tpu.region"() ({
      %run_scoped3A = tpu.sem_alloc : memref<!tpu.dma_semaphore, #tpu.memory_space<semaphore_mem>>
      %dma_start3A = arith.constant 0 : i32
      %dma_start3A_47 = tpu.memref_slice %arg10[%add3A_22, %dma_start3A] : memref<10240x128xf32, #tpu.memory_space<vmem_shared>> -> memref<64x128xf32, #tpu.memory_space<vmem_shared>>
      %dma_start3A_48 = arith.constant 0 : i32
      %dma_start3A_49 = tpu.memref_slice %arg10[%add3A_22, %dma_start3A_48] : memref<10240x128xf32, #tpu.memory_space<vmem_shared>> -> memref<64x128xf32, #tpu.memory_space<vmem_shared>>
      tpu.enqueue_dma source(%arg5 : memref<64x128xf32, #tpu.memory_space<vmem>>) target(%dma_start3A_49 : memref<64x128xf32, #tpu.memory_space<vmem_shared>>) target_semaphore(%run_scoped3A : memref<!tpu.dma_semaphore, #tpu.memory_space<semaphore_mem>>)
      %dma_wait3A = arith.constant 0 : i32
      %dma_wait3A_50 = tpu.memref_slice %arg10[%add3A_22, %dma_wait3A] : memref<10240x128xf32, #tpu.memory_space<vmem_shared>> -> memref<64x128xf32, #tpu.memory_space<vmem_shared>>
      %dma_wait3A_51 = arith.constant 0 : i32
      %dma_wait3A_52 = tpu.memref_slice %arg10[%add3A_22, %dma_wait3A_51] : memref<10240x128xf32, #tpu.memory_space<vmem_shared>> -> memref<64x128xf32, #tpu.memory_space<vmem_shared>>
      tpu.wait_dma2 semaphore(%run_scoped3A : memref<!tpu.dma_semaphore, #tpu.memory_space<semaphore_mem>>) src(%arg5 : memref<64x128xf32, #tpu.memory_space<vmem>>) dst(%dma_wait3A_52 : memref<64x128xf32, #tpu.memory_space<vmem_shared>>)
      tpu.yield
    }) : () -> ()
    %add3A_23 = arith.constant 448 : i32
    %add3A_24 = arith.addi %mul3A_8, %add3A_23 : i32
    "tpu.region"() ({
      %run_scoped3A = tpu.sem_alloc : memref<!tpu.dma_semaphore, #tpu.memory_space<semaphore_mem>>
      %dma_start3A = arith.constant 0 : i32
      %dma_start3A_47 = tpu.memref_slice %arg10[%add3A_24, %dma_start3A] : memref<10240x128xf32, #tpu.memory_space<vmem_shared>> -> memref<64x128xf32, #tpu.memory_space<vmem_shared>>
      %dma_start3A_48 = arith.constant 0 : i32
      %dma_start3A_49 = tpu.memref_slice %arg10[%add3A_24, %dma_start3A_48] : memref<10240x128xf32, #tpu.memory_space<vmem_shared>> -> memref<64x128xf32, #tpu.memory_space<vmem_shared>>
      tpu.enqueue_dma source(%arg5 : memref<64x128xf32, #tpu.memory_space<vmem>>) target(%dma_start3A_49 : memref<64x128xf32, #tpu.memory_space<vmem_shared>>) target_semaphore(%run_scoped3A : memref<!tpu.dma_semaphore, #tpu.memory_space<semaphore_mem>>)
      %dma_wait3A = arith.constant 0 : i32
      %dma_wait3A_50 = tpu.memref_slice %arg10[%add3A_24, %dma_wait3A] : memref<10240x128xf32, #tpu.memory_space<vmem_shared>> -> memref<64x128xf32, #tpu.memory_space<vmem_shared>>
      %dma_wait3A_51 = arith.constant 0 : i32
      %dma_wait3A_52 = tpu.memref_slice %arg10[%add3A_24, %dma_wait3A_51] : memref<10240x128xf32, #tpu.memory_space<vmem_shared>> -> memref<64x128xf32, #tpu.memory_space<vmem_shared>>
      tpu.wait_dma2 semaphore(%run_scoped3A : memref<!tpu.dma_semaphore, #tpu.memory_space<semaphore_mem>>) src(%arg5 : memref<64x128xf32, #tpu.memory_space<vmem>>) dst(%dma_wait3A_52 : memref<64x128xf32, #tpu.memory_space<vmem_shared>>)
      tpu.yield
    }) : () -> ()
    %add3A_25 = arith.constant 512 : i32
    %add3A_26 = arith.addi %mul3A_8, %add3A_25 : i32
    "tpu.region"() ({
      %run_scoped3A = tpu.sem_alloc : memref<!tpu.dma_semaphore, #tpu.memory_space<semaphore_mem>>
      %dma_start3A = arith.constant 0 : i32
      %dma_start3A_47 = tpu.memref_slice %arg10[%add3A_26, %dma_start3A] : memref<10240x128xf32, #tpu.memory_space<vmem_shared>> -> memref<64x128xf32, #tpu.memory_space<vmem_shared>>
      %dma_start3A_48 = arith.constant 0 : i32
      %dma_start3A_49 = tpu.memref_slice %arg10[%add3A_26, %dma_start3A_48] : memref<10240x128xf32, #tpu.memory_space<vmem_shared>> -> memref<64x128xf32, #tpu.memory_space<vmem_shared>>
      tpu.enqueue_dma source(%arg5 : memref<64x128xf32, #tpu.memory_space<vmem>>) target(%dma_start3A_49 : memref<64x128xf32, #tpu.memory_space<vmem_shared>>) target_semaphore(%run_scoped3A : memref<!tpu.dma_semaphore, #tpu.memory_space<semaphore_mem>>)
      %dma_wait3A = arith.constant 0 : i32
      %dma_wait3A_50 = tpu.memref_slice %arg10[%add3A_26, %dma_wait3A] : memref<10240x128xf32, #tpu.memory_space<vmem_shared>> -> memref<64x128xf32, #tpu.memory_space<vmem_shared>>
      %dma_wait3A_51 = arith.constant 0 : i32
      %dma_wait3A_52 = tpu.memref_slice %arg10[%add3A_26, %dma_wait3A_51] : memref<10240x128xf32, #tpu.memory_space<vmem_shared>> -> memref<64x128xf32, #tpu.memory_space<vmem_shared>>
      tpu.wait_dma2 semaphore(%run_scoped3A : memref<!tpu.dma_semaphore, #tpu.memory_space<semaphore_mem>>) src(%arg5 : memref<64x128xf32, #tpu.memory_space<vmem>>) dst(%dma_wait3A_52 : memref<64x128xf32, #tpu.memory_space<vmem_shared>>)
      tpu.yield
    }) : () -> ()
    %add3A_27 = arith.constant 576 : i32
    %add3A_28 = arith.addi %mul3A_8, %add3A_27 : i32
    "tpu.region"() ({
      %run_scoped3A = tpu.sem_alloc : memref<!tpu.dma_semaphore, #tpu.memory_space<semaphore_mem>>
      %dma_start3A = arith.constant 0 : i32
      %dma_start3A_47 = tpu.memref_slice %arg10[%add3A_28, %dma_start3A] : memref<10240x128xf32, #tpu.memory_space<vmem_shared>> -> memref<64x128xf32, #tpu.memory_space<vmem_shared>>
      %dma_start3A_48 = arith.constant 0 : i32
      %dma_start3A_49 = tpu.memref_slice %arg10[%add3A_28, %dma_start3A_48] : memref<10240x128xf32, #tpu.memory_space<vmem_shared>> -> memref<64x128xf32, #tpu.memory_space<vmem_shared>>
      tpu.enqueue_dma source(%arg5 : memref<64x128xf32, #tpu.memory_space<vmem>>) target(%dma_start3A_49 : memref<64x128xf32, #tpu.memory_space<vmem_shared>>) target_semaphore(%run_scoped3A : memref<!tpu.dma_semaphore, #tpu.memory_space<semaphore_mem>>)
      %dma_wait3A = arith.constant 0 : i32
      %dma_wait3A_50 = tpu.memref_slice %arg10[%add3A_28, %dma_wait3A] : memref<10240x128xf32, #tpu.memory_space<vmem_shared>> -> memref<64x128xf32, #tpu.memory_space<vmem_shared>>
      %dma_wait3A_51 = arith.constant 0 : i32
      %dma_wait3A_52 = tpu.memref_slice %arg10[%add3A_28, %dma_wait3A_51] : memref<10240x128xf32, #tpu.memory_space<vmem_shared>> -> memref<64x128xf32, #tpu.memory_space<vmem_shared>>
      tpu.wait_dma2 semaphore(%run_scoped3A : memref<!tpu.dma_semaphore, #tpu.memory_space<semaphore_mem>>) src(%arg5 : memref<64x128xf32, #tpu.memory_space<vmem>>) dst(%dma_wait3A_52 : memref<64x128xf32, #tpu.memory_space<vmem_shared>>)
      tpu.yield
    }) : () -> ()
    %barrier3A = arith.constant 0 : index
    tpu.barrier barrier_id(%barrier3A)
    %mul3A_29 = arith.constant 19 : i32
    %mul3A_30 = arith.muli %add3A, %mul3A_29 : i32
    %min3A = arith.constant 17 : i32
    %min3A_31 = arith.minsi %add3A, %min3A : i32
    %add3A_32 = arith.addi %mul3A_30, %min3A_31 : i32
    %scan3A_33 = arith.constant 0 : i32
    %scan3A_34 = arith.constant 0 : i32
    %scan3A_35 = arith.constant 19 : i32
    %scan3A_36 = arith.addi %scan3A_34, %scan3A_35 : i32
    %scan3A_37 = arith.constant 1 : i32
    scf.for %scan3A_47 = %scan3A_34 to %scan3A_36 step %scan3A_37  : i32 {
      %add3A_48 = arith.addi %add3A_32, %scan3A_47 : i32
      "tpu.region"() ({
        %run_scoped3A_164 = tpu.sem_alloc : memref<!tpu.dma_semaphore, #tpu.memory_space<semaphore_mem>>
        %dma_start3A_165 = arith.constant 0 : i32
        %dma_start3A_166 = arith.constant 0 : i32
        %dma_start3A_167 = tpu.memref_slice %arg3[%add3A_48, %dma_start3A_165, %dma_start3A_166] : memref<625x8x64xi32, #tpu.memory_space<hbm>> -> memref<1x8x64xi32, #tpu.memory_space<hbm>>
        %dma_start3A_168 = tpu.memref_squeeze %dma_start3A_167 : memref<1x8x64xi32, #tpu.memory_space<hbm>> -> memref<8x64xi32, #tpu.memory_space<hbm>>
        %dma_start3A_169 = arith.constant 0 : i32
        %dma_start3A_170 = arith.constant 0 : i32
        %dma_start3A_171 = tpu.memref_slice %arg3[%add3A_48, %dma_start3A_169, %dma_start3A_170] : memref<625x8x64xi32, #tpu.memory_space<hbm>> -> memref<1x8x64xi32, #tpu.memory_space<hbm>>
        %dma_start3A_172 = tpu.memref_squeeze %dma_start3A_171 : memref<1x8x64xi32, #tpu.memory_space<hbm>> -> memref<8x64xi32, #tpu.memory_space<hbm>>
        tpu.enqueue_dma source(%dma_start3A_172 : memref<8x64xi32, #tpu.memory_space<hbm>>) target(%arg7 : memref<8x64xi32, #tpu.memory_space<vmem>>) target_semaphore(%run_scoped3A_164 : memref<!tpu.dma_semaphore, #tpu.memory_space<semaphore_mem>>)
        %dma_wait3A_173 = arith.constant 0 : i32
        %dma_wait3A_174 = arith.constant 0 : i32
        %dma_wait3A_175 = tpu.memref_slice %arg3[%add3A_48, %dma_wait3A_173, %dma_wait3A_174] : memref<625x8x64xi32, #tpu.memory_space<hbm>> -> memref<1x8x64xi32, #tpu.memory_space<hbm>>
        %dma_wait3A_176 = tpu.memref_squeeze %dma_wait3A_175 : memref<1x8x64xi32, #tpu.memory_space<hbm>> -> memref<8x64xi32, #tpu.memory_space<hbm>>
        %dma_wait3A_177 = arith.constant 0 : i32
        %dma_wait3A_178 = arith.constant 0 : i32
        %dma_wait3A_179 = tpu.memref_slice %arg3[%add3A_48, %dma_wait3A_177, %dma_wait3A_178] : memref<625x8x64xi32, #tpu.memory_space<hbm>> -> memref<1x8x64xi32, #tpu.memory_space<hbm>>
        %dma_wait3A_180 = tpu.memref_squeeze %dma_wait3A_179 : memref<1x8x64xi32, #tpu.memory_space<hbm>> -> memref<8x64xi32, #tpu.memory_space<hbm>>
        tpu.wait_dma2 semaphore(%run_scoped3A_164 : memref<!tpu.dma_semaphore, #tpu.memory_space<semaphore_mem>>) src(%dma_wait3A_180 : memref<8x64xi32, #tpu.memory_space<hbm>>) dst(%arg7 : memref<8x64xi32, #tpu.memory_space<vmem>>)
        tpu.yield
      }) : () -> ()
      %mul3A_49 = arith.constant 8 : i32
      %mul3A_50 = arith.muli %add3A_48, %mul3A_49 : i32
      %mul3A_51 = arith.constant 64 : i32
      %mul3A_52 = arith.muli %mul3A_50, %mul3A_51 : i32
      %dma_start3A = arith.constant 0 : i32
      %dma_start3A_53 = tpu.memref_slice %arg2[%mul3A_52, %dma_start3A] : memref<320000x128xf32, #tpu.memory_space<hbm>> -> memref<64x128xf32, #tpu.memory_space<hbm>>
      %dma_start3A_54 = arith.constant 0 : i32
      %dma_start3A_55 = tpu.memref_slice %arg2[%mul3A_52, %dma_start3A_54] : memref<320000x128xf32, #tpu.memory_space<hbm>> -> memref<64x128xf32, #tpu.memory_space<hbm>>
      tpu.enqueue_dma source(%dma_start3A_55 : memref<64x128xf32, #tpu.memory_space<hbm>>) target(%arg5 : memref<64x128xf32, #tpu.memory_space<vmem>>) target_semaphore(%arg8 : memref<!tpu.dma_semaphore, #tpu.memory_space<semaphore_mem>>)
      %add3A_56 = arith.constant 0 : i32
      %add3A_57 = arith.addi %mul3A_50, %add3A_56 : i32
      %add3A_58 = arith.constant 1 : i32
      %add3A_59 = arith.addi %add3A_57, %add3A_58 : i32
      %mul3A_60 = arith.constant 64 : i32
      %mul3A_61 = arith.muli %add3A_59, %mul3A_60 : i32
      %dma_start3A_62 = arith.constant 0 : i32
      %dma_start3A_63 = tpu.memref_slice %arg2[%mul3A_61, %dma_start3A_62] : memref<320000x128xf32, #tpu.memory_space<hbm>> -> memref<64x128xf32, #tpu.memory_space<hbm>>
      %dma_start3A_64 = arith.constant 0 : i32
      %dma_start3A_65 = tpu.memref_slice %arg2[%mul3A_61, %dma_start3A_64] : memref<320000x128xf32, #tpu.memory_space<hbm>> -> memref<64x128xf32, #tpu.memory_space<hbm>>
      tpu.enqueue_dma source(%dma_start3A_65 : memref<64x128xf32, #tpu.memory_space<hbm>>) target(%arg6 : memref<64x128xf32, #tpu.memory_space<vmem>>) target_semaphore(%arg9 : memref<!tpu.dma_semaphore, #tpu.memory_space<semaphore_mem>>)
      %dma_wait3A = arith.constant 0 : i32
      %dma_wait3A_66 = tpu.memref_slice %arg2[%mul3A_52, %dma_wait3A] : memref<320000x128xf32, #tpu.memory_space<hbm>> -> memref<64x128xf32, #tpu.memory_space<hbm>>
      %dma_wait3A_67 = arith.constant 0 : i32
      %dma_wait3A_68 = tpu.memref_slice %arg2[%mul3A_52, %dma_wait3A_67] : memref<320000x128xf32, #tpu.memory_space<hbm>> -> memref<64x128xf32, #tpu.memory_space<hbm>>
      tpu.wait_dma2 semaphore(%arg8 : memref<!tpu.dma_semaphore, #tpu.memory_space<semaphore_mem>>) src(%dma_wait3A_68 : memref<64x128xf32, #tpu.memory_space<hbm>>) dst(%arg5 : memref<64x128xf32, #tpu.memory_space<vmem>>)
      %run_scoped3A = arith.constant 0 : i32
      "tpu.region"() ({
        %run_scoped3A_164 = tpu.sem_alloc : memref<!tpu.dma_semaphore, #tpu.memory_space<semaphore_mem>>
        %dma_start3A_165 = arith.constant 0 : i32
        %dma_start3A_166 = tpu.memref_slice %arg7[%run_scoped3A, %dma_start3A_165] : memref<8x64xi32, #tpu.memory_space<vmem>> -> memref<1x64xi32, #tpu.memory_space<vmem>>
        %dma_start3A_167 = tpu.memref_squeeze %dma_start3A_166 : memref<1x64xi32, #tpu.memory_space<vmem>> -> memref<64xi32, #tpu.memory_space<vmem>>
        %dma_start3A_168 = arith.constant 0 : i32
        %dma_start3A_169 = arith.constant 0 : i32
        %dma_start3A_170 = tpu.memref_slice %arg10[%dma_start3A_168, %dma_start3A_169] : memref<10240x128xf32, #tpu.memory_space<vmem_shared>> -> memref<10240x128xf32, #tpu.memory_space<vmem_shared>>
        tpu.enqueue_indirect_dma source(%arg5 : memref<64x128xf32, #tpu.memory_space<vmem>>) target(%dma_start3A_170 : memref<10240x128xf32, #tpu.memory_space<vmem_shared>>) offsets(%dma_start3A_167 : memref<64xi32, #tpu.memory_space<vmem>>) semaphore(%run_scoped3A_164 : memref<!tpu.dma_semaphore, #tpu.memory_space<semaphore_mem>>) {add = true}
        %dma_wait3A_171 = arith.constant 0 : i32
        %dma_wait3A_172 = tpu.memref_slice %arg7[%run_scoped3A, %dma_wait3A_171] : memref<8x64xi32, #tpu.memory_space<vmem>> -> memref<1x64xi32, #tpu.memory_space<vmem>>
        %dma_wait3A_173 = tpu.memref_squeeze %dma_wait3A_172 : memref<1x64xi32, #tpu.memory_space<vmem>> -> memref<64xi32, #tpu.memory_space<vmem>>
        %dma_wait3A_174 = arith.constant 0 : i32
        %dma_wait3A_175 = arith.constant 0 : i32
        %dma_wait3A_176 = tpu.memref_slice %arg10[%dma_wait3A_174, %dma_wait3A_175] : memref<10240x128xf32, #tpu.memory_space<vmem_shared>> -> memref<10240x128xf32, #tpu.memory_space<vmem_shared>>
        tpu.wait_indirect_dma semaphore(%run_scoped3A_164 : memref<!tpu.dma_semaphore, #tpu.memory_space<semaphore_mem>>) src(%arg5 : memref<64x128xf32, #tpu.memory_space<vmem>>) dst(%dma_wait3A_176 : memref<10240x128xf32, #tpu.memory_space<vmem_shared>>)
        tpu.yield
      }) : () -> ()
      %add3A_69 = arith.constant 1 : i32
      %add3A_70 = arith.addi %mul3A_50, %add3A_69 : i32
      %add3A_71 = arith.constant 1 : i32
      %add3A_72 = arith.addi %add3A_70, %add3A_71 : i32
      %mul3A_73 = arith.constant 64 : i32
      %mul3A_74 = arith.muli %add3A_72, %mul3A_73 : i32
      %dma_start3A_75 = arith.constant 0 : i32
      %dma_start3A_76 = tpu.memref_slice %arg2[%mul3A_74, %dma_start3A_75] : memref<320000x128xf32, #tpu.memory_space<hbm>> -> memref<64x128xf32, #tpu.memory_space<hbm>>
      %dma_start3A_77 = arith.constant 0 : i32
      %dma_start3A_78 = tpu.memref_slice %arg2[%mul3A_74, %dma_start3A_77] : memref<320000x128xf32, #tpu.memory_space<hbm>> -> memref<64x128xf32, #tpu.memory_space<hbm>>
      tpu.enqueue_dma source(%dma_start3A_78 : memref<64x128xf32, #tpu.memory_space<hbm>>) target(%arg5 : memref<64x128xf32, #tpu.memory_space<vmem>>) target_semaphore(%arg8 : memref<!tpu.dma_semaphore, #tpu.memory_space<semaphore_mem>>)
      %dma_wait3A_79 = arith.constant 0 : i32
      %dma_wait3A_80 = tpu.memref_slice %arg2[%mul3A_61, %dma_wait3A_79] : memref<320000x128xf32, #tpu.memory_space<hbm>> -> memref<64x128xf32, #tpu.memory_space<hbm>>
      %dma_wait3A_81 = arith.constant 0 : i32
      %dma_wait3A_82 = tpu.memref_slice %arg2[%mul3A_61, %dma_wait3A_81] : memref<320000x128xf32, #tpu.memory_space<hbm>> -> memref<64x128xf32, #tpu.memory_space<hbm>>
      tpu.wait_dma2 semaphore(%arg9 : memref<!tpu.dma_semaphore, #tpu.memory_space<semaphore_mem>>) src(%dma_wait3A_82 : memref<64x128xf32, #tpu.memory_space<hbm>>) dst(%arg6 : memref<64x128xf32, #tpu.memory_space<vmem>>)
      %run_scoped3A_83 = arith.constant 1 : i32
      "tpu.region"() ({
        %run_scoped3A_164 = tpu.sem_alloc : memref<!tpu.dma_semaphore, #tpu.memory_space<semaphore_mem>>
        %dma_start3A_165 = arith.constant 0 : i32
        %dma_start3A_166 = tpu.memref_slice %arg7[%run_scoped3A_83, %dma_start3A_165] : memref<8x64xi32, #tpu.memory_space<vmem>> -> memref<1x64xi32, #tpu.memory_space<vmem>>
        %dma_start3A_167 = tpu.memref_squeeze %dma_start3A_166 : memref<1x64xi32, #tpu.memory_space<vmem>> -> memref<64xi32, #tpu.memory_space<vmem>>
        %dma_start3A_168 = arith.constant 0 : i32
        %dma_start3A_169 = arith.constant 0 : i32
        %dma_start3A_170 = tpu.memref_slice %arg10[%dma_start3A_168, %dma_start3A_169] : memref<10240x128xf32, #tpu.memory_space<vmem_shared>> -> memref<10240x128xf32, #tpu.memory_space<vmem_shared>>
        tpu.enqueue_indirect_dma source(%arg6 : memref<64x128xf32, #tpu.memory_space<vmem>>) target(%dma_start3A_170 : memref<10240x128xf32, #tpu.memory_space<vmem_shared>>) offsets(%dma_start3A_167 : memref<64xi32, #tpu.memory_space<vmem>>) semaphore(%run_scoped3A_164 : memref<!tpu.dma_semaphore, #tpu.memory_space<semaphore_mem>>) {add = true}
        %dma_wait3A_171 = arith.constant 0 : i32
        %dma_wait3A_172 = tpu.memref_slice %arg7[%run_scoped3A_83, %dma_wait3A_171] : memref<8x64xi32, #tpu.memory_space<vmem>> -> memref<1x64xi32, #tpu.memory_space<vmem>>
        %dma_wait3A_173 = tpu.memref_squeeze %dma_wait3A_172 : memref<1x64xi32, #tpu.memory_space<vmem>> -> memref<64xi32, #tpu.memory_space<vmem>>
        %dma_wait3A_174 = arith.constant 0 : i32
        %dma_wait3A_175 = arith.constant 0 : i32
        %dma_wait3A_176 = tpu.memref_slice %arg10[%dma_wait3A_174, %dma_wait3A_175] : memref<10240x128xf32, #tpu.memory_space<vmem_shared>> -> memref<10240x128xf32, #tpu.memory_space<vmem_shared>>
        tpu.wait_indirect_dma semaphore(%run_scoped3A_164 : memref<!tpu.dma_semaphore, #tpu.memory_space<semaphore_mem>>) src(%arg6 : memref<64x128xf32, #tpu.memory_space<vmem>>) dst(%dma_wait3A_176 : memref<10240x128xf32, #tpu.memory_space<vmem_shared>>)
        tpu.yield
      }) : () -> ()
      %add3A_84 = arith.constant 2 : i32
      %add3A_85 = arith.addi %mul3A_50, %add3A_84 : i32
      %add3A_86 = arith.constant 1 : i32
      %add3A_87 = arith.addi %add3A_85, %add3A_86 : i32
      %mul3A_88 = arith.constant 64 : i32
      %mul3A_89 = arith.muli %add3A_87, %mul3A_88 : i32
      %dma_start3A_90 = arith.constant 0 : i32
      %dma_start3A_91 = tpu.memref_slice %arg2[%mul3A_89, %dma_start3A_90] : memref<320000x128xf32, #tpu.memory_space<hbm>> -> memref<64x128xf32, #tpu.memory_space<hbm>>
      %dma_start3A_92 = arith.constant 0 : i32
      %dma_start3A_93 = tpu.memref_slice %arg2[%mul3A_89, %dma_start3A_92] : memref<320000x128xf32, #tpu.memory_space<hbm>> -> memref<64x128xf32, #tpu.memory_space<hbm>>
      tpu.enqueue_dma source(%dma_start3A_93 : memref<64x128xf32, #tpu.memory_space<hbm>>) target(%arg6 : memref<64x128xf32, #tpu.memory_space<vmem>>) target_semaphore(%arg9 : memref<!tpu.dma_semaphore, #tpu.memory_space<semaphore_mem>>)
      %dma_wait3A_94 = arith.constant 0 : i32
      %dma_wait3A_95 = tpu.memref_slice %arg2[%mul3A_74, %dma_wait3A_94] : memref<320000x128xf32, #tpu.memory_space<hbm>> -> memref<64x128xf32, #tpu.memory_space<hbm>>
      %dma_wait3A_96 = arith.constant 0 : i32
      %dma_wait3A_97 = tpu.memref_slice %arg2[%mul3A_74, %dma_wait3A_96] : memref<320000x128xf32, #tpu.memory_space<hbm>> -> memref<64x128xf32, #tpu.memory_space<hbm>>
      tpu.wait_dma2 semaphore(%arg8 : memref<!tpu.dma_semaphore, #tpu.memory_space<semaphore_mem>>) src(%dma_wait3A_97 : memref<64x128xf32, #tpu.memory_space<hbm>>) dst(%arg5 : memref<64x128xf32, #tpu.memory_space<vmem>>)
      %run_scoped3A_98 = arith.constant 2 : i32
      "tpu.region"() ({
        %run_scoped3A_164 = tpu.sem_alloc : memref<!tpu.dma_semaphore, #tpu.memory_space<semaphore_mem>>
        %dma_start3A_165 = arith.constant 0 : i32
        %dma_start3A_166 = tpu.memref_slice %arg7[%run_scoped3A_98, %dma_start3A_165] : memref<8x64xi32, #tpu.memory_space<vmem>> -> memref<1x64xi32, #tpu.memory_space<vmem>>
        %dma_start3A_167 = tpu.memref_squeeze %dma_start3A_166 : memref<1x64xi32, #tpu.memory_space<vmem>> -> memref<64xi32, #tpu.memory_space<vmem>>
        %dma_start3A_168 = arith.constant 0 : i32
        %dma_start3A_169 = arith.constant 0 : i32
        %dma_start3A_170 = tpu.memref_slice %arg10[%dma_start3A_168, %dma_start3A_169] : memref<10240x128xf32, #tpu.memory_space<vmem_shared>> -> memref<10240x128xf32, #tpu.memory_space<vmem_shared>>
        tpu.enqueue_indirect_dma source(%arg5 : memref<64x128xf32, #tpu.memory_space<vmem>>) target(%dma_start3A_170 : memref<10240x128xf32, #tpu.memory_space<vmem_shared>>) offsets(%dma_start3A_167 : memref<64xi32, #tpu.memory_space<vmem>>) semaphore(%run_scoped3A_164 : memref<!tpu.dma_semaphore, #tpu.memory_space<semaphore_mem>>) {add = true}
        %dma_wait3A_171 = arith.constant 0 : i32
        %dma_wait3A_172 = tpu.memref_slice %arg7[%run_scoped3A_98, %dma_wait3A_171] : memref<8x64xi32, #tpu.memory_space<vmem>> -> memref<1x64xi32, #tpu.memory_space<vmem>>
        %dma_wait3A_173 = tpu.memref_squeeze %dma_wait3A_172 : memref<1x64xi32, #tpu.memory_space<vmem>> -> memref<64xi32, #tpu.memory_space<vmem>>
        %dma_wait3A_174 = arith.constant 0 : i32
        %dma_wait3A_175 = arith.constant 0 : i32
        %dma_wait3A_176 = tpu.memref_slice %arg10[%dma_wait3A_174, %dma_wait3A_175] : memref<10240x128xf32, #tpu.memory_space<vmem_shared>> -> memref<10240x128xf32, #tpu.memory_space<vmem_shared>>
        tpu.wait_indirect_dma semaphore(%run_scoped3A_164 : memref<!tpu.dma_semaphore, #tpu.memory_space<semaphore_mem>>) src(%arg5 : memref<64x128xf32, #tpu.memory_space<vmem>>) dst(%dma_wait3A_176 : memref<10240x128xf32, #tpu.memory_space<vmem_shared>>)
        tpu.yield
      }) : () -> ()
      %add3A_99 = arith.constant 3 : i32
      %add3A_100 = arith.addi %mul3A_50, %add3A_99 : i32
      %add3A_101 = arith.constant 1 : i32
      %add3A_102 = arith.addi %add3A_100, %add3A_101 : i32
      %mul3A_103 = arith.constant 64 : i32
      %mul3A_104 = arith.muli %add3A_102, %mul3A_103 : i32
      %dma_start3A_105 = arith.constant 0 : i32
      %dma_start3A_106 = tpu.memref_slice %arg2[%mul3A_104, %dma_start3A_105] : memref<320000x128xf32, #tpu.memory_space<hbm>> -> memref<64x128xf32, #tpu.memory_space<hbm>>
      %dma_start3A_107 = arith.constant 0 : i32
      %dma_start3A_108 = tpu.memref_slice %arg2[%mul3A_104, %dma_start3A_107] : memref<320000x128xf32, #tpu.memory_space<hbm>> -> memref<64x128xf32, #tpu.memory_space<hbm>>
      tpu.enqueue_dma source(%dma_start3A_108 : memref<64x128xf32, #tpu.memory_space<hbm>>) target(%arg5 : memref<64x128xf32, #tpu.memory_space<vmem>>) target_semaphore(%arg8 : memref<!tpu.dma_semaphore, #tpu.memory_space<semaphore_mem>>)
      %dma_wait3A_109 = arith.constant 0 : i32
      %dma_wait3A_110 = tpu.memref_slice %arg2[%mul3A_89, %dma_wait3A_109] : memref<320000x128xf32, #tpu.memory_space<hbm>> -> memref<64x128xf32, #tpu.memory_space<hbm>>
      %dma_wait3A_111 = arith.constant 0 : i32
      %dma_wait3A_112 = tpu.memref_slice %arg2[%mul3A_89, %dma_wait3A_111] : memref<320000x128xf32, #tpu.memory_space<hbm>> -> memref<64x128xf32, #tpu.memory_space<hbm>>
      tpu.wait_dma2 semaphore(%arg9 : memref<!tpu.dma_semaphore, #tpu.memory_space<semaphore_mem>>) src(%dma_wait3A_112 : memref<64x128xf32, #tpu.memory_space<hbm>>) dst(%arg6 : memref<64x128xf32, #tpu.memory_space<vmem>>)
      %run_scoped3A_113 = arith.constant 3 : i32
      "tpu.region"() ({
        %run_scoped3A_164 = tpu.sem_alloc : memref<!tpu.dma_semaphore, #tpu.memory_space<semaphore_mem>>
        %dma_start3A_165 = arith.constant 0 : i32
        %dma_start3A_166 = tpu.memref_slice %arg7[%run_scoped3A_113, %dma_start3A_165] : memref<8x64xi32, #tpu.memory_space<vmem>> -> memref<1x64xi32, #tpu.memory_space<vmem>>
        %dma_start3A_167 = tpu.memref_squeeze %dma_start3A_166 : memref<1x64xi32, #tpu.memory_space<vmem>> -> memref<64xi32, #tpu.memory_space<vmem>>
        %dma_start3A_168 = arith.constant 0 : i32
        %dma_start3A_169 = arith.constant 0 : i32
        %dma_start3A_170 = tpu.memref_slice %arg10[%dma_start3A_168, %dma_start3A_169] : memref<10240x128xf32, #tpu.memory_space<vmem_shared>> -> memref<10240x128xf32, #tpu.memory_space<vmem_shared>>
        tpu.enqueue_indirect_dma source(%arg6 : memref<64x128xf32, #tpu.memory_space<vmem>>) target(%dma_start3A_170 : memref<10240x128xf32, #tpu.memory_space<vmem_shared>>) offsets(%dma_start3A_167 : memref<64xi32, #tpu.memory_space<vmem>>) semaphore(%run_scoped3A_164 : memref<!tpu.dma_semaphore, #tpu.memory_space<semaphore_mem>>) {add = true}
        %dma_wait3A_171 = arith.constant 0 : i32
        %dma_wait3A_172 = tpu.memref_slice %arg7[%run_scoped3A_113, %dma_wait3A_171] : memref<8x64xi32, #tpu.memory_space<vmem>> -> memref<1x64xi32, #tpu.memory_space<vmem>>
        %dma_wait3A_173 = tpu.memref_squeeze %dma_wait3A_172 : memref<1x64xi32, #tpu.memory_space<vmem>> -> memref<64xi32, #tpu.memory_space<vmem>>
        %dma_wait3A_174 = arith.constant 0 : i32
        %dma_wait3A_175 = arith.constant 0 : i32
        %dma_wait3A_176 = tpu.memref_slice %arg10[%dma_wait3A_174, %dma_wait3A_175] : memref<10240x128xf32, #tpu.memory_space<vmem_shared>> -> memref<10240x128xf32, #tpu.memory_space<vmem_shared>>
        tpu.wait_indirect_dma semaphore(%run_scoped3A_164 : memref<!tpu.dma_semaphore, #tpu.memory_space<semaphore_mem>>) src(%arg6 : memref<64x128xf32, #tpu.memory_space<vmem>>) dst(%dma_wait3A_176 : memref<10240x128xf32, #tpu.memory_space<vmem_shared>>)
        tpu.yield
      }) : () -> ()
      %add3A_114 = arith.constant 4 : i32
      %add3A_115 = arith.addi %mul3A_50, %add3A_114 : i32
      %add3A_116 = arith.constant 1 : i32
      %add3A_117 = arith.addi %add3A_115, %add3A_116 : i32
      %mul3A_118 = arith.constant 64 : i32
      %mul3A_119 = arith.muli %add3A_117, %mul3A_118 : i32
      %dma_start3A_120 = arith.constant 0 : i32
      %dma_start3A_121 = tpu.memref_slice %arg2[%mul3A_119, %dma_start3A_120] : memref<320000x128xf32, #tpu.memory_space<hbm>> -> memref<64x128xf32, #tpu.memory_space<hbm>>
      %dma_start3A_122 = arith.constant 0 : i32
      %dma_start3A_123 = tpu.memref_slice %arg2[%mul3A_119, %dma_start3A_122] : memref<320000x128xf32, #tpu.memory_space<hbm>> -> memref<64x128xf32, #tpu.memory_space<hbm>>
      tpu.enqueue_dma source(%dma_start3A_123 : memref<64x128xf32, #tpu.memory_space<hbm>>) target(%arg6 : memref<64x128xf32, #tpu.memory_space<vmem>>) target_semaphore(%arg9 : memref<!tpu.dma_semaphore, #tpu.memory_space<semaphore_mem>>)
      %dma_wait3A_124 = arith.constant 0 : i32
      %dma_wait3A_125 = tpu.memref_slice %arg2[%mul3A_104, %dma_wait3A_124] : memref<320000x128xf32, #tpu.memory_space<hbm>> -> memref<64x128xf32, #tpu.memory_space<hbm>>
      %dma_wait3A_126 = arith.constant 0 : i32
      %dma_wait3A_127 = tpu.memref_slice %arg2[%mul3A_104, %dma_wait3A_126] : memref<320000x128xf32, #tpu.memory_space<hbm>> -> memref<64x128xf32, #tpu.memory_space<hbm>>
      tpu.wait_dma2 semaphore(%arg8 : memref<!tpu.dma_semaphore, #tpu.memory_space<semaphore_mem>>) src(%dma_wait3A_127 : memref<64x128xf32, #tpu.memory_space<hbm>>) dst(%arg5 : memref<64x128xf32, #tpu.memory_space<vmem>>)
      %run_scoped3A_128 = arith.constant 4 : i32
      "tpu.region"() ({
        %run_scoped3A_164 = tpu.sem_alloc : memref<!tpu.dma_semaphore, #tpu.memory_space<semaphore_mem>>
        %dma_start3A_165 = arith.constant 0 : i32
        %dma_start3A_166 = tpu.memref_slice %arg7[%run_scoped3A_128, %dma_start3A_165] : memref<8x64xi32, #tpu.memory_space<vmem>> -> memref<1x64xi32, #tpu.memory_space<vmem>>
        %dma_start3A_167 = tpu.memref_squeeze %dma_start3A_166 : memref<1x64xi32, #tpu.memory_space<vmem>> -> memref<64xi32, #tpu.memory_space<vmem>>
        %dma_start3A_168 = arith.constant 0 : i32
        %dma_start3A_169 = arith.constant 0 : i32
        %dma_start3A_170 = tpu.memref_slice %arg10[%dma_start3A_168, %dma_start3A_169] : memref<10240x128xf32, #tpu.memory_space<vmem_shared>> -> memref<10240x128xf32, #tpu.memory_space<vmem_shared>>
        tpu.enqueue_indirect_dma source(%arg5 : memref<64x128xf32, #tpu.memory_space<vmem>>) target(%dma_start3A_170 : memref<10240x128xf32, #tpu.memory_space<vmem_shared>>) offsets(%dma_start3A_167 : memref<64xi32, #tpu.memory_space<vmem>>) semaphore(%run_scoped3A_164 : memref<!tpu.dma_semaphore, #tpu.memory_space<semaphore_mem>>) {add = true}
        %dma_wait3A_171 = arith.constant 0 : i32
        %dma_wait3A_172 = tpu.memref_slice %arg7[%run_scoped3A_128, %dma_wait3A_171] : memref<8x64xi32, #tpu.memory_space<vmem>> -> memref<1x64xi32, #tpu.memory_space<vmem>>
        %dma_wait3A_173 = tpu.memref_squeeze %dma_wait3A_172 : memref<1x64xi32, #tpu.memory_space<vmem>> -> memref<64xi32, #tpu.memory_space<vmem>>
        %dma_wait3A_174 = arith.constant 0 : i32
        %dma_wait3A_175 = arith.constant 0 : i32
        %dma_wait3A_176 = tpu.memref_slice %arg10[%dma_wait3A_174, %dma_wait3A_175] : memref<10240x128xf32, #tpu.memory_space<vmem_shared>> -> memref<10240x128xf32, #tpu.memory_space<vmem_shared>>
        tpu.wait_indirect_dma semaphore(%run_scoped3A_164 : memref<!tpu.dma_semaphore, #tpu.memory_space<semaphore_mem>>) src(%arg5 : memref<64x128xf32, #tpu.memory_space<vmem>>) dst(%dma_wait3A_176 : memref<10240x128xf32, #tpu.memory_space<vmem_shared>>)
        tpu.yield
      }) : () -> ()
      %add3A_129 = arith.constant 5 : i32
      %add3A_130 = arith.addi %mul3A_50, %add3A_129 : i32
      %add3A_131 = arith.constant 1 : i32
      %add3A_132 = arith.addi %add3A_130, %add3A_131 : i32
      %mul3A_133 = arith.constant 64 : i32
      %mul3A_134 = arith.muli %add3A_132, %mul3A_133 : i32
      %dma_start3A_135 = arith.constant 0 : i32
      %dma_start3A_136 = tpu.memref_slice %arg2[%mul3A_134, %dma_start3A_135] : memref<320000x128xf32, #tpu.memory_space<hbm>> -> memref<64x128xf32, #tpu.memory_space<hbm>>
      %dma_start3A_137 = arith.constant 0 : i32
      %dma_start3A_138 = tpu.memref_slice %arg2[%mul3A_134, %dma_start3A_137] : memref<320000x128xf32, #tpu.memory_space<hbm>> -> memref<64x128xf32, #tpu.memory_space<hbm>>
      tpu.enqueue_dma source(%dma_start3A_138 : memref<64x128xf32, #tpu.memory_space<hbm>>) target(%arg5 : memref<64x128xf32, #tpu.memory_space<vmem>>) target_semaphore(%arg8 : memref<!tpu.dma_semaphore, #tpu.memory_space<semaphore_mem>>)
      %dma_wait3A_139 = arith.constant 0 : i32
      %dma_wait3A_140 = tpu.memref_slice %arg2[%mul3A_119, %dma_wait3A_139] : memref<320000x128xf32, #tpu.memory_space<hbm>> -> memref<64x128xf32, #tpu.memory_space<hbm>>
      %dma_wait3A_141 = arith.constant 0 : i32
      %dma_wait3A_142 = tpu.memref_slice %arg2[%mul3A_119, %dma_wait3A_141] : memref<320000x128xf32, #tpu.memory_space<hbm>> -> memref<64x128xf32, #tpu.memory_space<hbm>>
      tpu.wait_dma2 semaphore(%arg9 : memref<!tpu.dma_semaphore, #tpu.memory_space<semaphore_mem>>) src(%dma_wait3A_142 : memref<64x128xf32, #tpu.memory_space<hbm>>) dst(%arg6 : memref<64x128xf32, #tpu.memory_space<vmem>>)
      %run_scoped3A_143 = arith.constant 5 : i32
      "tpu.region"() ({
        %run_scoped3A_164 = tpu.sem_alloc : memref<!tpu.dma_semaphore, #tpu.memory_space<semaphore_mem>>
        %dma_start3A_165 = arith.constant 0 : i32
        %dma_start3A_166 = tpu.memref_slice %arg7[%run_scoped3A_143, %dma_start3A_165] : memref<8x64xi32, #tpu.memory_space<vmem>> -> memref<1x64xi32, #tpu.memory_space<vmem>>
        %dma_start3A_167 = tpu.memref_squeeze %dma_start3A_166 : memref<1x64xi32, #tpu.memory_space<vmem>> -> memref<64xi32, #tpu.memory_space<vmem>>
        %dma_start3A_168 = arith.constant 0 : i32
        %dma_start3A_169 = arith.constant 0 : i32
        %dma_start3A_170 = tpu.memref_slice %arg10[%dma_start3A_168, %dma_start3A_169] : memref<10240x128xf32, #tpu.memory_space<vmem_shared>> -> memref<10240x128xf32, #tpu.memory_space<vmem_shared>>
        tpu.enqueue_indirect_dma source(%arg6 : memref<64x128xf32, #tpu.memory_space<vmem>>) target(%dma_start3A_170 : memref<10240x128xf32, #tpu.memory_space<vmem_shared>>) offsets(%dma_start3A_167 : memref<64xi32, #tpu.memory_space<vmem>>) semaphore(%run_scoped3A_164 : memref<!tpu.dma_semaphore, #tpu.memory_space<semaphore_mem>>) {add = true}
        %dma_wait3A_171 = arith.constant 0 : i32
        %dma_wait3A_172 = tpu.memref_slice %arg7[%run_scoped3A_143, %dma_wait3A_171] : memref<8x64xi32, #tpu.memory_space<vmem>> -> memref<1x64xi32, #tpu.memory_space<vmem>>
        %dma_wait3A_173 = tpu.memref_squeeze %dma_wait3A_172 : memref<1x64xi32, #tpu.memory_space<vmem>> -> memref<64xi32, #tpu.memory_space<vmem>>
        %dma_wait3A_174 = arith.constant 0 : i32
        %dma_wait3A_175 = arith.constant 0 : i32
        %dma_wait3A_176 = tpu.memref_slice %arg10[%dma_wait3A_174, %dma_wait3A_175] : memref<10240x128xf32, #tpu.memory_space<vmem_shared>> -> memref<10240x128xf32, #tpu.memory_space<vmem_shared>>
        tpu.wait_indirect_dma semaphore(%run_scoped3A_164 : memref<!tpu.dma_semaphore, #tpu.memory_space<semaphore_mem>>) src(%arg6 : memref<64x128xf32, #tpu.memory_space<vmem>>) dst(%dma_wait3A_176 : memref<10240x128xf32, #tpu.memory_space<vmem_shared>>)
        tpu.yield
      }) : () -> ()
      %add3A_144 = arith.constant 6 : i32
      %add3A_145 = arith.addi %mul3A_50, %add3A_144 : i32
      %add3A_146 = arith.constant 1 : i32
      %add3A_147 = arith.addi %add3A_145, %add3A_146 : i32
      %mul3A_148 = arith.constant 64 : i32
      %mul3A_149 = arith.muli %add3A_147, %mul3A_148 : i32
      %dma_start3A_150 = arith.constant 0 : i32
      %dma_start3A_151 = tpu.memref_slice %arg2[%mul3A_149, %dma_start3A_150] : memref<320000x128xf32, #tpu.memory_space<hbm>> -> memref<64x128xf32, #tpu.memory_space<hbm>>
      %dma_start3A_152 = arith.constant 0 : i32
      %dma_start3A_153 = tpu.memref_slice %arg2[%mul3A_149, %dma_start3A_152] : memref<320000x128xf32, #tpu.memory_space<hbm>> -> memref<64x128xf32, #tpu.memory_space<hbm>>
      tpu.enqueue_dma source(%dma_start3A_153 : memref<64x128xf32, #tpu.memory_space<hbm>>) target(%arg6 : memref<64x128xf32, #tpu.memory_space<vmem>>) target_semaphore(%arg9 : memref<!tpu.dma_semaphore, #tpu.memory_space<semaphore_mem>>)
      %dma_wait3A_154 = arith.constant 0 : i32
      %dma_wait3A_155 = tpu.memref_slice %arg2[%mul3A_134, %dma_wait3A_154] : memref<320000x128xf32, #tpu.memory_space<hbm>> -> memref<64x128xf32, #tpu.memory_space<hbm>>
      %dma_wait3A_156 = arith.constant 0 : i32
      %dma_wait3A_157 = tpu.memref_slice %arg2[%mul3A_134, %dma_wait3A_156] : memref<320000x128xf32, #tpu.memory_space<hbm>> -> memref<64x128xf32, #tpu.memory_space<hbm>>
      tpu.wait_dma2 semaphore(%arg8 : memref<!tpu.dma_semaphore, #tpu.memory_space<semaphore_mem>>) src(%dma_wait3A_157 : memref<64x128xf32, #tpu.memory_space<hbm>>) dst(%arg5 : memref<64x128xf32, #tpu.memory_space<vmem>>)
      %run_scoped3A_158 = arith.constant 6 : i32
      "tpu.region"() ({
        %run_scoped3A_164 = tpu.sem_alloc : memref<!tpu.dma_semaphore, #tpu.memory_space<semaphore_mem>>
        %dma_start3A_165 = arith.constant 0 : i32
        %dma_start3A_166 = tpu.memref_slice %arg7[%run_scoped3A_158, %dma_start3A_165] : memref<8x64xi32, #tpu.memory_space<vmem>> -> memref<1x64xi32, #tpu.memory_space<vmem>>
        %dma_start3A_167 = tpu.memref_squeeze %dma_start3A_166 : memref<1x64xi32, #tpu.memory_space<vmem>> -> memref<64xi32, #tpu.memory_space<vmem>>
        %dma_start3A_168 = arith.constant 0 : i32
        %dma_start3A_169 = arith.constant 0 : i32
        %dma_start3A_170 = tpu.memref_slice %arg10[%dma_start3A_168, %dma_start3A_169] : memref<10240x128xf32, #tpu.memory_space<vmem_shared>> -> memref<10240x128xf32, #tpu.memory_space<vmem_shared>>
        tpu.enqueue_indirect_dma source(%arg5 : memref<64x128xf32, #tpu.memory_space<vmem>>) target(%dma_start3A_170 : memref<10240x128xf32, #tpu.memory_space<vmem_shared>>) offsets(%dma_start3A_167 : memref<64xi32, #tpu.memory_space<vmem>>) semaphore(%run_scoped3A_164 : memref<!tpu.dma_semaphore, #tpu.memory_space<semaphore_mem>>) {add = true}
        %dma_wait3A_171 = arith.constant 0 : i32
        %dma_wait3A_172 = tpu.memref_slice %arg7[%run_scoped3A_158, %dma_wait3A_171] : memref<8x64xi32, #tpu.memory_space<vmem>> -> memref<1x64xi32, #tpu.memory_space<vmem>>
        %dma_wait3A_173 = tpu.memref_squeeze %dma_wait3A_172 : memref<1x64xi32, #tpu.memory_space<vmem>> -> memref<64xi32, #tpu.memory_space<vmem>>
        %dma_wait3A_174 = arith.constant 0 : i32
        %dma_wait3A_175 = arith.constant 0 : i32
        %dma_wait3A_176 = tpu.memref_slice %arg10[%dma_wait3A_174, %dma_wait3A_175] : memref<10240x128xf32, #tpu.memory_space<vmem_shared>> -> memref<10240x128xf32, #tpu.memory_space<vmem_shared>>
        tpu.wait_indirect_dma semaphore(%run_scoped3A_164 : memref<!tpu.dma_semaphore, #tpu.memory_space<semaphore_mem>>) src(%arg5 : memref<64x128xf32, #tpu.memory_space<vmem>>) dst(%dma_wait3A_176 : memref<10240x128xf32, #tpu.memory_space<vmem_shared>>)
        tpu.yield
      }) : () -> ()
      %dma_wait3A_159 = arith.constant 0 : i32
      %dma_wait3A_160 = tpu.memref_slice %arg2[%mul3A_149, %dma_wait3A_159] : memref<320000x128xf32, #tpu.memory_space<hbm>> -> memref<64x128xf32, #tpu.memory_space<hbm>>
      %dma_wait3A_161 = arith.constant 0 : i32
      %dma_wait3A_162 = tpu.memref_slice %arg2[%mul3A_149, %dma_wait3A_161] : memref<320000x128xf32, #tpu.memory_space<hbm>> -> memref<64x128xf32, #tpu.memory_space<hbm>>
      tpu.wait_dma2 semaphore(%arg9 : memref<!tpu.dma_semaphore, #tpu.memory_space<semaphore_mem>>) src(%dma_wait3A_162 : memref<64x128xf32, #tpu.memory_space<hbm>>) dst(%arg6 : memref<64x128xf32, #tpu.memory_space<vmem>>)
      %run_scoped3A_163 = arith.constant 7 : i32
      "tpu.region"() ({
        %run_scoped3A_164 = tpu.sem_alloc : memref<!tpu.dma_semaphore, #tpu.memory_space<semaphore_mem>>
        %dma_start3A_165 = arith.constant 0 : i32
        %dma_start3A_166 = tpu.memref_slice %arg7[%run_scoped3A_163, %dma_start3A_165] : memref<8x64xi32, #tpu.memory_space<vmem>> -> memref<1x64xi32, #tpu.memory_space<vmem>>
        %dma_start3A_167 = tpu.memref_squeeze %dma_start3A_166 : memref<1x64xi32, #tpu.memory_space<vmem>> -> memref<64xi32, #tpu.memory_space<vmem>>
        %dma_start3A_168 = arith.constant 0 : i32
        %dma_start3A_169 = arith.constant 0 : i32
        %dma_start3A_170 = tpu.memref_slice %arg10[%dma_start3A_168, %dma_start3A_169] : memref<10240x128xf32, #tpu.memory_space<vmem_shared>> -> memref<10240x128xf32, #tpu.memory_space<vmem_shared>>
        tpu.enqueue_indirect_dma source(%arg6 : memref<64x128xf32, #tpu.memory_space<vmem>>) target(%dma_start3A_170 : memref<10240x128xf32, #tpu.memory_space<vmem_shared>>) offsets(%dma_start3A_167 : memref<64xi32, #tpu.memory_space<vmem>>) semaphore(%run_scoped3A_164 : memref<!tpu.dma_semaphore, #tpu.memory_space<semaphore_mem>>) {add = true}
        %dma_wait3A_171 = arith.constant 0 : i32
        %dma_wait3A_172 = tpu.memref_slice %arg7[%run_scoped3A_163, %dma_wait3A_171] : memref<8x64xi32, #tpu.memory_space<vmem>> -> memref<1x64xi32, #tpu.memory_space<vmem>>
        %dma_wait3A_173 = tpu.memref_squeeze %dma_wait3A_172 : memref<1x64xi32, #tpu.memory_space<vmem>> -> memref<64xi32, #tpu.memory_space<vmem>>
        %dma_wait3A_174 = arith.constant 0 : i32
        %dma_wait3A_175 = arith.constant 0 : i32
        %dma_wait3A_176 = tpu.memref_slice %arg10[%dma_wait3A_174, %dma_wait3A_175] : memref<10240x128xf32, #tpu.memory_space<vmem_shared>> -> memref<10240x128xf32, #tpu.memory_space<vmem_shared>>
        tpu.wait_indirect_dma semaphore(%run_scoped3A_164 : memref<!tpu.dma_semaphore, #tpu.memory_space<semaphore_mem>>) src(%arg6 : memref<64x128xf32, #tpu.memory_space<vmem>>) dst(%dma_wait3A_176 : memref<10240x128xf32, #tpu.memory_space<vmem_shared>>)
        tpu.yield
      }) : () -> ()
    }
    %scan3A_38 = arith.constant 19 : i32
    %lt3A = arith.constant 17 : i32
    %lt3A_39 = arith.cmpi slt, %add3A, %lt3A : i32
    %convert_element_type3A = arith.extui %lt3A_39 : i1 to i32
    %cond3A = arith.constant 0 : i32
    %cond3A_40 = arith.cmpi ne, %convert_element_type3A, %cond3A : i32
    scf.if %cond3A_40 {
      %add3A_47 = arith.constant 19 : i32
      %add3A_48 = arith.addi %add3A_32, %add3A_47 : i32
      "tpu.region"() ({
        %run_scoped3A_164 = tpu.sem_alloc : memref<!tpu.dma_semaphore, #tpu.memory_space<semaphore_mem>>
        %dma_start3A_165 = arith.constant 0 : i32
        %dma_start3A_166 = arith.constant 0 : i32
        %dma_start3A_167 = tpu.memref_slice %arg3[%add3A_48, %dma_start3A_165, %dma_start3A_166] : memref<625x8x64xi32, #tpu.memory_space<hbm>> -> memref<1x8x64xi32, #tpu.memory_space<hbm>>
        %dma_start3A_168 = tpu.memref_squeeze %dma_start3A_167 : memref<1x8x64xi32, #tpu.memory_space<hbm>> -> memref<8x64xi32, #tpu.memory_space<hbm>>
        %dma_start3A_169 = arith.constant 0 : i32
        %dma_start3A_170 = arith.constant 0 : i32
        %dma_start3A_171 = tpu.memref_slice %arg3[%add3A_48, %dma_start3A_169, %dma_start3A_170] : memref<625x8x64xi32, #tpu.memory_space<hbm>> -> memref<1x8x64xi32, #tpu.memory_space<hbm>>
        %dma_start3A_172 = tpu.memref_squeeze %dma_start3A_171 : memref<1x8x64xi32, #tpu.memory_space<hbm>> -> memref<8x64xi32, #tpu.memory_space<hbm>>
        tpu.enqueue_dma source(%dma_start3A_172 : memref<8x64xi32, #tpu.memory_space<hbm>>) target(%arg7 : memref<8x64xi32, #tpu.memory_space<vmem>>) target_semaphore(%run_scoped3A_164 : memref<!tpu.dma_semaphore, #tpu.memory_space<semaphore_mem>>)
        %dma_wait3A_173 = arith.constant 0 : i32
        %dma_wait3A_174 = arith.constant 0 : i32
        %dma_wait3A_175 = tpu.memref_slice %arg3[%add3A_48, %dma_wait3A_173, %dma_wait3A_174] : memref<625x8x64xi32, #tpu.memory_space<hbm>> -> memref<1x8x64xi32, #tpu.memory_space<hbm>>
        %dma_wait3A_176 = tpu.memref_squeeze %dma_wait3A_175 : memref<1x8x64xi32, #tpu.memory_space<hbm>> -> memref<8x64xi32, #tpu.memory_space<hbm>>
        %dma_wait3A_177 = arith.constant 0 : i32
        %dma_wait3A_178 = arith.constant 0 : i32
        %dma_wait3A_179 = tpu.memref_slice %arg3[%add3A_48, %dma_wait3A_177, %dma_wait3A_178] : memref<625x8x64xi32, #tpu.memory_space<hbm>> -> memref<1x8x64xi32, #tpu.memory_space<hbm>>
        %dma_wait3A_180 = tpu.memref_squeeze %dma_wait3A_179 : memref<1x8x64xi32, #tpu.memory_space<hbm>> -> memref<8x64xi32, #tpu.memory_space<hbm>>
        tpu.wait_dma2 semaphore(%run_scoped3A_164 : memref<!tpu.dma_semaphore, #tpu.memory_space<semaphore_mem>>) src(%dma_wait3A_180 : memref<8x64xi32, #tpu.memory_space<hbm>>) dst(%arg7 : memref<8x64xi32, #tpu.memory_space<vmem>>)
        tpu.yield
      }) : () -> ()
      %mul3A_49 = arith.constant 8 : i32
      %mul3A_50 = arith.muli %add3A_48, %mul3A_49 : i32
      %mul3A_51 = arith.constant 64 : i32
      %mul3A_52 = arith.muli %mul3A_50, %mul3A_51 : i32
      %dma_start3A = arith.constant 0 : i32
      %dma_start3A_53 = tpu.memref_slice %arg2[%mul3A_52, %dma_start3A] : memref<320000x128xf32, #tpu.memory_space<hbm>> -> memref<64x128xf32, #tpu.memory_space<hbm>>
      %dma_start3A_54 = arith.constant 0 : i32
      %dma_start3A_55 = tpu.memref_slice %arg2[%mul3A_52, %dma_start3A_54] : memref<320000x128xf32, #tpu.memory_space<hbm>> -> memref<64x128xf32, #tpu.memory_space<hbm>>
      tpu.enqueue_dma source(%dma_start3A_55 : memref<64x128xf32, #tpu.memory_space<hbm>>) target(%arg5 : memref<64x128xf32, #tpu.memory_space<vmem>>) target_semaphore(%arg8 : memref<!tpu.dma_semaphore, #tpu.memory_space<semaphore_mem>>)
      %add3A_56 = arith.constant 0 : i32
      %add3A_57 = arith.addi %mul3A_50, %add3A_56 : i32
      %add3A_58 = arith.constant 1 : i32
      %add3A_59 = arith.addi %add3A_57, %add3A_58 : i32
      %mul3A_60 = arith.constant 64 : i32
      %mul3A_61 = arith.muli %add3A_59, %mul3A_60 : i32
      %dma_start3A_62 = arith.constant 0 : i32
      %dma_start3A_63 = tpu.memref_slice %arg2[%mul3A_61, %dma_start3A_62] : memref<320000x128xf32, #tpu.memory_space<hbm>> -> memref<64x128xf32, #tpu.memory_space<hbm>>
      %dma_start3A_64 = arith.constant 0 : i32
      %dma_start3A_65 = tpu.memref_slice %arg2[%mul3A_61, %dma_start3A_64] : memref<320000x128xf32, #tpu.memory_space<hbm>> -> memref<64x128xf32, #tpu.memory_space<hbm>>
      tpu.enqueue_dma source(%dma_start3A_65 : memref<64x128xf32, #tpu.memory_space<hbm>>) target(%arg6 : memref<64x128xf32, #tpu.memory_space<vmem>>) target_semaphore(%arg9 : memref<!tpu.dma_semaphore, #tpu.memory_space<semaphore_mem>>)
      %dma_wait3A = arith.constant 0 : i32
      %dma_wait3A_66 = tpu.memref_slice %arg2[%mul3A_52, %dma_wait3A] : memref<320000x128xf32, #tpu.memory_space<hbm>> -> memref<64x128xf32, #tpu.memory_space<hbm>>
      %dma_wait3A_67 = arith.constant 0 : i32
      %dma_wait3A_68 = tpu.memref_slice %arg2[%mul3A_52, %dma_wait3A_67] : memref<320000x128xf32, #tpu.memory_space<hbm>> -> memref<64x128xf32, #tpu.memory_space<hbm>>
      tpu.wait_dma2 semaphore(%arg8 : memref<!tpu.dma_semaphore, #tpu.memory_space<semaphore_mem>>) src(%dma_wait3A_68 : memref<64x128xf32, #tpu.memory_space<hbm>>) dst(%arg5 : memref<64x128xf32, #tpu.memory_space<vmem>>)
      %run_scoped3A = arith.constant 0 : i32
      "tpu.region"() ({
        %run_scoped3A_164 = tpu.sem_alloc : memref<!tpu.dma_semaphore, #tpu.memory_space<semaphore_mem>>
        %dma_start3A_165 = arith.constant 0 : i32
        %dma_start3A_166 = tpu.memref_slice %arg7[%run_scoped3A, %dma_start3A_165] : memref<8x64xi32, #tpu.memory_space<vmem>> -> memref<1x64xi32, #tpu.memory_space<vmem>>
        %dma_start3A_167 = tpu.memref_squeeze %dma_start3A_166 : memref<1x64xi32, #tpu.memory_space<vmem>> -> memref<64xi32, #tpu.memory_space<vmem>>
        %dma_start3A_168 = arith.constant 0 : i32
        %dma_start3A_169 = arith.constant 0 : i32
        %dma_start3A_170 = tpu.memref_slice %arg10[%dma_start3A_168, %dma_start3A_169] : memref<10240x128xf32, #tpu.memory_space<vmem_shared>> -> memref<10240x128xf32, #tpu.memory_space<vmem_shared>>
        tpu.enqueue_indirect_dma source(%arg5 : memref<64x128xf32, #tpu.memory_space<vmem>>) target(%dma_start3A_170 : memref<10240x128xf32, #tpu.memory_space<vmem_shared>>) offsets(%dma_start3A_167 : memref<64xi32, #tpu.memory_space<vmem>>) semaphore(%run_scoped3A_164 : memref<!tpu.dma_semaphore, #tpu.memory_space<semaphore_mem>>) {add = true}
        %dma_wait3A_171 = arith.constant 0 : i32
        %dma_wait3A_172 = tpu.memref_slice %arg7[%run_scoped3A, %dma_wait3A_171] : memref<8x64xi32, #tpu.memory_space<vmem>> -> memref<1x64xi32, #tpu.memory_space<vmem>>
        %dma_wait3A_173 = tpu.memref_squeeze %dma_wait3A_172 : memref<1x64xi32, #tpu.memory_space<vmem>> -> memref<64xi32, #tpu.memory_space<vmem>>
        %dma_wait3A_174 = arith.constant 0 : i32
        %dma_wait3A_175 = arith.constant 0 : i32
        %dma_wait3A_176 = tpu.memref_slice %arg10[%dma_wait3A_174, %dma_wait3A_175] : memref<10240x128xf32, #tpu.memory_space<vmem_shared>> -> memref<10240x128xf32, #tpu.memory_space<vmem_shared>>
        tpu.wait_indirect_dma semaphore(%run_scoped3A_164 : memref<!tpu.dma_semaphore, #tpu.memory_space<semaphore_mem>>) src(%arg5 : memref<64x128xf32, #tpu.memory_space<vmem>>) dst(%dma_wait3A_176 : memref<10240x128xf32, #tpu.memory_space<vmem_shared>>)
        tpu.yield
      }) : () -> ()
      %add3A_69 = arith.constant 1 : i32
      %add3A_70 = arith.addi %mul3A_50, %add3A_69 : i32
      %add3A_71 = arith.constant 1 : i32
      %add3A_72 = arith.addi %add3A_70, %add3A_71 : i32
      %mul3A_73 = arith.constant 64 : i32
      %mul3A_74 = arith.muli %add3A_72, %mul3A_73 : i32
      %dma_start3A_75 = arith.constant 0 : i32
      %dma_start3A_76 = tpu.memref_slice %arg2[%mul3A_74, %dma_start3A_75] : memref<320000x128xf32, #tpu.memory_space<hbm>> -> memref<64x128xf32, #tpu.memory_space<hbm>>
      %dma_start3A_77 = arith.constant 0 : i32
      %dma_start3A_78 = tpu.memref_slice %arg2[%mul3A_74, %dma_start3A_77] : memref<320000x128xf32, #tpu.memory_space<hbm>> -> memref<64x128xf32, #tpu.memory_space<hbm>>
      tpu.enqueue_dma source(%dma_start3A_78 : memref<64x128xf32, #tpu.memory_space<hbm>>) target(%arg5 : memref<64x128xf32, #tpu.memory_space<vmem>>) target_semaphore(%arg8 : memref<!tpu.dma_semaphore, #tpu.memory_space<semaphore_mem>>)
      %dma_wait3A_79 = arith.constant 0 : i32
      %dma_wait3A_80 = tpu.memref_slice %arg2[%mul3A_61, %dma_wait3A_79] : memref<320000x128xf32, #tpu.memory_space<hbm>> -> memref<64x128xf32, #tpu.memory_space<hbm>>
      %dma_wait3A_81 = arith.constant 0 : i32
      %dma_wait3A_82 = tpu.memref_slice %arg2[%mul3A_61, %dma_wait3A_81] : memref<320000x128xf32, #tpu.memory_space<hbm>> -> memref<64x128xf32, #tpu.memory_space<hbm>>
      tpu.wait_dma2 semaphore(%arg9 : memref<!tpu.dma_semaphore, #tpu.memory_space<semaphore_mem>>) src(%dma_wait3A_82 : memref<64x128xf32, #tpu.memory_space<hbm>>) dst(%arg6 : memref<64x128xf32, #tpu.memory_space<vmem>>)
      %run_scoped3A_83 = arith.constant 1 : i32
      "tpu.region"() ({
        %run_scoped3A_164 = tpu.sem_alloc : memref<!tpu.dma_semaphore, #tpu.memory_space<semaphore_mem>>
        %dma_start3A_165 = arith.constant 0 : i32
        %dma_start3A_166 = tpu.memref_slice %arg7[%run_scoped3A_83, %dma_start3A_165] : memref<8x64xi32, #tpu.memory_space<vmem>> -> memref<1x64xi32, #tpu.memory_space<vmem>>
        %dma_start3A_167 = tpu.memref_squeeze %dma_start3A_166 : memref<1x64xi32, #tpu.memory_space<vmem>> -> memref<64xi32, #tpu.memory_space<vmem>>
        %dma_start3A_168 = arith.constant 0 : i32
        %dma_start3A_169 = arith.constant 0 : i32
        %dma_start3A_170 = tpu.memref_slice %arg10[%dma_start3A_168, %dma_start3A_169] : memref<10240x128xf32, #tpu.memory_space<vmem_shared>> -> memref<10240x128xf32, #tpu.memory_space<vmem_shared>>
        tpu.enqueue_indirect_dma source(%arg6 : memref<64x128xf32, #tpu.memory_space<vmem>>) target(%dma_start3A_170 : memref<10240x128xf32, #tpu.memory_space<vmem_shared>>) offsets(%dma_start3A_167 : memref<64xi32, #tpu.memory_space<vmem>>) semaphore(%run_scoped3A_164 : memref<!tpu.dma_semaphore, #tpu.memory_space<semaphore_mem>>) {add = true}
        %dma_wait3A_171 = arith.constant 0 : i32
        %dma_wait3A_172 = tpu.memref_slice %arg7[%run_scoped3A_83, %dma_wait3A_171] : memref<8x64xi32, #tpu.memory_space<vmem>> -> memref<1x64xi32, #tpu.memory_space<vmem>>
        %dma_wait3A_173 = tpu.memref_squeeze %dma_wait3A_172 : memref<1x64xi32, #tpu.memory_space<vmem>> -> memref<64xi32, #tpu.memory_space<vmem>>
        %dma_wait3A_174 = arith.constant 0 : i32
        %dma_wait3A_175 = arith.constant 0 : i32
        %dma_wait3A_176 = tpu.memref_slice %arg10[%dma_wait3A_174, %dma_wait3A_175] : memref<10240x128xf32, #tpu.memory_space<vmem_shared>> -> memref<10240x128xf32, #tpu.memory_space<vmem_shared>>
        tpu.wait_indirect_dma semaphore(%run_scoped3A_164 : memref<!tpu.dma_semaphore, #tpu.memory_space<semaphore_mem>>) src(%arg6 : memref<64x128xf32, #tpu.memory_space<vmem>>) dst(%dma_wait3A_176 : memref<10240x128xf32, #tpu.memory_space<vmem_shared>>)
        tpu.yield
      }) : () -> ()
      %add3A_84 = arith.constant 2 : i32
      %add3A_85 = arith.addi %mul3A_50, %add3A_84 : i32
      %add3A_86 = arith.constant 1 : i32
      %add3A_87 = arith.addi %add3A_85, %add3A_86 : i32
      %mul3A_88 = arith.constant 64 : i32
      %mul3A_89 = arith.muli %add3A_87, %mul3A_88 : i32
      %dma_start3A_90 = arith.constant 0 : i32
      %dma_start3A_91 = tpu.memref_slice %arg2[%mul3A_89, %dma_start3A_90] : memref<320000x128xf32, #tpu.memory_space<hbm>> -> memref<64x128xf32, #tpu.memory_space<hbm>>
      %dma_start3A_92 = arith.constant 0 : i32
      %dma_start3A_93 = tpu.memref_slice %arg2[%mul3A_89, %dma_start3A_92] : memref<320000x128xf32, #tpu.memory_space<hbm>> -> memref<64x128xf32, #tpu.memory_space<hbm>>
      tpu.enqueue_dma source(%dma_start3A_93 : memref<64x128xf32, #tpu.memory_space<hbm>>) target(%arg6 : memref<64x128xf32, #tpu.memory_space<vmem>>) target_semaphore(%arg9 : memref<!tpu.dma_semaphore, #tpu.memory_space<semaphore_mem>>)
      %dma_wait3A_94 = arith.constant 0 : i32
      %dma_wait3A_95 = tpu.memref_slice %arg2[%mul3A_74, %dma_wait3A_94] : memref<320000x128xf32, #tpu.memory_space<hbm>> -> memref<64x128xf32, #tpu.memory_space<hbm>>
      %dma_wait3A_96 = arith.constant 0 : i32
      %dma_wait3A_97 = tpu.memref_slice %arg2[%mul3A_74, %dma_wait3A_96] : memref<320000x128xf32, #tpu.memory_space<hbm>> -> memref<64x128xf32, #tpu.memory_space<hbm>>
      tpu.wait_dma2 semaphore(%arg8 : memref<!tpu.dma_semaphore, #tpu.memory_space<semaphore_mem>>) src(%dma_wait3A_97 : memref<64x128xf32, #tpu.memory_space<hbm>>) dst(%arg5 : memref<64x128xf32, #tpu.memory_space<vmem>>)
      %run_scoped3A_98 = arith.constant 2 : i32
      "tpu.region"() ({
        %run_scoped3A_164 = tpu.sem_alloc : memref<!tpu.dma_semaphore, #tpu.memory_space<semaphore_mem>>
        %dma_start3A_165 = arith.constant 0 : i32
        %dma_start3A_166 = tpu.memref_slice %arg7[%run_scoped3A_98, %dma_start3A_165] : memref<8x64xi32, #tpu.memory_space<vmem>> -> memref<1x64xi32, #tpu.memory_space<vmem>>
        %dma_start3A_167 = tpu.memref_squeeze %dma_start3A_166 : memref<1x64xi32, #tpu.memory_space<vmem>> -> memref<64xi32, #tpu.memory_space<vmem>>
        %dma_start3A_168 = arith.constant 0 : i32
        %dma_start3A_169 = arith.constant 0 : i32
        %dma_start3A_170 = tpu.memref_slice %arg10[%dma_start3A_168, %dma_start3A_169] : memref<10240x128xf32, #tpu.memory_space<vmem_shared>> -> memref<10240x128xf32, #tpu.memory_space<vmem_shared>>
        tpu.enqueue_indirect_dma source(%arg5 : memref<64x128xf32, #tpu.memory_space<vmem>>) target(%dma_start3A_170 : memref<10240x128xf32, #tpu.memory_space<vmem_shared>>) offsets(%dma_start3A_167 : memref<64xi32, #tpu.memory_space<vmem>>) semaphore(%run_scoped3A_164 : memref<!tpu.dma_semaphore, #tpu.memory_space<semaphore_mem>>) {add = true}
        %dma_wait3A_171 = arith.constant 0 : i32
        %dma_wait3A_172 = tpu.memref_slice %arg7[%run_scoped3A_98, %dma_wait3A_171] : memref<8x64xi32, #tpu.memory_space<vmem>> -> memref<1x64xi32, #tpu.memory_space<vmem>>
        %dma_wait3A_173 = tpu.memref_squeeze %dma_wait3A_172 : memref<1x64xi32, #tpu.memory_space<vmem>> -> memref<64xi32, #tpu.memory_space<vmem>>
        %dma_wait3A_174 = arith.constant 0 : i32
        %dma_wait3A_175 = arith.constant 0 : i32
        %dma_wait3A_176 = tpu.memref_slice %arg10[%dma_wait3A_174, %dma_wait3A_175] : memref<10240x128xf32, #tpu.memory_space<vmem_shared>> -> memref<10240x128xf32, #tpu.memory_space<vmem_shared>>
        tpu.wait_indirect_dma semaphore(%run_scoped3A_164 : memref<!tpu.dma_semaphore, #tpu.memory_space<semaphore_mem>>) src(%arg5 : memref<64x128xf32, #tpu.memory_space<vmem>>) dst(%dma_wait3A_176 : memref<10240x128xf32, #tpu.memory_space<vmem_shared>>)
        tpu.yield
      }) : () -> ()
      %add3A_99 = arith.constant 3 : i32
      %add3A_100 = arith.addi %mul3A_50, %add3A_99 : i32
      %add3A_101 = arith.constant 1 : i32
      %add3A_102 = arith.addi %add3A_100, %add3A_101 : i32
      %mul3A_103 = arith.constant 64 : i32
      %mul3A_104 = arith.muli %add3A_102, %mul3A_103 : i32
      %dma_start3A_105 = arith.constant 0 : i32
      %dma_start3A_106 = tpu.memref_slice %arg2[%mul3A_104, %dma_start3A_105] : memref<320000x128xf32, #tpu.memory_space<hbm>> -> memref<64x128xf32, #tpu.memory_space<hbm>>
      %dma_start3A_107 = arith.constant 0 : i32
      %dma_start3A_108 = tpu.memref_slice %arg2[%mul3A_104, %dma_start3A_107] : memref<320000x128xf32, #tpu.memory_space<hbm>> -> memref<64x128xf32, #tpu.memory_space<hbm>>
      tpu.enqueue_dma source(%dma_start3A_108 : memref<64x128xf32, #tpu.memory_space<hbm>>) target(%arg5 : memref<64x128xf32, #tpu.memory_space<vmem>>) target_semaphore(%arg8 : memref<!tpu.dma_semaphore, #tpu.memory_space<semaphore_mem>>)
      %dma_wait3A_109 = arith.constant 0 : i32
      %dma_wait3A_110 = tpu.memref_slice %arg2[%mul3A_89, %dma_wait3A_109] : memref<320000x128xf32, #tpu.memory_space<hbm>> -> memref<64x128xf32, #tpu.memory_space<hbm>>
      %dma_wait3A_111 = arith.constant 0 : i32
      %dma_wait3A_112 = tpu.memref_slice %arg2[%mul3A_89, %dma_wait3A_111] : memref<320000x128xf32, #tpu.memory_space<hbm>> -> memref<64x128xf32, #tpu.memory_space<hbm>>
      tpu.wait_dma2 semaphore(%arg9 : memref<!tpu.dma_semaphore, #tpu.memory_space<semaphore_mem>>) src(%dma_wait3A_112 : memref<64x128xf32, #tpu.memory_space<hbm>>) dst(%arg6 : memref<64x128xf32, #tpu.memory_space<vmem>>)
      %run_scoped3A_113 = arith.constant 3 : i32
      "tpu.region"() ({
        %run_scoped3A_164 = tpu.sem_alloc : memref<!tpu.dma_semaphore, #tpu.memory_space<semaphore_mem>>
        %dma_start3A_165 = arith.constant 0 : i32
        %dma_start3A_166 = tpu.memref_slice %arg7[%run_scoped3A_113, %dma_start3A_165] : memref<8x64xi32, #tpu.memory_space<vmem>> -> memref<1x64xi32, #tpu.memory_space<vmem>>
        %dma_start3A_167 = tpu.memref_squeeze %dma_start3A_166 : memref<1x64xi32, #tpu.memory_space<vmem>> -> memref<64xi32, #tpu.memory_space<vmem>>
        %dma_start3A_168 = arith.constant 0 : i32
        %dma_start3A_169 = arith.constant 0 : i32
        %dma_start3A_170 = tpu.memref_slice %arg10[%dma_start3A_168, %dma_start3A_169] : memref<10240x128xf32, #tpu.memory_space<vmem_shared>> -> memref<10240x128xf32, #tpu.memory_space<vmem_shared>>
        tpu.enqueue_indirect_dma source(%arg6 : memref<64x128xf32, #tpu.memory_space<vmem>>) target(%dma_start3A_170 : memref<10240x128xf32, #tpu.memory_space<vmem_shared>>) offsets(%dma_start3A_167 : memref<64xi32, #tpu.memory_space<vmem>>) semaphore(%run_scoped3A_164 : memref<!tpu.dma_semaphore, #tpu.memory_space<semaphore_mem>>) {add = true}
        %dma_wait3A_171 = arith.constant 0 : i32
        %dma_wait3A_172 = tpu.memref_slice %arg7[%run_scoped3A_113, %dma_wait3A_171] : memref<8x64xi32, #tpu.memory_space<vmem>> -> memref<1x64xi32, #tpu.memory_space<vmem>>
        %dma_wait3A_173 = tpu.memref_squeeze %dma_wait3A_172 : memref<1x64xi32, #tpu.memory_space<vmem>> -> memref<64xi32, #tpu.memory_space<vmem>>
        %dma_wait3A_174 = arith.constant 0 : i32
        %dma_wait3A_175 = arith.constant 0 : i32
        %dma_wait3A_176 = tpu.memref_slice %arg10[%dma_wait3A_174, %dma_wait3A_175] : memref<10240x128xf32, #tpu.memory_space<vmem_shared>> -> memref<10240x128xf32, #tpu.memory_space<vmem_shared>>
        tpu.wait_indirect_dma semaphore(%run_scoped3A_164 : memref<!tpu.dma_semaphore, #tpu.memory_space<semaphore_mem>>) src(%arg6 : memref<64x128xf32, #tpu.memory_space<vmem>>) dst(%dma_wait3A_176 : memref<10240x128xf32, #tpu.memory_space<vmem_shared>>)
        tpu.yield
      }) : () -> ()
      %add3A_114 = arith.constant 4 : i32
      %add3A_115 = arith.addi %mul3A_50, %add3A_114 : i32
      %add3A_116 = arith.constant 1 : i32
      %add3A_117 = arith.addi %add3A_115, %add3A_116 : i32
      %mul3A_118 = arith.constant 64 : i32
      %mul3A_119 = arith.muli %add3A_117, %mul3A_118 : i32
      %dma_start3A_120 = arith.constant 0 : i32
      %dma_start3A_121 = tpu.memref_slice %arg2[%mul3A_119, %dma_start3A_120] : memref<320000x128xf32, #tpu.memory_space<hbm>> -> memref<64x128xf32, #tpu.memory_space<hbm>>
      %dma_start3A_122 = arith.constant 0 : i32
      %dma_start3A_123 = tpu.memref_slice %arg2[%mul3A_119, %dma_start3A_122] : memref<320000x128xf32, #tpu.memory_space<hbm>> -> memref<64x128xf32, #tpu.memory_space<hbm>>
      tpu.enqueue_dma source(%dma_start3A_123 : memref<64x128xf32, #tpu.memory_space<hbm>>) target(%arg6 : memref<64x128xf32, #tpu.memory_space<vmem>>) target_semaphore(%arg9 : memref<!tpu.dma_semaphore, #tpu.memory_space<semaphore_mem>>)
      %dma_wait3A_124 = arith.constant 0 : i32
      %dma_wait3A_125 = tpu.memref_slice %arg2[%mul3A_104, %dma_wait3A_124] : memref<320000x128xf32, #tpu.memory_space<hbm>> -> memref<64x128xf32, #tpu.memory_space<hbm>>
      %dma_wait3A_126 = arith.constant 0 : i32
      %dma_wait3A_127 = tpu.memref_slice %arg2[%mul3A_104, %dma_wait3A_126] : memref<320000x128xf32, #tpu.memory_space<hbm>> -> memref<64x128xf32, #tpu.memory_space<hbm>>
      tpu.wait_dma2 semaphore(%arg8 : memref<!tpu.dma_semaphore, #tpu.memory_space<semaphore_mem>>) src(%dma_wait3A_127 : memref<64x128xf32, #tpu.memory_space<hbm>>) dst(%arg5 : memref<64x128xf32, #tpu.memory_space<vmem>>)
      %run_scoped3A_128 = arith.constant 4 : i32
      "tpu.region"() ({
        %run_scoped3A_164 = tpu.sem_alloc : memref<!tpu.dma_semaphore, #tpu.memory_space<semaphore_mem>>
        %dma_start3A_165 = arith.constant 0 : i32
        %dma_start3A_166 = tpu.memref_slice %arg7[%run_scoped3A_128, %dma_start3A_165] : memref<8x64xi32, #tpu.memory_space<vmem>> -> memref<1x64xi32, #tpu.memory_space<vmem>>
        %dma_start3A_167 = tpu.memref_squeeze %dma_start3A_166 : memref<1x64xi32, #tpu.memory_space<vmem>> -> memref<64xi32, #tpu.memory_space<vmem>>
        %dma_start3A_168 = arith.constant 0 : i32
        %dma_start3A_169 = arith.constant 0 : i32
        %dma_start3A_170 = tpu.memref_slice %arg10[%dma_start3A_168, %dma_start3A_169] : memref<10240x128xf32, #tpu.memory_space<vmem_shared>> -> memref<10240x128xf32, #tpu.memory_space<vmem_shared>>
        tpu.enqueue_indirect_dma source(%arg5 : memref<64x128xf32, #tpu.memory_space<vmem>>) target(%dma_start3A_170 : memref<10240x128xf32, #tpu.memory_space<vmem_shared>>) offsets(%dma_start3A_167 : memref<64xi32, #tpu.memory_space<vmem>>) semaphore(%run_scoped3A_164 : memref<!tpu.dma_semaphore, #tpu.memory_space<semaphore_mem>>) {add = true}
        %dma_wait3A_171 = arith.constant 0 : i32
        %dma_wait3A_172 = tpu.memref_slice %arg7[%run_scoped3A_128, %dma_wait3A_171] : memref<8x64xi32, #tpu.memory_space<vmem>> -> memref<1x64xi32, #tpu.memory_space<vmem>>
        %dma_wait3A_173 = tpu.memref_squeeze %dma_wait3A_172 : memref<1x64xi32, #tpu.memory_space<vmem>> -> memref<64xi32, #tpu.memory_space<vmem>>
        %dma_wait3A_174 = arith.constant 0 : i32
        %dma_wait3A_175 = arith.constant 0 : i32
        %dma_wait3A_176 = tpu.memref_slice %arg10[%dma_wait3A_174, %dma_wait3A_175] : memref<10240x128xf32, #tpu.memory_space<vmem_shared>> -> memref<10240x128xf32, #tpu.memory_space<vmem_shared>>
        tpu.wait_indirect_dma semaphore(%run_scoped3A_164 : memref<!tpu.dma_semaphore, #tpu.memory_space<semaphore_mem>>) src(%arg5 : memref<64x128xf32, #tpu.memory_space<vmem>>) dst(%dma_wait3A_176 : memref<10240x128xf32, #tpu.memory_space<vmem_shared>>)
        tpu.yield
      }) : () -> ()
      %add3A_129 = arith.constant 5 : i32
      %add3A_130 = arith.addi %mul3A_50, %add3A_129 : i32
      %add3A_131 = arith.constant 1 : i32
      %add3A_132 = arith.addi %add3A_130, %add3A_131 : i32
      %mul3A_133 = arith.constant 64 : i32
      %mul3A_134 = arith.muli %add3A_132, %mul3A_133 : i32
      %dma_start3A_135 = arith.constant 0 : i32
      %dma_start3A_136 = tpu.memref_slice %arg2[%mul3A_134, %dma_start3A_135] : memref<320000x128xf32, #tpu.memory_space<hbm>> -> memref<64x128xf32, #tpu.memory_space<hbm>>
      %dma_start3A_137 = arith.constant 0 : i32
      %dma_start3A_138 = tpu.memref_slice %arg2[%mul3A_134, %dma_start3A_137] : memref<320000x128xf32, #tpu.memory_space<hbm>> -> memref<64x128xf32, #tpu.memory_space<hbm>>
      tpu.enqueue_dma source(%dma_start3A_138 : memref<64x128xf32, #tpu.memory_space<hbm>>) target(%arg5 : memref<64x128xf32, #tpu.memory_space<vmem>>) target_semaphore(%arg8 : memref<!tpu.dma_semaphore, #tpu.memory_space<semaphore_mem>>)
      %dma_wait3A_139 = arith.constant 0 : i32
      %dma_wait3A_140 = tpu.memref_slice %arg2[%mul3A_119, %dma_wait3A_139] : memref<320000x128xf32, #tpu.memory_space<hbm>> -> memref<64x128xf32, #tpu.memory_space<hbm>>
      %dma_wait3A_141 = arith.constant 0 : i32
      %dma_wait3A_142 = tpu.memref_slice %arg2[%mul3A_119, %dma_wait3A_141] : memref<320000x128xf32, #tpu.memory_space<hbm>> -> memref<64x128xf32, #tpu.memory_space<hbm>>
      tpu.wait_dma2 semaphore(%arg9 : memref<!tpu.dma_semaphore, #tpu.memory_space<semaphore_mem>>) src(%dma_wait3A_142 : memref<64x128xf32, #tpu.memory_space<hbm>>) dst(%arg6 : memref<64x128xf32, #tpu.memory_space<vmem>>)
      %run_scoped3A_143 = arith.constant 5 : i32
      "tpu.region"() ({
        %run_scoped3A_164 = tpu.sem_alloc : memref<!tpu.dma_semaphore, #tpu.memory_space<semaphore_mem>>
        %dma_start3A_165 = arith.constant 0 : i32
        %dma_start3A_166 = tpu.memref_slice %arg7[%run_scoped3A_143, %dma_start3A_165] : memref<8x64xi32, #tpu.memory_space<vmem>> -> memref<1x64xi32, #tpu.memory_space<vmem>>
        %dma_start3A_167 = tpu.memref_squeeze %dma_start3A_166 : memref<1x64xi32, #tpu.memory_space<vmem>> -> memref<64xi32, #tpu.memory_space<vmem>>
        %dma_start3A_168 = arith.constant 0 : i32
        %dma_start3A_169 = arith.constant 0 : i32
        %dma_start3A_170 = tpu.memref_slice %arg10[%dma_start3A_168, %dma_start3A_169] : memref<10240x128xf32, #tpu.memory_space<vmem_shared>> -> memref<10240x128xf32, #tpu.memory_space<vmem_shared>>
        tpu.enqueue_indirect_dma source(%arg6 : memref<64x128xf32, #tpu.memory_space<vmem>>) target(%dma_start3A_170 : memref<10240x128xf32, #tpu.memory_space<vmem_shared>>) offsets(%dma_start3A_167 : memref<64xi32, #tpu.memory_space<vmem>>) semaphore(%run_scoped3A_164 : memref<!tpu.dma_semaphore, #tpu.memory_space<semaphore_mem>>) {add = true}
        %dma_wait3A_171 = arith.constant 0 : i32
        %dma_wait3A_172 = tpu.memref_slice %arg7[%run_scoped3A_143, %dma_wait3A_171] : memref<8x64xi32, #tpu.memory_space<vmem>> -> memref<1x64xi32, #tpu.memory_space<vmem>>
        %dma_wait3A_173 = tpu.memref_squeeze %dma_wait3A_172 : memref<1x64xi32, #tpu.memory_space<vmem>> -> memref<64xi32, #tpu.memory_space<vmem>>
        %dma_wait3A_174 = arith.constant 0 : i32
        %dma_wait3A_175 = arith.constant 0 : i32
        %dma_wait3A_176 = tpu.memref_slice %arg10[%dma_wait3A_174, %dma_wait3A_175] : memref<10240x128xf32, #tpu.memory_space<vmem_shared>> -> memref<10240x128xf32, #tpu.memory_space<vmem_shared>>
        tpu.wait_indirect_dma semaphore(%run_scoped3A_164 : memref<!tpu.dma_semaphore, #tpu.memory_space<semaphore_mem>>) src(%arg6 : memref<64x128xf32, #tpu.memory_space<vmem>>) dst(%dma_wait3A_176 : memref<10240x128xf32, #tpu.memory_space<vmem_shared>>)
        tpu.yield
      }) : () -> ()
      %add3A_144 = arith.constant 6 : i32
      %add3A_145 = arith.addi %mul3A_50, %add3A_144 : i32
      %add3A_146 = arith.constant 1 : i32
      %add3A_147 = arith.addi %add3A_145, %add3A_146 : i32
      %mul3A_148 = arith.constant 64 : i32
      %mul3A_149 = arith.muli %add3A_147, %mul3A_148 : i32
      %dma_start3A_150 = arith.constant 0 : i32
      %dma_start3A_151 = tpu.memref_slice %arg2[%mul3A_149, %dma_start3A_150] : memref<320000x128xf32, #tpu.memory_space<hbm>> -> memref<64x128xf32, #tpu.memory_space<hbm>>
      %dma_start3A_152 = arith.constant 0 : i32
      %dma_start3A_153 = tpu.memref_slice %arg2[%mul3A_149, %dma_start3A_152] : memref<320000x128xf32, #tpu.memory_space<hbm>> -> memref<64x128xf32, #tpu.memory_space<hbm>>
      tpu.enqueue_dma source(%dma_start3A_153 : memref<64x128xf32, #tpu.memory_space<hbm>>) target(%arg6 : memref<64x128xf32, #tpu.memory_space<vmem>>) target_semaphore(%arg9 : memref<!tpu.dma_semaphore, #tpu.memory_space<semaphore_mem>>)
      %dma_wait3A_154 = arith.constant 0 : i32
      %dma_wait3A_155 = tpu.memref_slice %arg2[%mul3A_134, %dma_wait3A_154] : memref<320000x128xf32, #tpu.memory_space<hbm>> -> memref<64x128xf32, #tpu.memory_space<hbm>>
      %dma_wait3A_156 = arith.constant 0 : i32
      %dma_wait3A_157 = tpu.memref_slice %arg2[%mul3A_134, %dma_wait3A_156] : memref<320000x128xf32, #tpu.memory_space<hbm>> -> memref<64x128xf32, #tpu.memory_space<hbm>>
      tpu.wait_dma2 semaphore(%arg8 : memref<!tpu.dma_semaphore, #tpu.memory_space<semaphore_mem>>) src(%dma_wait3A_157 : memref<64x128xf32, #tpu.memory_space<hbm>>) dst(%arg5 : memref<64x128xf32, #tpu.memory_space<vmem>>)
      %run_scoped3A_158 = arith.constant 6 : i32
      "tpu.region"() ({
        %run_scoped3A_164 = tpu.sem_alloc : memref<!tpu.dma_semaphore, #tpu.memory_space<semaphore_mem>>
        %dma_start3A_165 = arith.constant 0 : i32
        %dma_start3A_166 = tpu.memref_slice %arg7[%run_scoped3A_158, %dma_start3A_165] : memref<8x64xi32, #tpu.memory_space<vmem>> -> memref<1x64xi32, #tpu.memory_space<vmem>>
        %dma_start3A_167 = tpu.memref_squeeze %dma_start3A_166 : memref<1x64xi32, #tpu.memory_space<vmem>> -> memref<64xi32, #tpu.memory_space<vmem>>
        %dma_start3A_168 = arith.constant 0 : i32
        %dma_start3A_169 = arith.constant 0 : i32
        %dma_start3A_170 = tpu.memref_slice %arg10[%dma_start3A_168, %dma_start3A_169] : memref<10240x128xf32, #tpu.memory_space<vmem_shared>> -> memref<10240x128xf32, #tpu.memory_space<vmem_shared>>
        tpu.enqueue_indirect_dma source(%arg5 : memref<64x128xf32, #tpu.memory_space<vmem>>) target(%dma_start3A_170 : memref<10240x128xf32, #tpu.memory_space<vmem_shared>>) offsets(%dma_start3A_167 : memref<64xi32, #tpu.memory_space<vmem>>) semaphore(%run_scoped3A_164 : memref<!tpu.dma_semaphore, #tpu.memory_space<semaphore_mem>>) {add = true}
        %dma_wait3A_171 = arith.constant 0 : i32
        %dma_wait3A_172 = tpu.memref_slice %arg7[%run_scoped3A_158, %dma_wait3A_171] : memref<8x64xi32, #tpu.memory_space<vmem>> -> memref<1x64xi32, #tpu.memory_space<vmem>>
        %dma_wait3A_173 = tpu.memref_squeeze %dma_wait3A_172 : memref<1x64xi32, #tpu.memory_space<vmem>> -> memref<64xi32, #tpu.memory_space<vmem>>
        %dma_wait3A_174 = arith.constant 0 : i32
        %dma_wait3A_175 = arith.constant 0 : i32
        %dma_wait3A_176 = tpu.memref_slice %arg10[%dma_wait3A_174, %dma_wait3A_175] : memref<10240x128xf32, #tpu.memory_space<vmem_shared>> -> memref<10240x128xf32, #tpu.memory_space<vmem_shared>>
        tpu.wait_indirect_dma semaphore(%run_scoped3A_164 : memref<!tpu.dma_semaphore, #tpu.memory_space<semaphore_mem>>) src(%arg5 : memref<64x128xf32, #tpu.memory_space<vmem>>) dst(%dma_wait3A_176 : memref<10240x128xf32, #tpu.memory_space<vmem_shared>>)
        tpu.yield
      }) : () -> ()
      %dma_wait3A_159 = arith.constant 0 : i32
      %dma_wait3A_160 = tpu.memref_slice %arg2[%mul3A_149, %dma_wait3A_159] : memref<320000x128xf32, #tpu.memory_space<hbm>> -> memref<64x128xf32, #tpu.memory_space<hbm>>
      %dma_wait3A_161 = arith.constant 0 : i32
      %dma_wait3A_162 = tpu.memref_slice %arg2[%mul3A_149, %dma_wait3A_161] : memref<320000x128xf32, #tpu.memory_space<hbm>> -> memref<64x128xf32, #tpu.memory_space<hbm>>
      tpu.wait_dma2 semaphore(%arg9 : memref<!tpu.dma_semaphore, #tpu.memory_space<semaphore_mem>>) src(%dma_wait3A_162 : memref<64x128xf32, #tpu.memory_space<hbm>>) dst(%arg6 : memref<64x128xf32, #tpu.memory_space<vmem>>)
      %run_scoped3A_163 = arith.constant 7 : i32
      "tpu.region"() ({
        %run_scoped3A_164 = tpu.sem_alloc : memref<!tpu.dma_semaphore, #tpu.memory_space<semaphore_mem>>
        %dma_start3A_165 = arith.constant 0 : i32
        %dma_start3A_166 = tpu.memref_slice %arg7[%run_scoped3A_163, %dma_start3A_165] : memref<8x64xi32, #tpu.memory_space<vmem>> -> memref<1x64xi32, #tpu.memory_space<vmem>>
        %dma_start3A_167 = tpu.memref_squeeze %dma_start3A_166 : memref<1x64xi32, #tpu.memory_space<vmem>> -> memref<64xi32, #tpu.memory_space<vmem>>
        %dma_start3A_168 = arith.constant 0 : i32
        %dma_start3A_169 = arith.constant 0 : i32
        %dma_start3A_170 = tpu.memref_slice %arg10[%dma_start3A_168, %dma_start3A_169] : memref<10240x128xf32, #tpu.memory_space<vmem_shared>> -> memref<10240x128xf32, #tpu.memory_space<vmem_shared>>
        tpu.enqueue_indirect_dma source(%arg6 : memref<64x128xf32, #tpu.memory_space<vmem>>) target(%dma_start3A_170 : memref<10240x128xf32, #tpu.memory_space<vmem_shared>>) offsets(%dma_start3A_167 : memref<64xi32, #tpu.memory_space<vmem>>) semaphore(%run_scoped3A_164 : memref<!tpu.dma_semaphore, #tpu.memory_space<semaphore_mem>>) {add = true}
        %dma_wait3A_171 = arith.constant 0 : i32
        %dma_wait3A_172 = tpu.memref_slice %arg7[%run_scoped3A_163, %dma_wait3A_171] : memref<8x64xi32, #tpu.memory_space<vmem>> -> memref<1x64xi32, #tpu.memory_space<vmem>>
        %dma_wait3A_173 = tpu.memref_squeeze %dma_wait3A_172 : memref<1x64xi32, #tpu.memory_space<vmem>> -> memref<64xi32, #tpu.memory_space<vmem>>
        %dma_wait3A_174 = arith.constant 0 : i32
        %dma_wait3A_175 = arith.constant 0 : i32
        %dma_wait3A_176 = tpu.memref_slice %arg10[%dma_wait3A_174, %dma_wait3A_175] : memref<10240x128xf32, #tpu.memory_space<vmem_shared>> -> memref<10240x128xf32, #tpu.memory_space<vmem_shared>>
        tpu.wait_indirect_dma semaphore(%run_scoped3A_164 : memref<!tpu.dma_semaphore, #tpu.memory_space<semaphore_mem>>) src(%arg6 : memref<64x128xf32, #tpu.memory_space<vmem>>) dst(%dma_wait3A_176 : memref<10240x128xf32, #tpu.memory_space<vmem_shared>>)
        tpu.yield
      }) : () -> ()
    } else {
    }
    %barrier3A_41 = arith.constant 0 : index
    tpu.barrier barrier_id(%barrier3A_41)
    %mul3A_42 = arith.constant 640 : i32
    %mul3A_43 = arith.muli %arg1, %mul3A_42 : i32
    %mul3A_44 = arith.constant 10240 : i32
    %mul3A_45 = arith.muli %arg0, %mul3A_44 : i32
    %add3A_46 = arith.addi %mul3A_45, %mul3A_43 : i32
    "tpu.region"() ({
      %run_scoped3A = tpu.sem_alloc : memref<!tpu.dma_semaphore, #tpu.memory_space<semaphore_mem>>
      %dma_start3A = arith.constant 0 : i32
      %dma_start3A_47 = tpu.memref_slice %arg4[%add3A_46, %dma_start3A] : memref<20480x128xf32, #tpu.memory_space<hbm>> -> memref<640x128xf32, #tpu.memory_space<hbm>>
      %dma_start3A_48 = arith.constant 0 : i32
      %dma_start3A_49 = tpu.memref_slice %arg10[%mul3A_43, %dma_start3A_48] : memref<10240x128xf32, #tpu.memory_space<vmem_shared>> -> memref<640x128xf32, #tpu.memory_space<vmem_shared>>
      tpu.enqueue_dma source(%dma_start3A_49 : memref<640x128xf32, #tpu.memory_space<vmem_shared>>) target(%dma_start3A_47 : memref<640x128xf32, #tpu.memory_space<hbm>>) target_semaphore(%run_scoped3A : memref<!tpu.dma_semaphore, #tpu.memory_space<semaphore_mem>>)
      %dma_wait3A = arith.constant 0 : i32
      %dma_wait3A_50 = tpu.memref_slice %arg4[%add3A_46, %dma_wait3A] : memref<20480x128xf32, #tpu.memory_space<hbm>> -> memref<640x128xf32, #tpu.memory_space<hbm>>
      %dma_wait3A_51 = arith.constant 0 : i32
      %dma_wait3A_52 = tpu.memref_slice %arg10[%mul3A_43, %dma_wait3A_51] : memref<10240x128xf32, #tpu.memory_space<vmem_shared>> -> memref<640x128xf32, #tpu.memory_space<vmem_shared>>
      tpu.wait_dma2 semaphore(%run_scoped3A : memref<!tpu.dma_semaphore, #tpu.memory_space<semaphore_mem>>) src(%dma_wait3A_52 : memref<640x128xf32, #tpu.memory_space<vmem_shared>>) dst(%dma_wait3A_50 : memref<640x128xf32, #tpu.memory_space<hbm>>)
      tpu.yield
    }) : () -> ()
    return
  }
}

module attributes {stable_mosaic.version = 14 : i64} {
  func.func @_edge_body(%arg0: i32, %arg1: memref<2000x128xf32, #tpu.memory_space<vmem>>, %arg2: memref<128x128xf32, #tpu.memory_space<vmem>>, %arg3: memref<1x128xf32, #tpu.memory_space<vmem>>, %arg4: memref<128x128xf32, #tpu.memory_space<vmem>>, %arg5: memref<1x128xf32, #tpu.memory_space<vmem>>, %arg6: memref<128x128xf32, #tpu.memory_space<vmem>>, %arg7: memref<1x128xf32, #tpu.memory_space<vmem>>, %arg8: memref<2000x128xf32, #tpu.memory_space<vmem>>, %arg9: memref<2000x128xf32, #tpu.memory_space<vmem>>) attributes {dimension_semantics = [#tpu.dimension_semantics<arbitrary>], iteration_bounds = array<i64: 160>, scalar_prefetch = 0 : i64, scratch_operands = 0 : i64, tpu.core_type = #tpu.core_type<tc>, window_params = [{transform_indices = @transform_0, window_bounds = array<i64: 2000, 128>}, {pipeline_mode = #tpu.pipeline_mode<synchronous>, transform_indices = @transform_1, window_bounds = array<i64: 128, 128>}, {pipeline_mode = #tpu.pipeline_mode<synchronous>, transform_indices = @transform_2, window_bounds = array<i64: 1, 128>}, {pipeline_mode = #tpu.pipeline_mode<synchronous>, transform_indices = @transform_3, window_bounds = array<i64: 128, 128>}, {pipeline_mode = #tpu.pipeline_mode<synchronous>, transform_indices = @transform_4, window_bounds = array<i64: 1, 128>}, {pipeline_mode = #tpu.pipeline_mode<synchronous>, transform_indices = @transform_5, window_bounds = array<i64: 128, 128>}, {pipeline_mode = #tpu.pipeline_mode<synchronous>, transform_indices = @transform_6, window_bounds = array<i64: 1, 128>}, {transform_indices = @transform_7, window_bounds = array<i64: 2000, 128>}, {transform_indices = @transform_8, window_bounds = array<i64: 2000, 128>}]} {
    %get3A = arith.constant 0 : index
    %get3A_0 = arith.constant 0 : index
    %get3A_1 = vector.load %arg1[%get3A, %get3A_0] : memref<2000x128xf32, #tpu.memory_space<vmem>>, vector<2000x128xf32>
    %get3A_2 = arith.constant 0 : index
    %get3A_3 = arith.constant 0 : index
    %get3A_4 = vector.load %arg2[%get3A_2, %get3A_3] : memref<128x128xf32, #tpu.memory_space<vmem>>, vector<128x128xf32>
    %dot_general3A = arith.constant dense<0.000000e+00> : vector<2000x128xf32>
    %dot_general3A_5 = tpu.matmul %get3A_1, %get3A_4, %dot_general3A {dimension_numbers = #tpu.dot_dimension_numbers<[1], [0], [0], [1], [0, 0, 1, 1], [], []>, transpose_lhs_hint = false} : vector<2000x128xf32>, vector<128x128xf32>, vector<2000x128xf32> -> vector<2000x128xf32>
    %get3A_6 = arith.constant 0 : index
    %get3A_7 = arith.constant 0 : index
    %get3A_8 = vector.load %arg3[%get3A_6, %get3A_7] : memref<1x128xf32, #tpu.memory_space<vmem>>, vector<1x128xf32>
    %add3A = vector.broadcast %get3A_8 : vector<1x128xf32> to vector<2000x128xf32>
    %add3A_9 = arith.addf %dot_general3A_5, %add3A : vector<2000x128xf32>
    %max3A = arith.constant 0.000000e+00 : f32
    %max3A_10 = vector.broadcast %max3A : f32 to vector<2000x128xf32>
    %max3A_11 = arith.maximumf %add3A_9, %max3A_10 : vector<2000x128xf32>
    %get3A_12 = arith.constant 0 : index
    %get3A_13 = arith.constant 0 : index
    %get3A_14 = vector.load %arg4[%get3A_12, %get3A_13] : memref<128x128xf32, #tpu.memory_space<vmem>>, vector<128x128xf32>
    %dot_general3A_15 = arith.constant dense<0.000000e+00> : vector<2000x128xf32>
    %dot_general3A_16 = tpu.matmul %max3A_11, %get3A_14, %dot_general3A_15 {dimension_numbers = #tpu.dot_dimension_numbers<[1], [0], [0], [1], [0, 0, 1, 1], [], []>, transpose_lhs_hint = false} : vector<2000x128xf32>, vector<128x128xf32>, vector<2000x128xf32> -> vector<2000x128xf32>
    %get3A_17 = arith.constant 0 : index
    %get3A_18 = arith.constant 0 : index
    %get3A_19 = vector.load %arg5[%get3A_17, %get3A_18] : memref<1x128xf32, #tpu.memory_space<vmem>>, vector<1x128xf32>
    %add3A_20 = vector.broadcast %get3A_19 : vector<1x128xf32> to vector<2000x128xf32>
    %add3A_21 = arith.addf %dot_general3A_16, %add3A_20 : vector<2000x128xf32>
    %get3A_22 = arith.constant 0 : index
    %get3A_23 = arith.constant 0 : index
    %get3A_24 = vector.load %arg6[%get3A_22, %get3A_23] : memref<128x128xf32, #tpu.memory_space<vmem>>, vector<128x128xf32>
    %dot_general3A_25 = arith.constant dense<0.000000e+00> : vector<2000x128xf32>
    %dot_general3A_26 = tpu.matmul %max3A_11, %get3A_24, %dot_general3A_25 {dimension_numbers = #tpu.dot_dimension_numbers<[1], [0], [0], [1], [0, 0, 1, 1], [], []>, transpose_lhs_hint = false} : vector<2000x128xf32>, vector<128x128xf32>, vector<2000x128xf32> -> vector<2000x128xf32>
    %get3A_27 = arith.constant 0 : index
    %get3A_28 = arith.constant 0 : index
    %get3A_29 = vector.load %arg7[%get3A_27, %get3A_28] : memref<1x128xf32, #tpu.memory_space<vmem>>, vector<1x128xf32>
    %add3A_30 = vector.broadcast %get3A_29 : vector<1x128xf32> to vector<2000x128xf32>
    %add3A_31 = arith.addf %dot_general3A_26, %add3A_30 : vector<2000x128xf32>
    %min3A = arith.constant 7.000000e+01 : f32
    %min3A_32 = vector.broadcast %min3A : f32 to vector<2000x128xf32>
    %min3A_33 = arith.minimumf %add3A_31, %min3A_32 : vector<2000x128xf32>
    %exp3A = math.exp %min3A_33 : vector<2000x128xf32>
    %mul3A = arith.mulf %exp3A, %add3A_21 : vector<2000x128xf32>
    %swap3A = arith.constant 0 : index
    %swap3A_34 = arith.constant 0 : index
    %swap3A_35 = vector.load %arg8[%swap3A, %swap3A_34] : memref<2000x128xf32, #tpu.memory_space<vmem>>, vector<2000x128xf32>
    tpu.vector_store %arg8[%swap3A, %swap3A_34], %mul3A {strides = array<i32>} : memref<2000x128xf32, #tpu.memory_space<vmem>>, vector<2000x128xf32>,
    %swap3A_36 = arith.constant 0 : index
    %swap3A_37 = arith.constant 0 : index
    %swap3A_38 = vector.load %arg9[%swap3A_36, %swap3A_37] : memref<2000x128xf32, #tpu.memory_space<vmem>>, vector<2000x128xf32>
    tpu.vector_store %arg9[%swap3A_36, %swap3A_37], %exp3A {strides = array<i32>} : memref<2000x128xf32, #tpu.memory_space<vmem>>, vector<2000x128xf32>,
    return
  }
  func.func @transform_0(%arg0: i32) -> (i32, i32) {
    %c0_i32 = arith.constant 0 : i32
    %c0_i32_0 = arith.constant 0 : i32
    return %arg0, %c0_i32 : i32, i32
  }
  func.func @transform_1(%arg0: i32) -> (i32, i32) {
    %c0_i32 = arith.constant 0 : i32
    %c0_i32_0 = arith.constant 0 : i32
    %c0_i32_1 = arith.constant 0 : i32
    return %c0_i32, %c0_i32_0 : i32, i32
  }
  func.func @transform_2(%arg0: i32) -> (i32, i32) {
    %c0_i32 = arith.constant 0 : i32
    %c0_i32_0 = arith.constant 0 : i32
    %c0_i32_1 = arith.constant 0 : i32
    return %c0_i32, %c0_i32_0 : i32, i32
  }
  func.func @transform_3(%arg0: i32) -> (i32, i32) {
    %c0_i32 = arith.constant 0 : i32
    %c0_i32_0 = arith.constant 0 : i32
    %c0_i32_1 = arith.constant 0 : i32
    return %c0_i32, %c0_i32_0 : i32, i32
  }
  func.func @transform_4(%arg0: i32) -> (i32, i32) {
    %c0_i32 = arith.constant 0 : i32
    %c0_i32_0 = arith.constant 0 : i32
    %c0_i32_1 = arith.constant 0 : i32
    return %c0_i32, %c0_i32_0 : i32, i32
  }
  func.func @transform_5(%arg0: i32) -> (i32, i32) {
    %c0_i32 = arith.constant 0 : i32
    %c0_i32_0 = arith.constant 0 : i32
    %c0_i32_1 = arith.constant 0 : i32
    return %c0_i32, %c0_i32_0 : i32, i32
  }
  func.func @transform_6(%arg0: i32) -> (i32, i32) {
    %c0_i32 = arith.constant 0 : i32
    %c0_i32_0 = arith.constant 0 : i32
    %c0_i32_1 = arith.constant 0 : i32
    return %c0_i32, %c0_i32_0 : i32, i32
  }
  func.func @transform_7(%arg0: i32) -> (i32, i32) {
    %c0_i32 = arith.constant 0 : i32
    %c0_i32_0 = arith.constant 0 : i32
    return %arg0, %c0_i32 : i32, i32
  }
  func.func @transform_8(%arg0: i32) -> (i32, i32) {
    %c0_i32 = arith.constant 0 : i32
    %c0_i32_0 = arith.constant 0 : i32
    return %arg0, %c0_i32 : i32, i32
  }
}

module attributes {stable_mosaic.version = 14 : i64} {
  func.func @_post_body(%arg0: i32, %arg1: memref<2x1000x128xf32, #tpu.memory_space<vmem>>, %arg2: memref<2x1000x128xf32, #tpu.memory_space<vmem>>, %arg3: memref<1000x128xf32, #tpu.memory_space<vmem>>, %arg4: memref<1x128xf32, #tpu.memory_space<vmem>>, %arg5: memref<1x128xf32, #tpu.memory_space<vmem>>, %arg6: memref<1x128xf32, #tpu.memory_space<vmem>>, %arg7: memref<128x128xf32, #tpu.memory_space<vmem>>, %arg8: memref<1x128xf32, #tpu.memory_space<vmem>>, %arg9: memref<1x128xf32, #tpu.memory_space<vmem>>, %arg10: memref<1x128xf32, #tpu.memory_space<vmem>>, %arg11: memref<128x128xf32, #tpu.memory_space<vmem>>, %arg12: memref<128x128xf32, #tpu.memory_space<vmem>>, %arg13: memref<1x128xf32, #tpu.memory_space<vmem>>, %arg14: memref<1000x128xf32, #tpu.memory_space<vmem>>) attributes {dimension_semantics = [#tpu.dimension_semantics<arbitrary>], iteration_bounds = array<i64: 10>, scalar_prefetch = 0 : i64, scratch_operands = 0 : i64, tpu.core_type = #tpu.core_type<tc>, window_params = [{transform_indices = @transform_0, window_bounds = array<i64: 2, 1000, 128>}, {transform_indices = @transform_1, window_bounds = array<i64: 2, 1000, 128>}, {transform_indices = @transform_2, window_bounds = array<i64: 1000, 128>}, {pipeline_mode = #tpu.pipeline_mode<synchronous>, transform_indices = @transform_3, window_bounds = array<i64: 1, 128>}, {pipeline_mode = #tpu.pipeline_mode<synchronous>, transform_indices = @transform_4, window_bounds = array<i64: 1, 128>}, {pipeline_mode = #tpu.pipeline_mode<synchronous>, transform_indices = @transform_5, window_bounds = array<i64: 1, 128>}, {pipeline_mode = #tpu.pipeline_mode<synchronous>, transform_indices = @transform_6, window_bounds = array<i64: 128, 128>}, {pipeline_mode = #tpu.pipeline_mode<synchronous>, transform_indices = @transform_7, window_bounds = array<i64: 1, 128>}, {pipeline_mode = #tpu.pipeline_mode<synchronous>, transform_indices = @transform_8, window_bounds = array<i64: 1, 128>}, {pipeline_mode = #tpu.pipeline_mode<synchronous>, transform_indices = @transform_9, window_bounds = array<i64: 1, 128>}, {pipeline_mode = #tpu.pipeline_mode<synchronous>, transform_indices = @transform_10, window_bounds = array<i64: 128, 128>}, {pipeline_mode = #tpu.pipeline_mode<synchronous>, transform_indices = @transform_11, window_bounds = array<i64: 128, 128>}, {pipeline_mode = #tpu.pipeline_mode<synchronous>, transform_indices = @transform_12, window_bounds = array<i64: 1, 128>}, {transform_indices = @transform_13, window_bounds = array<i64: 1000, 128>}]} {
    %get3A = arith.constant 0 : index
    %get3A_0 = arith.constant 0 : index
    %get3A_1 = arith.constant 0 : index
    %get3A_2 = vector.load %arg1[%get3A, %get3A_0, %get3A_1] : memref<2x1000x128xf32, #tpu.memory_space<vmem>>, vector<2x1000x128xf32>
    %get3A_3 = arith.constant 0 : index
    %get3A_4 = arith.constant 0 : index
    %get3A_5 = arith.constant 0 : index
    %get3A_6 = vector.load %arg2[%get3A_3, %get3A_4, %get3A_5] : memref<2x1000x128xf32, #tpu.memory_space<vmem>>, vector<2x1000x128xf32>
    %slice3A = vector.extract_strided_slice %get3A_2 {offsets = [0, 0, 0], sizes = [1, 1000, 128], strides = [1, 1, 1]} : vector<2x1000x128xf32> to vector<1x1000x128xf32>
    %squeeze3A = vector.shape_cast %slice3A : vector<1x1000x128xf32> to vector<1000x128xf32>
    %slice3A_7 = vector.extract_strided_slice %get3A_2 {offsets = [1, 0, 0], sizes = [1, 1000, 128], strides = [1, 1, 1]} : vector<2x1000x128xf32> to vector<1x1000x128xf32>
    %squeeze3A_8 = vector.shape_cast %slice3A_7 : vector<1x1000x128xf32> to vector<1000x128xf32>
    %add3A = arith.addf %squeeze3A, %squeeze3A_8 : vector<1000x128xf32>
    %slice3A_9 = vector.extract_strided_slice %get3A_6 {offsets = [0, 0, 0], sizes = [1, 1000, 128], strides = [1, 1, 1]} : vector<2x1000x128xf32> to vector<1x1000x128xf32>
    %squeeze3A_10 = vector.shape_cast %slice3A_9 : vector<1x1000x128xf32> to vector<1000x128xf32>
    %slice3A_11 = vector.extract_strided_slice %get3A_6 {offsets = [1, 0, 0], sizes = [1, 1000, 128], strides = [1, 1, 1]} : vector<2x1000x128xf32> to vector<1x1000x128xf32>
    %squeeze3A_12 = vector.shape_cast %slice3A_11 : vector<1x1000x128xf32> to vector<1000x128xf32>
    %add3A_13 = arith.addf %squeeze3A_10, %squeeze3A_12 : vector<1000x128xf32>
    %add3A_14 = arith.constant 1.000000e-16 : f32
    %add3A_15 = vector.broadcast %add3A_14 : f32 to vector<1000x128xf32>
    %add3A_16 = arith.addf %add3A_13, %add3A_15 : vector<1000x128xf32>
    %div3A = arith.divf %add3A, %add3A_16 : vector<1000x128xf32>
    %get3A_17 = arith.constant 0 : index
    %get3A_18 = arith.constant 0 : index
    %get3A_19 = vector.load %arg4[%get3A_17, %get3A_18] : memref<1x128xf32, #tpu.memory_space<vmem>>, vector<1x128xf32>
    %add3A_20 = vector.broadcast %get3A_19 : vector<1x128xf32> to vector<1000x128xf32>
    %add3A_21 = arith.addf %div3A, %add3A_20 : vector<1000x128xf32>
    %reduce_sum3A = arith.constant dense<0.000000e+00> : vector<1000xf32>
    %reduce_sum3A_22 = vector.multi_reduction <add>, %add3A_21, %reduce_sum3A [1] : vector<1000x128xf32> to vector<1000xf32>
    %broadcast_in_dim3A = vector.shape_cast %reduce_sum3A_22 : vector<1000xf32> to vector<1000x1xf32>
    %div3A_23 = arith.constant 1.280000e+02 : f32
    %div3A_24 = vector.broadcast %div3A_23 : f32 to vector<1000x1xf32>
    %div3A_25 = arith.divf %broadcast_in_dim3A, %div3A_24 : vector<1000x1xf32>
    %sub3A = vector.broadcast %div3A_25 : vector<1000x1xf32> to vector<1000x128xf32>
    %sub3A_26 = arith.subf %add3A_21, %sub3A : vector<1000x128xf32>
    %integer_pow3A = arith.mulf %sub3A_26, %sub3A_26 : vector<1000x128xf32>
    %reduce_sum3A_27 = arith.constant dense<0.000000e+00> : vector<1000xf32>
    %reduce_sum3A_28 = vector.multi_reduction <add>, %integer_pow3A, %reduce_sum3A_27 [1] : vector<1000x128xf32> to vector<1000xf32>
    %broadcast_in_dim3A_29 = vector.shape_cast %reduce_sum3A_28 : vector<1000xf32> to vector<1000x1xf32>
    %div3A_30 = arith.constant 1.280000e+02 : f32
    %div3A_31 = vector.broadcast %div3A_30 : f32 to vector<1000x1xf32>
    %div3A_32 = arith.divf %broadcast_in_dim3A_29, %div3A_31 : vector<1000x1xf32>
    %sub3A_33 = vector.broadcast %div3A_25 : vector<1000x1xf32> to vector<1000x128xf32>
    %sub3A_34 = arith.subf %add3A_21, %sub3A_33 : vector<1000x128xf32>
    %add3A_35 = arith.constant 9.99999974E-6 : f32
    %add3A_36 = vector.broadcast %add3A_35 : f32 to vector<1000x1xf32>
    %add3A_37 = arith.addf %div3A_32, %add3A_36 : vector<1000x1xf32>
    %rsqrt3A = math.rsqrt %add3A_37 : vector<1000x1xf32>
    %mul3A = vector.broadcast %rsqrt3A : vector<1000x1xf32> to vector<1000x128xf32>
    %mul3A_38 = arith.mulf %sub3A_34, %mul3A : vector<1000x128xf32>
    %get3A_39 = arith.constant 0 : index
    %get3A_40 = arith.constant 0 : index
    %get3A_41 = vector.load %arg5[%get3A_39, %get3A_40] : memref<1x128xf32, #tpu.memory_space<vmem>>, vector<1x128xf32>
    %mul3A_42 = vector.broadcast %get3A_41 : vector<1x128xf32> to vector<1000x128xf32>
    %mul3A_43 = arith.mulf %mul3A_38, %mul3A_42 : vector<1000x128xf32>
    %get3A_44 = arith.constant 0 : index
    %get3A_45 = arith.constant 0 : index
    %get3A_46 = vector.load %arg6[%get3A_44, %get3A_45] : memref<1x128xf32, #tpu.memory_space<vmem>>, vector<1x128xf32>
    %add3A_47 = vector.broadcast %get3A_46 : vector<1x128xf32> to vector<1000x128xf32>
    %add3A_48 = arith.addf %mul3A_43, %add3A_47 : vector<1000x128xf32>
    %get3A_49 = arith.constant 0 : index
    %get3A_50 = arith.constant 0 : index
    %get3A_51 = vector.load %arg7[%get3A_49, %get3A_50] : memref<128x128xf32, #tpu.memory_space<vmem>>, vector<128x128xf32>
    %dot_general3A = arith.constant dense<0.000000e+00> : vector<1000x128xf32>
    %dot_general3A_52 = tpu.matmul %add3A_48, %get3A_51, %dot_general3A {dimension_numbers = #tpu.dot_dimension_numbers<[1], [0], [0], [1], [0, 0, 1, 1], [], []>, precision = #tpu.contract_precision<fp32>, transpose_lhs_hint = false} : vector<1000x128xf32>, vector<128x128xf32>, vector<1000x128xf32> -> vector<1000x128xf32>
    %get3A_53 = arith.constant 0 : index
    %get3A_54 = arith.constant 0 : index
    %get3A_55 = vector.load %arg8[%get3A_53, %get3A_54] : memref<1x128xf32, #tpu.memory_space<vmem>>, vector<1x128xf32>
    %add3A_56 = vector.broadcast %get3A_55 : vector<1x128xf32> to vector<1000x128xf32>
    %add3A_57 = arith.addf %dot_general3A_52, %add3A_56 : vector<1000x128xf32>
    %max3A = arith.constant 0.000000e+00 : f32
    %max3A_58 = vector.broadcast %max3A : f32 to vector<1000x128xf32>
    %max3A_59 = arith.maximumf %add3A_57, %max3A_58 : vector<1000x128xf32>
    %add3A_60 = arith.addf %add3A_48, %max3A_59 : vector<1000x128xf32>
    %reduce_sum3A_61 = arith.constant dense<0.000000e+00> : vector<1000xf32>
    %reduce_sum3A_62 = vector.multi_reduction <add>, %add3A_60, %reduce_sum3A_61 [1] : vector<1000x128xf32> to vector<1000xf32>
    %broadcast_in_dim3A_63 = vector.shape_cast %reduce_sum3A_62 : vector<1000xf32> to vector<1000x1xf32>
    %div3A_64 = arith.constant 1.280000e+02 : f32
    %div3A_65 = vector.broadcast %div3A_64 : f32 to vector<1000x1xf32>
    %div3A_66 = arith.divf %broadcast_in_dim3A_63, %div3A_65 : vector<1000x1xf32>
    %sub3A_67 = vector.broadcast %div3A_66 : vector<1000x1xf32> to vector<1000x128xf32>
    %sub3A_68 = arith.subf %add3A_60, %sub3A_67 : vector<1000x128xf32>
    %integer_pow3A_69 = arith.mulf %sub3A_68, %sub3A_68 : vector<1000x128xf32>
    %reduce_sum3A_70 = arith.constant dense<0.000000e+00> : vector<1000xf32>
    %reduce_sum3A_71 = vector.multi_reduction <add>, %integer_pow3A_69, %reduce_sum3A_70 [1] : vector<1000x128xf32> to vector<1000xf32>
    %broadcast_in_dim3A_72 = vector.shape_cast %reduce_sum3A_71 : vector<1000xf32> to vector<1000x1xf32>
    %div3A_73 = arith.constant 1.280000e+02 : f32
    %div3A_74 = vector.broadcast %div3A_73 : f32 to vector<1000x1xf32>
    %div3A_75 = arith.divf %broadcast_in_dim3A_72, %div3A_74 : vector<1000x1xf32>
    %sub3A_76 = vector.broadcast %div3A_66 : vector<1000x1xf32> to vector<1000x128xf32>
    %sub3A_77 = arith.subf %add3A_60, %sub3A_76 : vector<1000x128xf32>
    %add3A_78 = arith.constant 9.99999974E-6 : f32
    %add3A_79 = vector.broadcast %add3A_78 : f32 to vector<1000x1xf32>
    %add3A_80 = arith.addf %div3A_75, %add3A_79 : vector<1000x1xf32>
    %rsqrt3A_81 = math.rsqrt %add3A_80 : vector<1000x1xf32>
    %mul3A_82 = vector.broadcast %rsqrt3A_81 : vector<1000x1xf32> to vector<1000x128xf32>
    %mul3A_83 = arith.mulf %sub3A_77, %mul3A_82 : vector<1000x128xf32>
    %get3A_84 = arith.constant 0 : index
    %get3A_85 = arith.constant 0 : index
    %get3A_86 = vector.load %arg9[%get3A_84, %get3A_85] : memref<1x128xf32, #tpu.memory_space<vmem>>, vector<1x128xf32>
    %mul3A_87 = vector.broadcast %get3A_86 : vector<1x128xf32> to vector<1000x128xf32>
    %mul3A_88 = arith.mulf %mul3A_83, %mul3A_87 : vector<1000x128xf32>
    %get3A_89 = arith.constant 0 : index
    %get3A_90 = arith.constant 0 : index
    %get3A_91 = vector.load %arg10[%get3A_89, %get3A_90] : memref<1x128xf32, #tpu.memory_space<vmem>>, vector<1x128xf32>
    %add3A_92 = vector.broadcast %get3A_91 : vector<1x128xf32> to vector<1000x128xf32>
    %add3A_93 = arith.addf %mul3A_88, %add3A_92 : vector<1000x128xf32>
    %max3A_94 = arith.constant 0.000000e+00 : f32
    %max3A_95 = vector.broadcast %max3A_94 : f32 to vector<1000x128xf32>
    %max3A_96 = arith.maximumf %add3A_93, %max3A_95 : vector<1000x128xf32>
    %get3A_97 = arith.constant 0 : index
    %get3A_98 = arith.constant 0 : index
    %get3A_99 = vector.load %arg11[%get3A_97, %get3A_98] : memref<128x128xf32, #tpu.memory_space<vmem>>, vector<128x128xf32>
    %dot_general3A_100 = arith.constant dense<0.000000e+00> : vector<1000x128xf32>
    %dot_general3A_101 = tpu.matmul %max3A_96, %get3A_99, %dot_general3A_100 {dimension_numbers = #tpu.dot_dimension_numbers<[1], [0], [0], [1], [0, 0, 1, 1], [], []>, precision = #tpu.contract_precision<fp32>, transpose_lhs_hint = false} : vector<1000x128xf32>, vector<128x128xf32>, vector<1000x128xf32> -> vector<1000x128xf32>
    %get3A_102 = arith.constant 0 : index
    %get3A_103 = arith.constant 0 : index
    %get3A_104 = vector.load %arg3[%get3A_102, %get3A_103] : memref<1000x128xf32, #tpu.memory_space<vmem>>, vector<1000x128xf32>
    %get3A_105 = arith.constant 0 : index
    %get3A_106 = arith.constant 0 : index
    %get3A_107 = vector.load %arg12[%get3A_105, %get3A_106] : memref<128x128xf32, #tpu.memory_space<vmem>>, vector<128x128xf32>
    %dot_general3A_108 = arith.constant dense<0.000000e+00> : vector<1000x128xf32>
    %dot_general3A_109 = tpu.matmul %get3A_104, %get3A_107, %dot_general3A_108 {dimension_numbers = #tpu.dot_dimension_numbers<[1], [0], [0], [1], [0, 0, 1, 1], [], []>, precision = #tpu.contract_precision<fp32>, transpose_lhs_hint = false} : vector<1000x128xf32>, vector<128x128xf32>, vector<1000x128xf32> -> vector<1000x128xf32>
    %add3A_110 = arith.addf %dot_general3A_101, %dot_general3A_109 : vector<1000x128xf32>
    %get3A_111 = arith.constant 0 : index
    %get3A_112 = arith.constant 0 : index
    %get3A_113 = vector.load %arg13[%get3A_111, %get3A_112] : memref<1x128xf32, #tpu.memory_space<vmem>>, vector<1x128xf32>
    %add3A_114 = vector.broadcast %get3A_113 : vector<1x128xf32> to vector<1000x128xf32>
    %add3A_115 = arith.addf %add3A_110, %add3A_114 : vector<1000x128xf32>
    %max3A_116 = arith.constant 0.000000e+00 : f32
    %max3A_117 = vector.broadcast %max3A_116 : f32 to vector<1000x128xf32>
    %max3A_118 = arith.maximumf %add3A_115, %max3A_117 : vector<1000x128xf32>
    %swap3A = arith.constant 0 : index
    %swap3A_119 = arith.constant 0 : index
    %swap3A_120 = vector.load %arg14[%swap3A, %swap3A_119] : memref<1000x128xf32, #tpu.memory_space<vmem>>, vector<1000x128xf32>
    tpu.vector_store %arg14[%swap3A, %swap3A_119], %max3A_118 {strides = array<i32>} : memref<1000x128xf32, #tpu.memory_space<vmem>>, vector<1000x128xf32>,
    return
  }
  func.func @transform_0(%arg0: i32) -> (i32, i32, i32) {
    %c0_i32 = arith.constant 0 : i32
    %c0_i32_0 = arith.constant 0 : i32
    %c0_i32_1 = arith.constant 0 : i32
    return %c0_i32, %arg0, %c0_i32_0 : i32, i32, i32
  }
  func.func @transform_1(%arg0: i32) -> (i32, i32, i32) {
    %c0_i32 = arith.constant 0 : i32
    %c0_i32_0 = arith.constant 0 : i32
    %c0_i32_1 = arith.constant 0 : i32
    return %c0_i32, %arg0, %c0_i32_0 : i32, i32, i32
  }
  func.func @transform_2(%arg0: i32) -> (i32, i32) {
    %c0_i32 = arith.constant 0 : i32
    %c0_i32_0 = arith.constant 0 : i32
    return %arg0, %c0_i32 : i32, i32
  }
  func.func @transform_3(%arg0: i32) -> (i32, i32) {
    %c0_i32 = arith.constant 0 : i32
    %c0_i32_0 = arith.constant 0 : i32
    %c0_i32_1 = arith.constant 0 : i32
    return %c0_i32, %c0_i32_0 : i32, i32
  }
  func.func @transform_4(%arg0: i32) -> (i32, i32) {
    %c0_i32 = arith.constant 0 : i32
    %c0_i32_0 = arith.constant 0 : i32
    %c0_i32_1 = arith.constant 0 : i32
    return %c0_i32, %c0_i32_0 : i32, i32
  }
  func.func @transform_5(%arg0: i32) -> (i32, i32) {
    %c0_i32 = arith.constant 0 : i32
    %c0_i32_0 = arith.constant 0 : i32
    %c0_i32_1 = arith.constant 0 : i32
    return %c0_i32, %c0_i32_0 : i32, i32
  }
  func.func @transform_6(%arg0: i32) -> (i32, i32) {
    %c0_i32 = arith.constant 0 : i32
    %c0_i32_0 = arith.constant 0 : i32
    %c0_i32_1 = arith.constant 0 : i32
    return %c0_i32, %c0_i32_0 : i32, i32
  }
  func.func @transform_7(%arg0: i32) -> (i32, i32) {
    %c0_i32 = arith.constant 0 : i32
    %c0_i32_0 = arith.constant 0 : i32
    %c0_i32_1 = arith.constant 0 : i32
    return %c0_i32, %c0_i32_0 : i32, i32
  }
  func.func @transform_8(%arg0: i32) -> (i32, i32) {
    %c0_i32 = arith.constant 0 : i32
    %c0_i32_0 = arith.constant 0 : i32
    %c0_i32_1 = arith.constant 0 : i32
    return %c0_i32, %c0_i32_0 : i32, i32
  }
  func.func @transform_9(%arg0: i32) -> (i32, i32) {
    %c0_i32 = arith.constant 0 : i32
    %c0_i32_0 = arith.constant 0 : i32
    %c0_i32_1 = arith.constant 0 : i32
    return %c0_i32, %c0_i32_0 : i32, i32
  }
  func.func @transform_10(%arg0: i32) -> (i32, i32) {
    %c0_i32 = arith.constant 0 : i32
    %c0_i32_0 = arith.constant 0 : i32
    %c0_i32_1 = arith.constant 0 : i32
    return %c0_i32, %c0_i32_0 : i32, i32
  }
  func.func @transform_11(%arg0: i32) -> (i32, i32) {
    %c0_i32 = arith.constant 0 : i32
    %c0_i32_0 = arith.constant 0 : i32
    %c0_i32_1 = arith.constant 0 : i32
    return %c0_i32, %c0_i32_0 : i32, i32
  }
  func.func @transform_12(%arg0: i32) -> (i32, i32) {
    %c0_i32 = arith.constant 0 : i32
    %c0_i32_0 = arith.constant 0 : i32
    %c0_i32_1 = arith.constant 0 : i32
    return %c0_i32, %c0_i32_0 : i32, i32
  }
  func.func @transform_13(%arg0: i32) -> (i32, i32) {
    %c0_i32 = arith.constant 0 : i32
    %c0_i32_0 = arith.constant 0 : i32
    return %arg0, %c0_i32 : i32, i32
  }
}

</mosaic_0001>

<sc_bundles>
// kernel: kernel.6.cloned.1.call-start
scs
__scs_entry_jumppad:
0x0: {  	(pc) =	sbr.rel $0x88, $3  }
0x1: {  	(tag) =	ssettag $0x0;
	lr =	simm.s32 $0x1  }
0x2: {  	[smem:$0x3F8F] =	sst lr;
	_ =	strace $0xD0000000  }
0x3: {  	_ = 	snop  }
0x4: {  	_ = 	snop  }
0x5: {  	_ = 	snop  }
0x6: {  	_ = 	snop  }
0x7: {  	_ = 	snop  }
__scs_overlays_trampoline_lowered:
0x8: {  	[smem:$0x3F9E] =	sst s0  }
0x9: {  	[smem:$0x3F9F] =	sst s1  }
0xa: {  	[smem:$0x3FA0] =	sst s2  }
0xb: {  	[smem:$0x3FA1] =	sst s3  }
0xc: {  	[smem:$0x3FA2] =	sst s4  }
0xd: {  	[smem:$0x3FA3] =	sst s5  }
0xe: {  	[smem:$0x3FA4] =	sst s6  }
0xf: {  	[smem:$0x3FA5] =	sst s7  }
0x10: {  	[smem:$0x3FA6] =	sst s8  }
0x11: {  	[smem:$0x3FA7] =	sst s9;
	s0 =	simm.s32 @!p0 $0x0  }
0x12: {  	s1 =	sld [smem:$0x3F8D];
	s0 =	simm.s32 @p0 $0x1  }
0x13: {  	[smem:$0x3FA8] =	sst s0;
	s0 =	simm.s32 @!p1 $0x0  }
0x14: {  	s2 =	sld [smem:$0x3F8C];
	s0 =	simm.s32 @p1 $0x1  }
0x15: {  	[smem:$0x3FA9] =	sst s0;
	s0 =	simm.s32 @!p2 $0x0  }
0x16: {  	s3 =	sld [smem:$0x3FDB];
	s0 =	simm.s32 @p2 $0x1  }
0x17: {  	s4 =	simm.s32 $0x1BF5;
	[smem:$0x3FAB] =	sst s0  }
0x18: {  	s0 =	sld [smem:$0x3F8E];
	_ =	swait.ge [sflag:s4], $0x0  }
0x19: {  	s7 =	sld [smem:$0x3F8F]  }
0x1a: {  	s8 =	sadd.s32 $0xFFFFE003, lr  }
0x1b: {  	s9 =	sadd.s32 $0xFFFFFEF7, lr;
	s5 =	simm.s32 $0xFFFFFFFF;
	p2 =	slt.u32 s8, $0xFFFFF086  }
0x1c: {  	p1 =	slt.u32 s9, $0xF7A;
	s5 =	simm.s32 @!p2 $0x0  }
0x1d: {  	s5 =	simm.s32 @p1 $0x1;
	p0 =	seq.s32 s7, s2  }
0x1e: {  	s7 =	smul.u32 @!p0 $0xF7A, s2;
	p2 =	seq.s32 @!p0 s5, $0x0  }
0x1f: {  	s9 =	smul.u32 $0xF7A, s1;
	s8 =	simm.s32 @!p0 $0x1BF5;
	p2 =	por !p2, p0  }
0x20: {  	[sflag:s8] =	ssyncset.s32 @!p0 $0xFFFFF086;
	s6 =	sadd.s32 @!p0 s3, s7;
	s7 =	simm.s32 @!p0 $0x108  }
0x21: {  	s3 =	sadd.s32 s3, s9;
	s6 =	sadd.s32 @!p0 $0x88, s6;
	s7 =	simm.s32 @p2 $0x1082  }
0x22: {  	[simem:s7], [sflag:s8] =	dma.local @!p0 [hbm:s6], $0xF7A  }
0x23: {  	s9 =	sor.u32 $0xD0000000, s2;
	s6 =	simm.s32 $0x108;
	_ =	swait.ge @!p0 [sflag:s8], $0x0  }
0x24: {  	s3 =	sadd.s32 $0x88, s3;
	s6 =	simm.s32 @!p1 $0x1082;
	[sflag:s4] =	ssyncset.s32 $0xFFFFF086  }
0x25: {  	[simem:s6], [sflag:s4] =	dma.local [hbm:s3], $0xF7A  }
0x26: {  	[smem:$0x3F8F] =	sst s1;
	(tag) =	ssettag s2;
	_ =	strace s9  }
0x27: {  	s1 =	sld [smem:$0x3F9F]  }
0x28: {  	s2 =	sld [smem:$0x3FA0]  }
0x29: {  	s4 =	sld [smem:$0x3FA2]  }
0x2a: {  	p0 =	seq.s32 s5, $0x0;
	s5 =	sld [smem:$0x3FA3]  }
0x2b: {  	s6 =	sld [smem:$0x3FA4]  }
0x2c: {  	s7 =	sld [smem:$0x3FA5]  }
0x2d: {  	s3 =	simm.s32 $0x108;
	s8 =	sld [smem:$0x3FA6]  }
0x2e: {  	s3 =	simm.s32 @!p0 $0x1082;
	s9 =	sld [smem:$0x3FA7]  }
0x2f: {  	lr =	sadd.s32 s0, s3;
	s0 =	sld [smem:$0x3F9E]  }
0x30: {  	s3 =	sld [smem:$0x3FA1]  }
0x31: {  	[smem:$0x3FAA] =	sst s10  }
0x32: {  	s10 =	sld [smem:$0x3FA8];
	_ =	sdelay $0x3  }
0x33: {  	p0 =	seq.s32 s10, $0x1;
	s10 =	sld [smem:$0x3FAA];
	_ =	sdelay $0x3  }
0x34: {  	[smem:$0x3FAA] =	sst s10  }
0x35: {  	s10 =	sld [smem:$0x3FA9];
	_ =	sdelay $0x3  }
0x36: {  	p1 =	seq.s32 s10, $0x1;
	s10 =	sld [smem:$0x3FAA];
	_ =	sdelay $0x3  }
0x37: {  	[smem:$0x3FAA] =	sst s10  }
0x38: {  	s10 =	sld [smem:$0x3FAB]  }
0x39: {  	_ = 	snop;
	(pc) =	sbr.ind lr, $3  }
0x3a: {  	_ = 	snop  }
0x3b: {  	_ = 	snop  }
0x3c: {  	p2 =	seq.s32 s10, $0x1;
	s10 =	sld [smem:$0x3FAA]  }
0x3d: {  	_ =	shalt  }
0x3e: {  	_ =	shalt  }
0x3f: {  	_ =	shalt  }
0x40: {  	_ =	shalt  }
0x41: {  	_ =	shalt  }
0x42: {  	_ =	shalt  }
0x43: {  	_ =	shalt  }
0x44: {  	_ =	shalt  }
0x45: {  	_ =	shalt  }
0x46: {  	_ =	shalt  }
0x47: {  	_ =	shalt  }
0x48: {  	_ =	shalt  }
0x49: {  	_ =	shalt  }
0x4a: {  	_ =	shalt  }
0x4b: {  	_ =	shalt  }
0x4c: {  	_ =	shalt  }
0x4d: {  	_ =	shalt  }
0x4e: {  	_ =	shalt  }
0x4f: {  	_ =	shalt  }
0x50: {  	_ =	shalt  }
0x51: {  	_ =	shalt  }
0x52: {  	_ =	shalt  }
0x53: {  	_ =	shalt  }
0x54: {  	_ =	shalt  }
0x55: {  	_ =	shalt  }
0x56: {  	_ =	shalt  }
0x57: {  	_ =	shalt  }
0x58: {  	_ =	shalt  }
0x59: {  	_ =	shalt  }
0x5a: {  	_ =	shalt  }
0x5b: {  	_ =	shalt  }
0x5c: {  	_ =	shalt  }
0x5d: {  	_ =	shalt  }
0x5e: {  	_ =	shalt  }
0x5f: {  	_ =	shalt  }
0x60: {  	_ =	shalt  }
0x61: {  	_ =	shalt  }
0x62: {  	_ =	shalt  }
0x63: {  	_ =	shalt  }
0x64: {  	_ =	shalt  }
0x65: {  	_ =	shalt  }
0x66: {  	_ =	shalt  }
0x67: {  	_ =	shalt  }
0x68: {  	_ =	shalt  }
0x69: {  	_ =	shalt  }
0x6a: {  	_ =	shalt  }
0x6b: {  	_ =	shalt  }
0x6c: {  	_ =	shalt  }
0x6d: {  	_ =	shalt  }
0x6e: {  	_ =	shalt  }
0x6f: {  	_ =	shalt  }
0x70: {  	_ =	shalt  }
0x71: {  	_ =	shalt  }
0x72: {  	_ =	shalt  }
0x73: {  	_ =	shalt  }
0x74: {  	_ =	shalt  }
0x75: {  	_ =	shalt  }
0x76: {  	_ =	shalt  }
0x77: {  	_ =	shalt  }
0x78: {  	_ =	shalt  }
0x79: {  	_ =	shalt  }
0x7a: {  	_ =	shalt  }
0x7b: {  	_ =	shalt  }
0x7c: {  	_ =	shalt  }
0x7d: {  	_ =	shalt  }
0x7e: {  	_ =	shalt  }
0x7f: {  	_ =	shalt  }
0x80: {  	_ =	shalt  }
0x81: {  	_ =	shalt  }
0x82: {  	_ =	shalt  }
0x83: {  	_ =	shalt  }
0x84: {  	_ =	shalt  }
0x85: {  	_ =	shalt  }
0x86: {  	_ =	shalt  }
0x87: {  	_ =	shalt  }
.Lfunc_end0:
.L_simem_size_0:
called_computation_lowered:
.L_overlay_start_0:
0x88: {  	s2 =	sld [smem:$0x3FD9]  }
0x89: {  	s3 =	sld [smem:$0x3FFE];
	_ =	sdelay $0x1  }
0x8a: {  	s1 =	srdreg.scid  }
0x8b: {  	s0 =	sand.u32 $0x1, s1  }
0x8c: {  	s17 =	sshll.u32 s0, $0xA;
	s2 =	sadd.s32 s3, s2  }
0x8d: {  	s2 =	sadd.s32 s2, s17  }
0x8e: {  	[smem:$0x3FB6] =	sst s2  }
0x8f: {  	_ = 	snop  }
0x90: {  	s2 =	sld [smem:$0x3FD0];
	(tm) =	ssettm $0x1  }
0x91: {  	s18 =	sld [smem:$0x3FFB];
	_ =	sdelay $0x3  }
0x92: {  	_ =	strace s18  }
0x93: {  	s3 =	sld [smem:$0x3FFC];
	_ =	sdelay $0x3  }
0x94: {  	_ =	strace s3  }
0x95: {  	s3 =	sld [smem:$0x3FFD];
	_ =	sdelay $0x3  }
0x96: {  	_ =	strace s3  }
0x97: {  	_ =	strace $0x8FFFFFFF  }
0x98: {  	s19 =	sld [smem:$0x3FDB];
	_ =	sdelay $0x1  }
0x99: {  	s4 =	simm.s32 $_scs_section_size  }
0x9a: {  	s5 =	simm.s32 $_size__tile_overlayer_lowered;
	s6 =	simm.s32 $_tile_overlayer_lowered  }
0x9b: {  	s22 =	simm.s32 $0x1BFF;
	s21 =	sshll.u32 s6, $0x1;
	s3 =	sadd.s32 s4, s19  }
0x9c: {  	s7 =	simm.s32 $0x0;
	s20 =	sshll.u32 s5, $0x1;
	s5 =	sadd.s32 s21, s3  }
0x9d: {  	[timem:s7], [sflag:s22] =	dma.local [hbm:s5], s20  }
0x9e: {  	_ =	swait.ge [sflag:s22], s20  }
0x9f: {  	s4 =	ssub.s32 $0x0, s20;
	[sflag:s22] =	ssyncset.done $0x0  }
0xa0: {  	[sflag:s22] =	ssyncadd.s32 s4;
	_ =	sdelay $0x1  }
0xa1: {  	s23 =	simm.s32 $0x1B8B  }
0xa2: {  	_ =	swait.ge [sflag:s23], $0x1  }
0xa3: {  	[sflag:s23] =	ssyncset.done $0x0  }
0xa4: {  	s25 =	simm.s32 $0x1B8E;
	s24 =	sld [smem:$0x3FFE];
	[sflag:s23] =	ssyncadd.s32 $0xFFFFFFFF  }
0xa5: {  	s26 =	simm.s32 $execute0_lowered;
	[smem:$0x3FD2] =	sst s25  }
0xa6: {  	s5 =	sshll.u32 s26, $0x1;
	_ =	strace $0x80000046;
	[dreg:$0x1] =	wrdreg $0xFFFFFFFF  }
0xa7: {  	s28 =	simm.s32 $_size_execute0_lowered;
	s3 =	sadd.s32 s3, s5;
	[dreg:$0x0] =	wrdreg $0x0  }
0xa8: {  	s5 =	sshll.u32 s28, $0x1;
	[dreg:$0x2] =	wrdreg s3  }
0xa9: {  	[dreg:$0x3] =	wrdreg s5  }
0xaa: {  	[dreg:$0x4] =	wrdreg $0xC0  }
0xab: {  	_ =	task [dreg:s7], $0x5FFFF  }
0xac: {  	[dreg:$0x1] =	wrdreg $0xFFFFFFFF  }
0xad: {  	[dreg:$0x0] =	wrdreg $0x60  }
0xae: {  	[dreg:$0x2] =	wrdreg s24  }
0xaf: {  	[dreg:$0x3] =	wrdreg s2  }
0xb0: {  	[dreg:$0x4] =	wrdreg $0x44000  }
0xb1: {  	[dreg:$0x5] =	wrdreg $0x9  }
0xb2: {  	_ =	task.clear_ibuf [dreg:s7], $0x6FFFF;
	_ =	strace $0x90000046  }
0xb3: {  	s29 =	simm.s32 $0x9;
	_ =	strace $0x80000048  }
0xb4: {  	_ =	swait.ge [sflag:s29], $0x1  }
0xb5: {  	[sflag:s29] =	ssyncadd.s32 $0xFFFFFFFF  }
0xb6: {  	_ =	strace $0x90000048  }
0xb7: {  	_ =	sfence  }
0xb8: {  	s30 =	sld [smem:$0x0];
	_ =	sdelay $0x2  }
0xb9: {  	s31 =	sshll.u32 s1, $0xD;
	s1 =	sshrl.u32 s1, $0x2  }
0xba: {  	s3 =	sand.u32 $0x4000, s31;
	s1 =	sadd.s32 s1, s30  }
0xbb: {  	s0 =	sor.u32 s3, s0;
	s1 =	sshll.u32 s1, $0x11  }
0xbc: {  	s0 =	sor.u32 s1, s0  }
0xbd: {  	s0 =	sadd.s32 $0x8F2B, s0  }
0xbe: {  	[sflag:s0] =	ssyncadd.remote.s32 $0x1  }
0xbf: {  	_ =	sfence.sel $0xFFFF  }
0xc0: {  	[dreg:$0x0] =	wrdreg $0xFFFFFFFF;
	(pc) =	sbr.abs _section_cstart, $3  }
0xc1: {  	[dreg:$0x1] =	wrdreg $0xFFFFFFFF  }
0xc2: {  	_ =	task.clear_ibuf [dreg:s7], $0x2FFFF;
	_ =	strace $0x9FFFFFFF  }
0xc3: {  	(tm) =	ssettm $0x7FFFFFFF  }
tec
execute0_lowered:
.L_overlay_start_1:
0x0: {  	(tag) =	ssettag $0x1  }
0x1: {  	s0 =	rddreg [dreg:$0x0]  }
0x2: {  	s1 =	rddreg [dreg:$0x1];
	s3 =	srdreg.scid  }
0x3: {  	s13 =	stileid.u32;
	s2 =	rddreg [dreg:$0x2];
	s28 =	simm.s32 $0x3  }
0x4: {  	s29 =	simm.s32 $0x4000;
	s30 =	simm.s32 $0x2000;
	s4 =	smul.u32 $0x2800, s13  }
0x5: {  	s31 =	simm.s32 $0x1;
	s5 =	sand.u32 $0x1, s3;
	s7 =	smul.u32 $0x50000, s13  }
0x6: {  	s3 =	simm.s32 $0x0;
	s14 =	sadd.s32 $0x2800, s0;
	s17 =	smul.u32 $0x13, s13  }
0x7: {  	s6 =	smul.u32 $0x28000, s5;
	[smem:$0x7FF] =	sst s3;
	s20 =	ssub.s32 $0x2, s5  }
0x8: {  	s8 =	sshll.u32 s5, $0x4;
	s5 =	smul.u32 $0x130, s5;
	_ =	strace $0x80000047  }
0x9: {  	s21 =	sshrl.u32 s7, $0x2;
	s22 =	sshrl.u32 s20, $0x1;
	s15 =	sor.u32 s13, s8  }
0xa: {  	s4 =	sadd.s32 s4, s6;
	s6 =	ssub.s32 s20, s22;
	s11 =	smul.u32 $0x13, s15  }
0xb: {  	s16 =	smin.u32 s15, $0x11;
	s5 =	sadd.s32 s17, s5;
	p0 =	sgt.u32 s15, $0x10  }
0xc: {  	s15 =	simm.s32 $0x2;
	s0 =	sadd.s32 s4, s0;
	s4 =	sadd.s32 s21, s2  }
0xd: {  	s17 =	simm.s32 $0x4100;
	s5 =	sadd.s32 s16, s5;
	s23 =	sadd.s32 $0x2000, s4  }
0xe: {  	s24 =	sadd.s32 $0x4000, s4;
	s25 =	sadd.s32 $0x6000, s4;
	s8 =	sadd.s32 $0x8000, s4  }
0xf: {  	s9 =	sadd.s32 $0xA000, s4;
	s10 =	sadd.s32 $0xC000, s4;
	s12 =	sadd.s32 s16, s11  }
0x10: {  	s11 =	sadd.s32 $0xE000, s4;
	s13 =	sadd.s32 $0x12000, s4;
	s22 =	sshll.u32 s5, $0xD  }
0x11: {  	s5 =	sshll.u32 s5, $0x7;
	[dreg:$0x4] =	wrdreg s23;
	s18 =	sadd.s32 $0x13, s12  }
0x12: {  	[dreg:$0x5] =	wrdreg s24;
	s19 =	sshll.u32 s18, $0xD;
	s18 =	sshll.u32 s18, $0x7  }
0x13: {  	s16 =	simm.s32 $0x4080;
	[dreg:$0x6] =	wrdreg s25;
	s18 =	sadd.s32 s1, s18  }
0x14: {  	s12 =	sadd.s32 $0x10000, s4;
	s26 =	sadd.s32 s14, s19;
	[dreg:$0x8] =	wrdreg s18  }
0x15: {  	s5 =	sadd.s32 s5, s1;
	s19 =	sadd.s32 $0x400, s26;
	[dreg:$0x7] =	wrdreg s26  }
0x16: {  	s1 =	simm.s32 $0x40;
	s20 =	sadd.s32 $0x800, s26;
	[dreg:$0x9] =	wrdreg s19  }
0x17: {  	s21 =	sadd.s32 $0xC00, s26;
	s23 =	sadd.s32 $0x1000, s26;
	[dreg:$0xa] =	wrdreg s20  }
0x18: {  	s24 =	sadd.s32 $0x1400, s26;
	s25 =	sadd.s32 $0x1800, s26;
	[dreg:$0xb] =	wrdreg s21  }
.Ltmp0:
0x19: {  	s26 =	sadd.s32 $0x1C00, s26;
	[dreg:$0xc] =	wrdreg s23;
	(pc) =	sbr.rel .LBB2_1-.Ltmp0, $4  }
0x1a: {  	s18 =	simm.s32 $0x4180;
	s19 =	sadd.s32 s22, s14;
	[dreg:$0xd] =	wrdreg s24  }
0x1b: {  	[dreg:$0xe] =	wrdreg s25;
	s24 =	sadd.s32 $0x9C6800, s0;
	s25 =	smax.u32 s6, $0x1  }
0x1c: {  	[dreg:$0xf] =	wrdreg s26;
	s20 =	simm.s32 $0x4200;
	s0 =	simm.s32 $0x4280  }
0x1d: {  	v0 =	vimm.f32 $0.0e+00;
	s22 =	simm.s32 $0x4300;
	s23 =	simm.s32 $0x4380;
	s26 =	simm.s32 $0x0  }
.LBB2_7:
0x1e: {  	s6 =	stileid.u32;
	s26 =	sadd.s32 $0x1, s26  }
0x1f: {  	[bflag:$0x0] =	sbarrier.arrive $0xFFFF;
	s6 =	sshll.u32 s6, $0x6;
	p1 =	sne.s32 s26, s25  }
.Ltmp1:
0x20: {  	s7 =	sshrl.u32 s4, $0x3;
	s6 =	sor.u32 $0x1C03, s6;
	(pc) =	sbr.rel @!p1 .LBB2_8-.Ltmp1, $4  }
0x21: {  	[hbm:s24], [sflag:s6] =	dma.local [spmem:s7], $0x2800  }
0x22: {  	_ =	swait.ge [sflag:s28], $0x2800  }
0x23: {  	[sflag:s28] =	ssyncset.done $0x0  }
0x24: {  	[sflag:s28] =	ssyncadd.s32 $0xFFFFD800  }
.LBB2_1:
0x25: {  	s6 =	simm.s32 $0x0;
	s14 =	simm.s32 $0x200  }
.LBB2_2:
0x26: {  	p1 =	sne.s32 s14, $0x7E00;
	[tilespmem:s6+$0x70] =	vst v0  }
0x27: {  	[tilespmem:s6+$0x0] =	vst v0  }
0x28: {  	[tilespmem:s6+$0x10] =	vst v0  }
.Ltmp2:
0x29: {  	[tilespmem:s6+$0x20] =	vst v0;
	(pc) =	sbr.rel @p1 .LBB2_2-.Ltmp2, $4  }
0x2a: {  	[tilespmem:s6+$0x30] =	vst v0  }
0x2b: {  	[tilespmem:s6+$0x40] =	vst v0  }
0x2c: {  	[tilespmem:s6+$0x50] =	vst v0  }
0x2d: {  	[tilespmem:s6+$0x60] =	vst v0;
	s6 =	sshra.s32 s14, $0x2;
	s14 =	sadd.s32 $0x200, s14  }
0x2e: {  	[tilespmem:s6+$0x70] =	vst v0  }
0x2f: {  	[tilespmem:s6+$0x0] =	vst v0  }
0x30: {  	[tilespmem:s6+$0x10] =	vst v0  }
0x31: {  	[tilespmem:s6+$0x20] =	vst v0  }
0x32: {  	[tilespmem:s6+$0x30] =	vst v0  }
0x33: {  	[tilespmem:s6+$0x40] =	vst v0  }
0x34: {  	[tilespmem:s6+$0x50] =	vst v0  }
0x35: {  	[tilespmem:s6+$0x60] =	vst v0;
	s6 =	simm.s32 $0x0  }
0x36: {  	[spmem:s4] =	stream.linear.scatter [tilespmem:s6], [sflag:$0x3], $0x2000, $0x38;
	[tilespmem:$0x18400] =	vst v63  }
0x37: {  	_ =	swait.ge [sflag:s28], $0x2000  }
0x38: {  	[sflag:s28] =	ssyncset.done $0x0  }
0x39: {  	s7 =	rddreg [dreg:$0x4];
	[sflag:s28] =	ssyncadd.s32 $0xFFFFE000  }
0x3a: {  	[spmem:s7] =	stream.linear.scatter [tilespmem:s6], [sflag:$0x3], $0x2000, $0x38;
	[tilespmem:$0x18400] =	vst v63  }
0x3b: {  	_ =	swait.ge [sflag:s28], $0x2000  }
0x3c: {  	[sflag:s28] =	ssyncset.done $0x0  }
0x3d: {  	s21 =	rddreg [dreg:$0x5];
	[sflag:s28] =	ssyncadd.s32 $0xFFFFE000  }
0x3e: {  	[spmem:s21] =	stream.linear.scatter [tilespmem:s6], [sflag:$0x3], $0x2000, $0x38;
	[tilespmem:$0x18400] =	vst v63  }
0x3f: {  	_ =	swait.ge [sflag:s28], $0x2000  }
0x40: {  	[sflag:s28] =	ssyncset.done $0x0  }
0x41: {  	s14 =	rddreg [dreg:$0x6];
	[sflag:s28] =	ssyncadd.s32 $0xFFFFE000  }
0x42: {  	[spmem:s14] =	stream.linear.scatter [tilespmem:s6], [sflag:$0x3], $0x2000, $0x38;
	[tilespmem:$0x18400] =	vst v63  }
0x43: {  	_ =	swait.ge [sflag:s28], $0x2000  }
0x44: {  	[sflag:s28] =	ssyncset.done $0x0  }
0x45: {  	[sflag:s28] =	ssyncadd.s32 $0xFFFFE000  }
0x46: {  	[spmem:s8] =	stream.linear.scatter [tilespmem:s6], [sflag:$0x3], $0x2000, $0x38;
	[tilespmem:$0x18400] =	vst v63  }
0x47: {  	_ =	swait.ge [sflag:s28], $0x2000  }
0x48: {  	[sflag:s28] =	ssyncset.done $0x0  }
0x49: {  	[sflag:s28] =	ssyncadd.s32 $0xFFFFE000  }
0x4a: {  	[spmem:s9] =	stream.linear.scatter [tilespmem:s6], [sflag:$0x3], $0x2000, $0x38;
	[tilespmem:$0x18400] =	vst v63  }
0x4b: {  	_ =	swait.ge [sflag:s28], $0x2000  }
0x4c: {  	[sflag:s28] =	ssyncset.done $0x0  }
0x4d: {  	[sflag:s28] =	ssyncadd.s32 $0xFFFFE000  }
0x4e: {  	[spmem:s10] =	stream.linear.scatter [tilespmem:s6], [sflag:$0x3], $0x2000, $0x38;
	[tilespmem:$0x18400] =	vst v63  }
0x4f: {  	_ =	swait.ge [sflag:s28], $0x2000  }
0x50: {  	[sflag:s28] =	ssyncset.done $0x0  }
0x51: {  	[sflag:s28] =	ssyncadd.s32 $0xFFFFE000  }
0x52: {  	[spmem:s11] =	stream.linear.scatter [tilespmem:s6], [sflag:$0x3], $0x2000, $0x38;
	[tilespmem:$0x18400] =	vst v63  }
0x53: {  	_ =	swait.ge [sflag:s28], $0x2000  }
0x54: {  	[sflag:s28] =	ssyncset.done $0x0  }
0x55: {  	[sflag:s28] =	ssyncadd.s32 $0xFFFFE000  }
0x56: {  	[spmem:s12] =	stream.linear.scatter [tilespmem:s6], [sflag:$0x3], $0x2000, $0x38;
	[tilespmem:$0x18400] =	vst v63  }
0x57: {  	_ =	swait.ge [sflag:s28], $0x2000  }
0x58: {  	[sflag:s28] =	ssyncset.done $0x0  }
0x59: {  	[sflag:s28] =	ssyncadd.s32 $0xFFFFE000  }
0x5a: {  	[spmem:s13] =	stream.linear.scatter [tilespmem:s6], [sflag:$0x3], $0x2000, $0x38;
	[tilespmem:$0x18400] =	vst v63  }
0x5b: {  	_ =	swait.ge [sflag:s28], $0x2000  }
0x5c: {  	[sflag:s28] =	ssyncset.done $0x0  }
0x5d: {  	[sflag:s28] =	ssyncadd.s32 $0xFFFFE000  }
0x5e: {  	[bflag:$0x0] =	sbarrier.arrive $0xFFFF  }
0x5f: {  	[tilespmem:s29], [sflag:$0x3] =	stream.linear.gather [hbm4b:s5+s3], $0x400, $0x38;
	[tilespmem:$0x18400] =	vst v63  }
0x60: {  	_ =	swait.ge [sflag:s28], $0x400  }
0x61: {  	[sflag:s28] =	ssyncset.done $0x0  }
0x62: {  	s6 =	sadd.s32 $0x0, s19;
	[sflag:s28] =	ssyncadd.s32 $0xFFFFFC00  }
0x63: {  	[tilespmem:s3], [sflag:$0x1] =	stream.linear.gather [hbm4b:s6+s3], $0x2000, $0x38;
	[tilespmem:$0x18400] =	vst v63  }
0x64: {  	s14 =	sadd.s32 $0x400, s6  }
0x65: {  	[tilespmem:s30], [sflag:$0x2] =	stream.linear.gather [hbm4b:s14+s3], $0x2000, $0x38;
	[tilespmem:$0x18400] =	vst v63  }
0x66: {  	_ =	swait.ge [sflag:s31], $0x2000  }
0x67: {  	[sflag:s31] =	ssyncset.done $0x0  }
0x68: {  	[sflag:s31] =	ssyncadd.s32 $0xFFFFE000  }
0x69: {  	[spmem:s2] =	stream.indirect.scatter.add.f32 [tilespmem:s3], [sflag:$0x3], $0x80, s29, s1, $0xb8;
	[tilespmem:$0x18400] =	vst v63  }
0x6a: {  	_ =	swait.ge [sflag:s28], $0x2000  }
0x6b: {  	[sflag:s28] =	ssyncset.done $0x0  }
0x6c: {  	s21 =	sadd.s32 $0x800, s6;
	[sflag:s28] =	ssyncadd.s32 $0xFFFFE000  }
0x6d: {  	[tilespmem:s3], [sflag:$0x1] =	stream.linear.gather [hbm4b:s21+s3], $0x2000, $0x38;
	[tilespmem:$0x18400] =	vst v63  }
0x6e: {  	_ =	swait.ge [sflag:s15], $0x2000  }
0x6f: {  	[sflag:s15] =	ssyncset.done $0x0  }
0x70: {  	[sflag:s15] =	ssyncadd.s32 $0xFFFFE000  }
0x71: {  	[spmem:s2] =	stream.indirect.scatter.add.f32 [tilespmem:s30], [sflag:$0x3], $0x80, s16, s1, $0xb8;
	[tilespmem:$0x18400] =	vst v63  }
0x72: {  	_ =	swait.ge [sflag:s28], $0x2000  }
0x73: {  	[sflag:s28] =	ssyncset.done $0x0  }
0x74: {  	s7 =	sadd.s32 $0xC00, s6;
	[sflag:s28] =	ssyncadd.s32 $0xFFFFE000  }
0x75: {  	[tilespmem:s30], [sflag:$0x2] =	stream.linear.gather [hbm4b:s7+s3], $0x2000, $0x38;
	[tilespmem:$0x18400] =	vst v63  }
0x76: {  	_ =	swait.ge [sflag:s31], $0x2000  }
0x77: {  	[sflag:s31] =	ssyncset.done $0x0  }
0x78: {  	[sflag:s31] =	ssyncadd.s32 $0xFFFFE000  }
0x79: {  	[spmem:s2] =	stream.indirect.scatter.add.f32 [tilespmem:s3], [sflag:$0x3], $0x80, s17, s1, $0xb8;
	[tilespmem:$0x18400] =	vst v63  }
0x7a: {  	_ =	swait.ge [sflag:s28], $0x2000  }
0x7b: {  	[sflag:s28] =	ssyncset.done $0x0  }
0x7c: {  	s21 =	sadd.s32 $0x1000, s6;
	[sflag:s28] =	ssyncadd.s32 $0xFFFFE000  }
0x7d: {  	[tilespmem:s3], [sflag:$0x1] =	stream.linear.gather [hbm4b:s21+s3], $0x2000, $0x38;
	[tilespmem:$0x18400] =	vst v63  }
0x7e: {  	_ =	swait.ge [sflag:s15], $0x2000  }
0x7f: {  	[sflag:s15] =	ssyncset.done $0x0  }
0x80: {  	[sflag:s15] =	ssyncadd.s32 $0xFFFFE000  }
0x81: {  	[spmem:s2] =	stream.indirect.scatter.add.f32 [tilespmem:s30], [sflag:$0x3], $0x80, s18, s1, $0xb8;
	[tilespmem:$0x18400] =	vst v63  }
0x82: {  	_ =	swait.ge [sflag:s28], $0x2000  }
0x83: {  	[sflag:s28] =	ssyncset.done $0x0  }
0x84: {  	s7 =	sadd.s32 $0x1400, s6;
	[sflag:s28] =	ssyncadd.s32 $0xFFFFE000  }
0x85: {  	[tilespmem:s30], [sflag:$0x2] =	stream.linear.gather [hbm4b:s7+s3], $0x2000, $0x38;
	[tilespmem:$0x18400] =	vst v63  }
0x86: {  	_ =	swait.ge [sflag:s31], $0x2000  }
0x87: {  	[sflag:s31] =	ssyncset.done $0x0  }
0x88: {  	[sflag:s31] =	ssyncadd.s32 $0xFFFFE000  }
0x89: {  	[spmem:s2] =	stream.indirect.scatter.add.f32 [tilespmem:s3], [sflag:$0x3], $0x80, s20, s1, $0xb8;
	[tilespmem:$0x18400] =	vst v63  }
0x8a: {  	_ =	swait.ge [sflag:s28], $0x2000  }
0x8b: {  	[sflag:s28] =	ssyncset.done $0x0  }
0x8c: {  	s21 =	sadd.s32 $0x1800, s6;
	[sflag:s28] =	ssyncadd.s32 $0xFFFFE000  }
0x8d: {  	[tilespmem:s3], [sflag:$0x1] =	stream.linear.gather [hbm4b:s21+s3], $0x2000, $0x38;
	[tilespmem:$0x18400] =	vst v63  }
0x8e: {  	_ =	swait.ge [sflag:s15], $0x2000  }
0x8f: {  	[sflag:s15] =	ssyncset.done $0x0  }
0x90: {  	[sflag:s15] =	ssyncadd.s32 $0xFFFFE000  }
0x91: {  	[spmem:s2] =	stream.indirect.scatter.add.f32 [tilespmem:s30], [sflag:$0x3], $0x80, s0, s1, $0xb8;
	[tilespmem:$0x18400] =	vst v63  }
0x92: {  	_ =	swait.ge [sflag:s28], $0x2000  }
0x93: {  	[sflag:s28] =	ssyncset.done $0x0  }
0x94: {  	s6 =	sadd.s32 $0x1C00, s6;
	[sflag:s28] =	ssyncadd.s32 $0xFFFFE000  }
0x95: {  	[tilespmem:s30], [sflag:$0x2] =	stream.linear.gather [hbm4b:s6+s3], $0x2000, $0x38;
	[tilespmem:$0x18400] =	vst v63  }
0x96: {  	_ =	swait.ge [sflag:s31], $0x2000  }
0x97: {  	[sflag:s31] =	ssyncset.done $0x0  }
0x98: {  	[sflag:s31] =	ssyncadd.s32 $0xFFFFE000  }
0x99: {  	[spmem:s2] =	stream.indirect.scatter.add.f32 [tilespmem:s3], [sflag:$0x3], $0x80, s22, s1, $0xb8;
	[tilespmem:$0x18400] =	vst v63  }
0x9a: {  	_ =	swait.ge [sflag:s28], $0x2000  }
0x9b: {  	[sflag:s28] =	ssyncset.done $0x0  }
0x9c: {  	[sflag:s28] =	ssyncadd.s32 $0xFFFFE000  }
0x9d: {  	_ =	swait.ge [sflag:s15], $0x2000  }
0x9e: {  	[sflag:s15] =	ssyncset.done $0x0  }
0x9f: {  	[sflag:s15] =	ssyncadd.s32 $0xFFFFE000  }
0xa0: {  	[spmem:s2] =	stream.indirect.scatter.add.f32 [tilespmem:s30], [sflag:$0x3], $0x80, s23, s1, $0xb8;
	[tilespmem:$0x18400] =	vst v63  }
0xa1: {  	_ =	swait.ge [sflag:s28], $0x2000  }
0xa2: {  	s14 =	simm.s32 $0x2000;
	s21 =	smov.u32 s5;
	[sflag:s28] =	ssyncset.done $0x0  }
.LBB2_4:
0xa3: {  	p1 =	sne.s32 s14, $0x24000;
	[sflag:s28] =	ssyncadd.s32 $0xFFFFE000;
	s21 =	sadd.s32 $0x80, s21  }
0xa4: {  	[tilespmem:s29], [sflag:$0x3] =	stream.linear.gather [hbm4b:s21+s3], $0x400, $0x38;
	[tilespmem:$0x18400] =	vst v63  }
0xa5: {  	s6 =	smov.u32 s14;
	s14 =	sadd.s32 $0x2000, s14;
	_ =	swait.ge [sflag:s28], $0x400  }
0xa6: {  	[sflag:s28] =	ssyncset.done $0x0  }
0xa7: {  	s6 =	sadd.s32 s6, s19;
	[sflag:s28] =	ssyncadd.s32 $0xFFFFFC00  }
0xa8: {  	[tilespmem:s3], [sflag:$0x1] =	stream.linear.gather [hbm4b:s6+s3], $0x2000, $0x38;
	[tilespmem:$0x18400] =	vst v63  }
0xa9: {  	s7 =	sadd.s32 $0x400, s6  }
0xaa: {  	[tilespmem:s30], [sflag:$0x2] =	stream.linear.gather [hbm4b:s7+s3], $0x2000, $0x38;
	[tilespmem:$0x18400] =	vst v63  }
0xab: {  	_ =	swait.ge [sflag:s31], $0x2000  }
0xac: {  	[sflag:s31] =	ssyncset.done $0x0  }
0xad: {  	[sflag:s31] =	ssyncadd.s32 $0xFFFFE000  }
0xae: {  	[spmem:s2] =	stream.indirect.scatter.add.f32 [tilespmem:s3], [sflag:$0x3], $0x80, s29, s1, $0xb8;
	[tilespmem:$0x18400] =	vst v63  }
0xaf: {  	_ =	swait.ge [sflag:s28], $0x2000  }
0xb0: {  	[sflag:s28] =	ssyncset.done $0x0  }
0xb1: {  	s7 =	sadd.s32 $0x800, s6;
	[sflag:s28] =	ssyncadd.s32 $0xFFFFE000  }
0xb2: {  	[tilespmem:s3], [sflag:$0x1] =	stream.linear.gather [hbm4b:s7+s3], $0x2000, $0x38;
	[tilespmem:$0x18400] =	vst v63  }
0xb3: {  	_ =	swait.ge [sflag:s15], $0x2000  }
0xb4: {  	[sflag:s15] =	ssyncset.done $0x0  }
0xb5: {  	[sflag:s15] =	ssyncadd.s32 $0xFFFFE000  }
0xb6: {  	[spmem:s2] =	stream.indirect.scatter.add.f32 [tilespmem:s30], [sflag:$0x3], $0x80, s16, s1, $0xb8;
	[tilespmem:$0x18400] =	vst v63  }
0xb7: {  	_ =	swait.ge [sflag:s28], $0x2000  }
0xb8: {  	[sflag:s28] =	ssyncset.done $0x0  }
0xb9: {  	s7 =	sadd.s32 $0xC00, s6;
	[sflag:s28] =	ssyncadd.s32 $0xFFFFE000  }
0xba: {  	[tilespmem:s30], [sflag:$0x2] =	stream.linear.gather [hbm4b:s7+s3], $0x2000, $0x38;
	[tilespmem:$0x18400] =	vst v63  }
0xbb: {  	_ =	swait.ge [sflag:s31], $0x2000  }
0xbc: {  	[sflag:s31] =	ssyncset.done $0x0  }
0xbd: {  	[sflag:s31] =	ssyncadd.s32 $0xFFFFE000  }
0xbe: {  	[spmem:s2] =	stream.indirect.scatter.add.f32 [tilespmem:s3], [sflag:$0x3], $0x80, s17, s1, $0xb8;
	[tilespmem:$0x18400] =	vst v63  }
0xbf: {  	_ =	swait.ge [sflag:s28], $0x2000  }
0xc0: {  	[sflag:s28] =	ssyncset.done $0x0  }
0xc1: {  	s7 =	sadd.s32 $0x1000, s6;
	[sflag:s28] =	ssyncadd.s32 $0xFFFFE000  }
0xc2: {  	[tilespmem:s3], [sflag:$0x1] =	stream.linear.gather [hbm4b:s7+s3], $0x2000, $0x38;
	[tilespmem:$0x18400] =	vst v63  }
0xc3: {  	_ =	swait.ge [sflag:s15], $0x2000  }
0xc4: {  	[sflag:s15] =	ssyncset.done $0x0  }
0xc5: {  	[sflag:s15] =	ssyncadd.s32 $0xFFFFE000  }
0xc6: {  	[spmem:s2] =	stream.indirect.scatter.add.f32 [tilespmem:s30], [sflag:$0x3], $0x80, s18, s1, $0xb8;
	[tilespmem:$0x18400] =	vst v63  }
0xc7: {  	_ =	swait.ge [sflag:s28], $0x2000  }
0xc8: {  	[sflag:s28] =	ssyncset.done $0x0  }
0xc9: {  	s7 =	sadd.s32 $0x1400, s6;
	[sflag:s28] =	ssyncadd.s32 $0xFFFFE000  }
0xca: {  	[tilespmem:s30], [sflag:$0x2] =	stream.linear.gather [hbm4b:s7+s3], $0x2000, $0x38;
	[tilespmem:$0x18400] =	vst v63  }
0xcb: {  	_ =	swait.ge [sflag:s31], $0x2000  }
0xcc: {  	[sflag:s31] =	ssyncset.done $0x0  }
0xcd: {  	[sflag:s31] =	ssyncadd.s32 $0xFFFFE000  }
0xce: {  	[spmem:s2] =	stream.indirect.scatter.add.f32 [tilespmem:s3], [sflag:$0x3], $0x80, s20, s1, $0xb8;
	[tilespmem:$0x18400] =	vst v63  }
0xcf: {  	_ =	swait.ge [sflag:s28], $0x2000  }
0xd0: {  	[sflag:s28] =	ssyncset.done $0x0  }
0xd1: {  	s7 =	sadd.s32 $0x1800, s6;
	[sflag:s28] =	ssyncadd.s32 $0xFFFFE000  }
0xd2: {  	[tilespmem:s3], [sflag:$0x1] =	stream.linear.gather [hbm4b:s7+s3], $0x2000, $0x38;
	[tilespmem:$0x18400] =	vst v63  }
0xd3: {  	_ =	swait.ge [sflag:s15], $0x2000  }
0xd4: {  	[sflag:s15] =	ssyncset.done $0x0  }
0xd5: {  	[sflag:s15] =	ssyncadd.s32 $0xFFFFE000  }
0xd6: {  	[spmem:s2] =	stream.indirect.scatter.add.f32 [tilespmem:s30], [sflag:$0x3], $0x80, s0, s1, $0xb8;
	[tilespmem:$0x18400] =	vst v63  }
0xd7: {  	_ =	swait.ge [sflag:s28], $0x2000  }
0xd8: {  	[sflag:s28] =	ssyncset.done $0x0  }
0xd9: {  	s6 =	sadd.s32 $0x1C00, s6;
	[sflag:s28] =	ssyncadd.s32 $0xFFFFE000  }
0xda: {  	[tilespmem:s30], [sflag:$0x2] =	stream.linear.gather [hbm4b:s6+s3], $0x2000, $0x38;
	[tilespmem:$0x18400] =	vst v63  }
0xdb: {  	_ =	swait.ge [sflag:s31], $0x2000  }
0xdc: {  	[sflag:s31] =	ssyncset.done $0x0  }
0xdd: {  	[sflag:s31] =	ssyncadd.s32 $0xFFFFE000  }
0xde: {  	[spmem:s2] =	stream.indirect.scatter.add.f32 [tilespmem:s3], [sflag:$0x3], $0x80, s22, s1, $0xb8;
	[tilespmem:$0x18400] =	vst v63  }
0xdf: {  	_ =	swait.ge [sflag:s28], $0x2000  }
0xe0: {  	[sflag:s28] =	ssyncset.done $0x0  }
0xe1: {  	[sflag:s28] =	ssyncadd.s32 $0xFFFFE000  }
0xe2: {  	_ =	swait.ge [sflag:s15], $0x2000  }
.Ltmp3:
0xe3: {  	[sflag:s15] =	ssyncset.done $0x0;
	(pc) =	sbr.rel @p1 .LBB2_4-.Ltmp3, $4  }
0xe4: {  	[sflag:s15] =	ssyncadd.s32 $0xFFFFE000  }
0xe5: {  	[spmem:s2] =	stream.indirect.scatter.add.f32 [tilespmem:s30], [sflag:$0x3], $0x80, s23, s1, $0xb8;
	[tilespmem:$0x18400] =	vst v63  }
0xe6: {  	_ =	swait.ge [sflag:s28], $0x2000  }
0xe7: {  	[sflag:s28] =	ssyncset.done $0x0  }
.Ltmp4:
0xe8: {  	(pc) =	sbr.rel @p0 .LBB2_7-.Ltmp4, $2  }
0xe9: {  	_ =	sdelay $0x2  }
0xea: {  	[sflag:s28] =	ssyncadd.s32 $0xFFFFE000  }
0xeb: {  	s6 =	rddreg [dreg:$0x8]  }
0xec: {  	[tilespmem:s29], [sflag:$0x3] =	stream.linear.gather [hbm4b:s6+s3], $0x400, $0x38;
	[tilespmem:$0x18400] =	vst v63  }
0xed: {  	_ =	swait.ge [sflag:s28], $0x400  }
0xee: {  	[sflag:s28] =	ssyncset.done $0x0  }
0xef: {  	s14 =	rddreg [dreg:$0x7];
	[sflag:s28] =	ssyncadd.s32 $0xFFFFFC00  }
0xf0: {  	[tilespmem:s3], [sflag:$0x1] =	stream.linear.gather [hbm4b:s14+s3], $0x2000, $0x38;
	[tilespmem:$0x18400] =	vst v63  }
0xf1: {  	s21 =	rddreg [dreg:$0x9]  }
0xf2: {  	[tilespmem:s30], [sflag:$0x2] =	stream.linear.gather [hbm4b:s21+s3], $0x2000, $0x38;
	[tilespmem:$0x18400] =	vst v63  }
0xf3: {  	_ =	swait.ge [sflag:s31], $0x2000  }
0xf4: {  	[sflag:s31] =	ssyncset.done $0x0  }
0xf5: {  	[sflag:s31] =	ssyncadd.s32 $0xFFFFE000  }
0xf6: {  	[spmem:s2] =	stream.indirect.scatter.add.f32 [tilespmem:s3], [sflag:$0x3], $0x80, s29, s1, $0xb8;
	[tilespmem:$0x18400] =	vst v63  }
0xf7: {  	_ =	swait.ge [sflag:s28], $0x2000  }
0xf8: {  	[sflag:s28] =	ssyncset.done $0x0  }
0xf9: {  	s7 =	rddreg [dreg:$0xa];
	[sflag:s28] =	ssyncadd.s32 $0xFFFFE000  }
0xfa: {  	[tilespmem:s3], [sflag:$0x1] =	stream.linear.gather [hbm4b:s7+s3], $0x2000, $0x38;
	[tilespmem:$0x18400] =	vst v63  }
0xfb: {  	_ =	swait.ge [sflag:s15], $0x2000  }
0xfc: {  	[sflag:s15] =	ssyncset.done $0x0  }
0xfd: {  	[sflag:s15] =	ssyncadd.s32 $0xFFFFE000  }
0xfe: {  	[spmem:s2] =	stream.indirect.scatter.add.f32 [tilespmem:s30], [sflag:$0x3], $0x80, s16, s1, $0xb8;
	[tilespmem:$0x18400] =	vst v63  }
0xff: {  	_ =	swait.ge [sflag:s28], $0x2000  }
0x100: {  	[sflag:s28] =	ssyncset.done $0x0  }
0x101: {  	s14 =	rddreg [dreg:$0xb];
	[sflag:s28] =	ssyncadd.s32 $0xFFFFE000  }
0x102: {  	[tilespmem:s30], [sflag:$0x2] =	stream.linear.gather [hbm4b:s14+s3], $0x2000, $0x38;
	[tilespmem:$0x18400] =	vst v63  }
0x103: {  	_ =	swait.ge [sflag:s31], $0x2000  }
0x104: {  	[sflag:s31] =	ssyncset.done $0x0  }
0x105: {  	[sflag:s31] =	ssyncadd.s32 $0xFFFFE000  }
0x106: {  	[spmem:s2] =	stream.indirect.scatter.add.f32 [tilespmem:s3], [sflag:$0x3], $0x80, s17, s1, $0xb8;
	[tilespmem:$0x18400] =	vst v63  }
0x107: {  	_ =	swait.ge [sflag:s28], $0x2000  }
0x108: {  	[sflag:s28] =	ssyncset.done $0x0  }
0x109: {  	s21 =	rddreg [dreg:$0xc];
	[sflag:s28] =	ssyncadd.s32 $0xFFFFE000  }
0x10a: {  	[tilespmem:s3], [sflag:$0x1] =	stream.linear.gather [hbm4b:s21+s3], $0x2000, $0x38;
	[tilespmem:$0x18400] =	vst v63  }
0x10b: {  	_ =	swait.ge [sflag:s15], $0x2000  }
0x10c: {  	[sflag:s15] =	ssyncset.done $0x0  }
0x10d: {  	[sflag:s15] =	ssyncadd.s32 $0xFFFFE000  }
0x10e: {  	[spmem:s2] =	stream.indirect.scatter.add.f32 [tilespmem:s30], [sflag:$0x3], $0x80, s18, s1, $0xb8;
	[tilespmem:$0x18400] =	vst v63  }
0x10f: {  	_ =	swait.ge [sflag:s28], $0x2000  }
0x110: {  	[sflag:s28] =	ssyncset.done $0x0  }
0x111: {  	s7 =	rddreg [dreg:$0xd];
	[sflag:s28] =	ssyncadd.s32 $0xFFFFE000  }
0x112: {  	[tilespmem:s30], [sflag:$0x2] =	stream.linear.gather [hbm4b:s7+s3], $0x2000, $0x38;
	[tilespmem:$0x18400] =	vst v63  }
0x113: {  	_ =	swait.ge [sflag:s31], $0x2000  }
0x114: {  	[sflag:s31] =	ssyncset.done $0x0  }
0x115: {  	[sflag:s31] =	ssyncadd.s32 $0xFFFFE000  }
0x116: {  	[spmem:s2] =	stream.indirect.scatter.add.f32 [tilespmem:s3], [sflag:$0x3], $0x80, s20, s1, $0xb8;
	[tilespmem:$0x18400] =	vst v63  }
0x117: {  	_ =	swait.ge [sflag:s28], $0x2000  }
0x118: {  	[sflag:s28] =	ssyncset.done $0x0  }
0x119: {  	s14 =	rddreg [dreg:$0xe];
	[sflag:s28] =	ssyncadd.s32 $0xFFFFE000  }
0x11a: {  	[tilespmem:s3], [sflag:$0x1] =	stream.linear.gather [hbm4b:s14+s3], $0x2000, $0x38;
	[tilespmem:$0x18400] =	vst v63  }
0x11b: {  	_ =	swait.ge [sflag:s15], $0x2000  }
0x11c: {  	[sflag:s15] =	ssyncset.done $0x0  }
0x11d: {  	[sflag:s15] =	ssyncadd.s32 $0xFFFFE000  }
0x11e: {  	[spmem:s2] =	stream.indirect.scatter.add.f32 [tilespmem:s30], [sflag:$0x3], $0x80, s0, s1, $0xb8;
	[tilespmem:$0x18400] =	vst v63  }
0x11f: {  	_ =	swait.ge [sflag:s28], $0x2000  }
0x120: {  	[sflag:s28] =	ssyncset.done $0x0  }
0x121: {  	s21 =	rddreg [dreg:$0xf];
	[sflag:s28] =	ssyncadd.s32 $0xFFFFE000  }
0x122: {  	[tilespmem:s30], [sflag:$0x2] =	stream.linear.gather [hbm4b:s21+s3], $0x2000, $0x38;
	[tilespmem:$0x18400] =	vst v63  }
0x123: {  	_ =	swait.ge [sflag:s31], $0x2000  }
0x124: {  	[sflag:s31] =	ssyncset.done $0x0  }
0x125: {  	[sflag:s31] =	ssyncadd.s32 $0xFFFFE000  }
0x126: {  	[spmem:s2] =	stream.indirect.scatter.add.f32 [tilespmem:s3], [sflag:$0x3], $0x80, s22, s1, $0xb8;
	[tilespmem:$0x18400] =	vst v63  }
0x127: {  	_ =	swait.ge [sflag:s28], $0x2000  }
0x128: {  	[sflag:s28] =	ssyncset.done $0x0  }
0x129: {  	[sflag:s28] =	ssyncadd.s32 $0xFFFFE000  }
0x12a: {  	_ =	swait.ge [sflag:s15], $0x2000  }
0x12b: {  	[sflag:s15] =	ssyncset.done $0x0  }
.Ltmp5:
0x12c: {  	[sflag:s15] =	ssyncadd.s32 $0xFFFFE000;
	(pc) =	sbr.rel .LBB2_7-.Ltmp5, $4  }
0x12d: {  	[spmem:s2] =	stream.indirect.scatter.add.f32 [tilespmem:s30], [sflag:$0x3], $0x80, s23, s1, $0xb8;
	[tilespmem:$0x18400] =	vst v63  }
0x12e: {  	_ =	swait.ge [sflag:s28], $0x2000  }
0x12f: {  	[sflag:s28] =	ssyncset.done $0x0  }
0x130: {  	[sflag:s28] =	ssyncadd.s32 $0xFFFFE000  }
.LBB2_8:
0x131: {  	_ =	sfence.sel $0x180000  }
0x132: {  	[bflag:$0x0] =	sbarrier.arrive $0xFFFF  }
0x133: {  	_ =	strace $0x90000047  }
0x134: {  	s0 =	stileid.u32;
	[bflag:$0x2] =	sbarrier.arrive $0xFFFF  }
0x135: {  	p0 =	sne.s32 s0, $0x0;
	s0 =	rddreg [dreg:$0x3]  }
0x136: {  	s0 =	sadd.s32 @!p0 $0x100000, s0  }
0x137: {  	[sflag:s0] =	ssyncadd.tile.s32 @!p0 $0x1;
	_ =	shalt  }
.Lfunc_end2:
_tile_overlayer_lowered:
.L_overlay_start_2:
0x138: {  	(tag) =	ssettag $0x2  }
0x139: {  	s0 =	rddreg [dreg:$0x0];
	s2 =	stileid.u32  }
0x13a: {  	s1 =	rddreg [dreg:$0x1];
	p0 =	sne.s32 s2, $0x0  }
0x13b: {  	s3 =	rddreg [dreg:$0x2];
	[bflag:$0x3] =	sbarrier.arrive $0xFFFF;
	s2 =	simm.s32 @!p0 $0x1C03  }
0x13c: {  	[timem:s3], [sflag:s2] =	dma.local @!p0 [hbm:s0], s1  }
0x13d: {  	s0 =	simm.s32 @!p0 $0x3  }
0x13e: {  	_ =	swait.ge @!p0 [sflag:s0], s1  }
0x13f: {  	s1 =	ssub.s32 @!p0 $0x0, s1;
	[sflag:s0] =	ssyncset.done @!p0 $0x0  }
0x140: {  	[sflag:s0] =	ssyncadd.s32 @!p0 s1  }
0x141: {  	[bflag:$0x3] =	sbarrier.arrive $0xFFFF  }
0x142: {  	_ =	shalt  }

// kernel: kernel.9.cloned.1.call-start
scs
__scs_entry_jumppad:
0x0: {  	(pc) =	sbr.rel $0x88, $3  }
0x1: {  	(tag) =	ssettag $0x0;
	lr =	simm.s32 $0x1  }
0x2: {  	[smem:$0x3F8F] =	sst lr;
	_ =	strace $0xD0000000  }
0x3: {  	_ = 	snop  }
0x4: {  	_ = 	snop  }
0x5: {  	_ = 	snop  }
0x6: {  	_ = 	snop  }
0x7: {  	_ = 	snop  }
__scs_overlays_trampoline_lowered:
0x8: {  	[smem:$0x3F9E] =	sst s0  }
0x9: {  	[smem:$0x3F9F] =	sst s1  }
0xa: {  	[smem:$0x3FA0] =	sst s2  }
0xb: {  	[smem:$0x3FA1] =	sst s3  }
0xc: {  	[smem:$0x3FA2] =	sst s4  }
0xd: {  	[smem:$0x3FA3] =	sst s5  }
0xe: {  	[smem:$0x3FA4] =	sst s6  }
0xf: {  	[smem:$0x3FA5] =	sst s7  }
0x10: {  	[smem:$0x3FA6] =	sst s8  }
0x11: {  	[smem:$0x3FA7] =	sst s9;
	s0 =	simm.s32 @!p0 $0x0  }
0x12: {  	s1 =	sld [smem:$0x3F8D];
	s0 =	simm.s32 @p0 $0x1  }
0x13: {  	[smem:$0x3FA8] =	sst s0;
	s0 =	simm.s32 @!p1 $0x0  }
0x14: {  	s2 =	sld [smem:$0x3F8C];
	s0 =	simm.s32 @p1 $0x1  }
0x15: {  	[smem:$0x3FA9] =	sst s0;
	s0 =	simm.s32 @!p2 $0x0  }
0x16: {  	s3 =	sld [smem:$0x3FDB];
	s0 =	simm.s32 @p2 $0x1  }
0x17: {  	s4 =	simm.s32 $0x1BF5;
	[smem:$0x3FAB] =	sst s0  }
0x18: {  	s0 =	sld [smem:$0x3F8E];
	_ =	swait.ge [sflag:s4], $0x0  }
0x19: {  	s7 =	sld [smem:$0x3F8F]  }
0x1a: {  	s8 =	sadd.s32 $0xFFFFE003, lr  }
0x1b: {  	s9 =	sadd.s32 $0xFFFFFEF7, lr;
	s5 =	simm.s32 $0xFFFFFFFF;
	p2 =	slt.u32 s8, $0xFFFFF086  }
0x1c: {  	p1 =	slt.u32 s9, $0xF7A;
	s5 =	simm.s32 @!p2 $0x0  }
0x1d: {  	s5 =	simm.s32 @p1 $0x1;
	p0 =	seq.s32 s7, s2  }
0x1e: {  	s7 =	smul.u32 @!p0 $0xF7A, s2;
	p2 =	seq.s32 @!p0 s5, $0x0  }
0x1f: {  	s9 =	smul.u32 $0xF7A, s1;
	s8 =	simm.s32 @!p0 $0x1BF5;
	p2 =	por !p2, p0  }
0x20: {  	[sflag:s8] =	ssyncset.s32 @!p0 $0xFFFFF086;
	s6 =	sadd.s32 @!p0 s3, s7;
	s7 =	simm.s32 @!p0 $0x108  }
0x21: {  	s3 =	sadd.s32 s3, s9;
	s6 =	sadd.s32 @!p0 $0x88, s6;
	s7 =	simm.s32 @p2 $0x1082  }
0x22: {  	[simem:s7], [sflag:s8] =	dma.local @!p0 [hbm:s6], $0xF7A  }
0x23: {  	s9 =	sor.u32 $0xD0000000, s2;
	s6 =	simm.s32 $0x108;
	_ =	swait.ge @!p0 [sflag:s8], $0x0  }
0x24: {  	s3 =	sadd.s32 $0x88, s3;
	s6 =	simm.s32 @!p1 $0x1082;
	[sflag:s4] =	ssyncset.s32 $0xFFFFF086  }
0x25: {  	[simem:s6], [sflag:s4] =	dma.local [hbm:s3], $0xF7A  }
0x26: {  	[smem:$0x3F8F] =	sst s1;
	(tag) =	ssettag s2;
	_ =	strace s9  }
0x27: {  	s1 =	sld [smem:$0x3F9F]  }
0x28: {  	s2 =	sld [smem:$0x3FA0]  }
0x29: {  	s4 =	sld [smem:$0x3FA2]  }
0x2a: {  	p0 =	seq.s32 s5, $0x0;
	s5 =	sld [smem:$0x3FA3]  }
0x2b: {  	s6 =	sld [smem:$0x3FA4]  }
0x2c: {  	s7 =	sld [smem:$0x3FA5]  }
0x2d: {  	s3 =	simm.s32 $0x108;
	s8 =	sld [smem:$0x3FA6]  }
0x2e: {  	s3 =	simm.s32 @!p0 $0x1082;
	s9 =	sld [smem:$0x3FA7]  }
0x2f: {  	lr =	sadd.s32 s0, s3;
	s0 =	sld [smem:$0x3F9E]  }
0x30: {  	s3 =	sld [smem:$0x3FA1]  }
0x31: {  	[smem:$0x3FAA] =	sst s10  }
0x32: {  	s10 =	sld [smem:$0x3FA8];
	_ =	sdelay $0x3  }
0x33: {  	p0 =	seq.s32 s10, $0x1;
	s10 =	sld [smem:$0x3FAA];
	_ =	sdelay $0x3  }
0x34: {  	[smem:$0x3FAA] =	sst s10  }
0x35: {  	s10 =	sld [smem:$0x3FA9];
	_ =	sdelay $0x3  }
0x36: {  	p1 =	seq.s32 s10, $0x1;
	s10 =	sld [smem:$0x3FAA];
	_ =	sdelay $0x3  }
0x37: {  	[smem:$0x3FAA] =	sst s10  }
0x38: {  	s10 =	sld [smem:$0x3FAB]  }
0x39: {  	_ = 	snop;
	(pc) =	sbr.ind lr, $3  }
0x3a: {  	_ = 	snop  }
0x3b: {  	_ = 	snop  }
0x3c: {  	p2 =	seq.s32 s10, $0x1;
	s10 =	sld [smem:$0x3FAA]  }
0x3d: {  	_ =	shalt  }
0x3e: {  	_ =	shalt  }
0x3f: {  	_ =	shalt  }
0x40: {  	_ =	shalt  }
0x41: {  	_ =	shalt  }
0x42: {  	_ =	shalt  }
0x43: {  	_ =	shalt  }
0x44: {  	_ =	shalt  }
0x45: {  	_ =	shalt  }
0x46: {  	_ =	shalt  }
0x47: {  	_ =	shalt  }
0x48: {  	_ =	shalt  }
0x49: {  	_ =	shalt  }
0x4a: {  	_ =	shalt  }
0x4b: {  	_ =	shalt  }
0x4c: {  	_ =	shalt  }
0x4d: {  	_ =	shalt  }
0x4e: {  	_ =	shalt  }
0x4f: {  	_ =	shalt  }
0x50: {  	_ =	shalt  }
0x51: {  	_ =	shalt  }
0x52: {  	_ =	shalt  }
0x53: {  	_ =	shalt  }
0x54: {  	_ =	shalt  }
0x55: {  	_ =	shalt  }
0x56: {  	_ =	shalt  }
0x57: {  	_ =	shalt  }
0x58: {  	_ =	shalt  }
0x59: {  	_ =	shalt  }
0x5a: {  	_ =	shalt  }
0x5b: {  	_ =	shalt  }
0x5c: {  	_ =	shalt  }
0x5d: {  	_ =	shalt  }
0x5e: {  	_ =	shalt  }
0x5f: {  	_ =	shalt  }
0x60: {  	_ =	shalt  }
0x61: {  	_ =	shalt  }
0x62: {  	_ =	shalt  }
0x63: {  	_ =	shalt  }
0x64: {  	_ =	shalt  }
0x65: {  	_ =	shalt  }
0x66: {  	_ =	shalt  }
0x67: {  	_ =	shalt  }
0x68: {  	_ =	shalt  }
0x69: {  	_ =	shalt  }
0x6a: {  	_ =	shalt  }
0x6b: {  	_ =	shalt  }
0x6c: {  	_ =	shalt  }
0x6d: {  	_ =	shalt  }
0x6e: {  	_ =	shalt  }
0x6f: {  	_ =	shalt  }
0x70: {  	_ =	shalt  }
0x71: {  	_ =	shalt  }
0x72: {  	_ =	shalt  }
0x73: {  	_ =	shalt  }
0x74: {  	_ =	shalt  }
0x75: {  	_ =	shalt  }
0x76: {  	_ =	shalt  }
0x77: {  	_ =	shalt  }
0x78: {  	_ =	shalt  }
0x79: {  	_ =	shalt  }
0x7a: {  	_ =	shalt  }
0x7b: {  	_ =	shalt  }
0x7c: {  	_ =	shalt  }
0x7d: {  	_ =	shalt  }
0x7e: {  	_ =	shalt  }
0x7f: {  	_ =	shalt  }
0x80: {  	_ =	shalt  }
0x81: {  	_ =	shalt  }
0x82: {  	_ =	shalt  }
0x83: {  	_ =	shalt  }
0x84: {  	_ =	shalt  }
0x85: {  	_ =	shalt  }
0x86: {  	_ =	shalt  }
0x87: {  	_ =	shalt  }
.Lfunc_end0:
.L_simem_size_0:
called_computation.1_lowered:
.L_overlay_start_0:
0x88: {  	s2 =	sld [smem:$0x3FD9]  }
0x89: {  	s3 =	sld [smem:$0x3FFE];
	_ =	sdelay $0x1  }
0x8a: {  	s1 =	srdreg.scid  }
0x8b: {  	s0 =	sand.u32 $0x1, s1  }
0x8c: {  	s17 =	sshll.u32 s0, $0xA;
	s2 =	sadd.s32 s3, s2  }
0x8d: {  	s2 =	sadd.s32 s2, s17  }
0x8e: {  	[smem:$0x3FB6] =	sst s2  }
0x8f: {  	_ = 	snop  }
0x90: {  	s2 =	sld [smem:$0x3FD0];
	(tm) =	ssettm $0x1  }
0x91: {  	s18 =	sld [smem:$0x3FFB];
	_ =	sdelay $0x3  }
0x92: {  	_ =	strace s18  }
0x93: {  	s3 =	sld [smem:$0x3FFC];
	_ =	sdelay $0x3  }
0x94: {  	_ =	strace s3  }
0x95: {  	s3 =	sld [smem:$0x3FFD];
	_ =	sdelay $0x3  }
0x96: {  	_ =	strace s3  }
0x97: {  	_ =	strace $0x8FFFFFFF  }
0x98: {  	s19 =	sld [smem:$0x3FDB];
	_ =	sdelay $0x1  }
0x99: {  	s4 =	simm.s32 $_scs_section_size  }
0x9a: {  	s5 =	simm.s32 $_size__tile_overlayer_lowered;
	s6 =	simm.s32 $_tile_overlayer_lowered  }
0x9b: {  	s22 =	simm.s32 $0x1BFF;
	s21 =	sshll.u32 s6, $0x1;
	s3 =	sadd.s32 s4, s19  }
0x9c: {  	s7 =	simm.s32 $0x0;
	s20 =	sshll.u32 s5, $0x1;
	s5 =	sadd.s32 s21, s3  }
0x9d: {  	[timem:s7], [sflag:s22] =	dma.local [hbm:s5], s20  }
0x9e: {  	_ =	swait.ge [sflag:s22], s20  }
0x9f: {  	s4 =	ssub.s32 $0x0, s20;
	[sflag:s22] =	ssyncset.done $0x0  }
0xa0: {  	[sflag:s22] =	ssyncadd.s32 s4;
	_ =	sdelay $0x1  }
0xa1: {  	s23 =	simm.s32 $0x1B8B  }
0xa2: {  	_ =	swait.ge [sflag:s23], $0x1  }
0xa3: {  	[sflag:s23] =	ssyncset.done $0x0  }
0xa4: {  	s25 =	simm.s32 $0x1B8E;
	s24 =	sld [smem:$0x3FFE];
	[sflag:s23] =	ssyncadd.s32 $0xFFFFFFFF  }
0xa5: {  	s26 =	simm.s32 $execute0_lowered;
	[smem:$0x3FD2] =	sst s25  }
0xa6: {  	s5 =	sshll.u32 s26, $0x1;
	_ =	strace $0x80000049;
	[dreg:$0x1] =	wrdreg $0xFFFFFFFF  }
0xa7: {  	s28 =	simm.s32 $_size_execute0_lowered;
	s3 =	sadd.s32 s3, s5;
	[dreg:$0x0] =	wrdreg $0x0  }
0xa8: {  	s5 =	sshll.u32 s28, $0x1;
	[dreg:$0x2] =	wrdreg s3  }
0xa9: {  	[dreg:$0x3] =	wrdreg s5  }
0xaa: {  	[dreg:$0x4] =	wrdreg $0xC0  }
0xab: {  	_ =	task [dreg:s7], $0x5FFFF  }
0xac: {  	[dreg:$0x1] =	wrdreg $0xFFFFFFFF  }
0xad: {  	[dreg:$0x0] =	wrdreg $0x60  }
0xae: {  	[dreg:$0x2] =	wrdreg s24  }
0xaf: {  	[dreg:$0x3] =	wrdreg s2  }
0xb0: {  	[dreg:$0x4] =	wrdreg $0x44000  }
0xb1: {  	[dreg:$0x5] =	wrdreg $0x9  }
0xb2: {  	_ =	task.clear_ibuf [dreg:s7], $0x6FFFF;
	_ =	strace $0x90000049  }
0xb3: {  	s29 =	simm.s32 $0x9;
	_ =	strace $0x8000004B  }
0xb4: {  	_ =	swait.ge [sflag:s29], $0x1  }
0xb5: {  	[sflag:s29] =	ssyncadd.s32 $0xFFFFFFFF  }
0xb6: {  	_ =	strace $0x9000004B  }
0xb7: {  	_ =	sfence  }
0xb8: {  	s30 =	sld [smem:$0x0];
	_ =	sdelay $0x2  }
0xb9: {  	s31 =	sshll.u32 s1, $0xD;
	s1 =	sshrl.u32 s1, $0x2  }
0xba: {  	s3 =	sand.u32 $0x4000, s31;
	s1 =	sadd.s32 s1, s30  }
0xbb: {  	s0 =	sor.u32 s3, s0;
	s1 =	sshll.u32 s1, $0x11  }
0xbc: {  	s0 =	sor.u32 s1, s0  }
0xbd: {  	s0 =	sadd.s32 $0x8F2B, s0  }
0xbe: {  	[sflag:s0] =	ssyncadd.remote.s32 $0x1  }
0xbf: {  	_ =	sfence.sel $0xFFFF  }
0xc0: {  	[dreg:$0x0] =	wrdreg $0xFFFFFFFF;
	(pc) =	sbr.abs _section_cstart, $3  }
0xc1: {  	[dreg:$0x1] =	wrdreg $0xFFFFFFFF  }
0xc2: {  	_ =	task.clear_ibuf [dreg:s7], $0x2FFFF;
	_ =	strace $0x9FFFFFFF  }
0xc3: {  	(tm) =	ssettm $0x7FFFFFFF  }
tec
execute0_lowered:
.L_overlay_start_1:
0x0: {  	(tag) =	ssettag $0x1  }
0x1: {  	s0 =	rddreg [dreg:$0x0]  }
0x2: {  	s1 =	rddreg [dreg:$0x1];
	s3 =	srdreg.scid  }
0x3: {  	s13 =	stileid.u32;
	s2 =	rddreg [dreg:$0x2];
	s28 =	simm.s32 $0x3  }
0x4: {  	s29 =	simm.s32 $0x4000;
	s30 =	simm.s32 $0x2000;
	s4 =	smul.u32 $0x2800, s13  }
0x5: {  	s31 =	simm.s32 $0x1;
	s5 =	sand.u32 $0x1, s3;
	s7 =	smul.u32 $0x50000, s13  }
0x6: {  	s3 =	simm.s32 $0x0;
	s14 =	sadd.s32 $0x4E4800, s0;
	s17 =	smul.u32 $0x13, s13  }
0x7: {  	s6 =	smul.u32 $0x28000, s5;
	[smem:$0x7FF] =	sst s3;
	s20 =	ssub.s32 $0x2, s5  }
0x8: {  	s8 =	sshll.u32 s5, $0x4;
	s5 =	smul.u32 $0x130, s5;
	_ =	strace $0x8000004A  }
0x9: {  	s21 =	sshrl.u32 s7, $0x2;
	s22 =	sshrl.u32 s20, $0x1;
	s15 =	sor.u32 s13, s8  }
0xa: {  	s4 =	sadd.s32 s4, s6;
	s6 =	ssub.s32 s20, s22;
	s11 =	smul.u32 $0x13, s15  }
0xb: {  	s16 =	smin.u32 s15, $0x11;
	s5 =	sadd.s32 s17, s5;
	p0 =	sgt.u32 s15, $0x10  }
0xc: {  	s15 =	simm.s32 $0x2;
	s0 =	sadd.s32 s4, s0;
	s4 =	sadd.s32 s21, s2  }
0xd: {  	s17 =	simm.s32 $0x4100;
	s5 =	sadd.s32 s16, s5;
	s23 =	sadd.s32 $0x2000, s4  }
0xe: {  	s24 =	sadd.s32 $0x4000, s4;
	s25 =	sadd.s32 $0x6000, s4;
	s8 =	sadd.s32 $0x8000, s4  }
0xf: {  	s9 =	sadd.s32 $0xA000, s4;
	s10 =	sadd.s32 $0xC000, s4;
	s12 =	sadd.s32 s16, s11  }
0x10: {  	s11 =	sadd.s32 $0xE000, s4;
	s13 =	sadd.s32 $0x12000, s4;
	s22 =	sshll.u32 s5, $0xD  }
0x11: {  	s5 =	sshll.u32 s5, $0x7;
	[dreg:$0x4] =	wrdreg s23;
	s18 =	sadd.s32 $0x13, s12  }
0x12: {  	[dreg:$0x5] =	wrdreg s24;
	s19 =	sshll.u32 s18, $0xD;
	s18 =	sshll.u32 s18, $0x7  }
0x13: {  	s16 =	simm.s32 $0x4080;
	[dreg:$0x6] =	wrdreg s25;
	s18 =	sadd.s32 s1, s18  }
0x14: {  	s12 =	sadd.s32 $0x10000, s4;
	s26 =	sadd.s32 s14, s19;
	[dreg:$0x8] =	wrdreg s18  }
0x15: {  	s5 =	sadd.s32 s5, s1;
	s19 =	sadd.s32 $0x400, s26;
	[dreg:$0x7] =	wrdreg s26  }
0x16: {  	s1 =	simm.s32 $0x40;
	s20 =	sadd.s32 $0x800, s26;
	[dreg:$0x9] =	wrdreg s19  }
0x17: {  	s21 =	sadd.s32 $0xC00, s26;
	s23 =	sadd.s32 $0x1000, s26;
	[dreg:$0xa] =	wrdreg s20  }
0x18: {  	s24 =	sadd.s32 $0x1400, s26;
	s25 =	sadd.s32 $0x1800, s26;
	[dreg:$0xb] =	wrdreg s21  }
.Ltmp0:
0x19: {  	s26 =	sadd.s32 $0x1C00, s26;
	[dreg:$0xc] =	wrdreg s23;
	(pc) =	sbr.rel .LBB2_1-.Ltmp0, $4  }
0x1a: {  	s18 =	simm.s32 $0x4180;
	s19 =	sadd.s32 s22, s14;
	[dreg:$0xd] =	wrdreg s24  }
0x1b: {  	[dreg:$0xe] =	wrdreg s25;
	s24 =	sadd.s32 $0x2800, s0;
	s25 =	smax.u32 s6, $0x1  }
0x1c: {  	[dreg:$0xf] =	wrdreg s26;
	s20 =	simm.s32 $0x4200;
	s0 =	simm.s32 $0x4280  }
0x1d: {  	v0 =	vimm.f32 $0.0e+00;
	s22 =	simm.s32 $0x4300;
	s23 =	simm.s32 $0x4380;
	s26 =	simm.s32 $0x0  }
.LBB2_7:
0x1e: {  	s6 =	stileid.u32;
	s26 =	sadd.s32 $0x1, s26  }
0x1f: {  	[bflag:$0x0] =	sbarrier.arrive $0xFFFF;
	s6 =	sshll.u32 s6, $0x6;
	p1 =	sne.s32 s26, s25  }
.Ltmp1:
0x20: {  	s7 =	sshrl.u32 s4, $0x3;
	s6 =	sor.u32 $0x1C03, s6;
	(pc) =	sbr.rel @!p1 .LBB2_8-.Ltmp1, $4  }
0x21: {  	[hbm:s24], [sflag:s6] =	dma.local [spmem:s7], $0x2800  }
0x22: {  	_ =	swait.ge [sflag:s28], $0x2800  }
0x23: {  	[sflag:s28] =	ssyncset.done $0x0  }
0x24: {  	[sflag:s28] =	ssyncadd.s32 $0xFFFFD800  }
.LBB2_1:
0x25: {  	s6 =	simm.s32 $0x0;
	s14 =	simm.s32 $0x200  }
.LBB2_2:
0x26: {  	p1 =	sne.s32 s14, $0x7E00;
	[tilespmem:s6+$0x70] =	vst v0  }
0x27: {  	[tilespmem:s6+$0x0] =	vst v0  }
0x28: {  	[tilespmem:s6+$0x10] =	vst v0  }
.Ltmp2:
0x29: {  	[tilespmem:s6+$0x20] =	vst v0;
	(pc) =	sbr.rel @p1 .LBB2_2-.Ltmp2, $4  }
0x2a: {  	[tilespmem:s6+$0x30] =	vst v0  }
0x2b: {  	[tilespmem:s6+$0x40] =	vst v0  }
0x2c: {  	[tilespmem:s6+$0x50] =	vst v0  }
0x2d: {  	[tilespmem:s6+$0x60] =	vst v0;
	s6 =	sshra.s32 s14, $0x2;
	s14 =	sadd.s32 $0x200, s14  }
0x2e: {  	[tilespmem:s6+$0x70] =	vst v0  }
0x2f: {  	[tilespmem:s6+$0x0] =	vst v0  }
0x30: {  	[tilespmem:s6+$0x10] =	vst v0  }
0x31: {  	[tilespmem:s6+$0x20] =	vst v0  }
0x32: {  	[tilespmem:s6+$0x30] =	vst v0  }
0x33: {  	[tilespmem:s6+$0x40] =	vst v0  }
0x34: {  	[tilespmem:s6+$0x50] =	vst v0  }
0x35: {  	[tilespmem:s6+$0x60] =	vst v0;
	s6 =	simm.s32 $0x0  }
0x36: {  	[spmem:s4] =	stream.linear.scatter [tilespmem:s6], [sflag:$0x3], $0x2000, $0x38;
	[tilespmem:$0x18400] =	vst v63  }
0x37: {  	_ =	swait.ge [sflag:s28], $0x2000  }
0x38: {  	[sflag:s28] =	ssyncset.done $0x0  }
0x39: {  	s7 =	rddreg [dreg:$0x4];
	[sflag:s28] =	ssyncadd.s32 $0xFFFFE000  }
0x3a: {  	[spmem:s7] =	stream.linear.scatter [tilespmem:s6], [sflag:$0x3], $0x2000, $0x38;
	[tilespmem:$0x18400] =	vst v63  }
0x3b: {  	_ =	swait.ge [sflag:s28], $0x2000  }
0x3c: {  	[sflag:s28] =	ssyncset.done $0x0  }
0x3d: {  	s21 =	rddreg [dreg:$0x5];
	[sflag:s28] =	ssyncadd.s32 $0xFFFFE000  }
0x3e: {  	[spmem:s21] =	stream.linear.scatter [tilespmem:s6], [sflag:$0x3], $0x2000, $0x38;
	[tilespmem:$0x18400] =	vst v63  }
0x3f: {  	_ =	swait.ge [sflag:s28], $0x2000  }
0x40: {  	[sflag:s28] =	ssyncset.done $0x0  }
0x41: {  	s14 =	rddreg [dreg:$0x6];
	[sflag:s28] =	ssyncadd.s32 $0xFFFFE000  }
0x42: {  	[spmem:s14] =	stream.linear.scatter [tilespmem:s6], [sflag:$0x3], $0x2000, $0x38;
	[tilespmem:$0x18400] =	vst v63  }
0x43: {  	_ =	swait.ge [sflag:s28], $0x2000  }
0x44: {  	[sflag:s28] =	ssyncset.done $0x0  }
0x45: {  	[sflag:s28] =	ssyncadd.s32 $0xFFFFE000  }
0x46: {  	[spmem:s8] =	stream.linear.scatter [tilespmem:s6], [sflag:$0x3], $0x2000, $0x38;
	[tilespmem:$0x18400] =	vst v63  }
0x47: {  	_ =	swait.ge [sflag:s28], $0x2000  }
0x48: {  	[sflag:s28] =	ssyncset.done $0x0  }
0x49: {  	[sflag:s28] =	ssyncadd.s32 $0xFFFFE000  }
0x4a: {  	[spmem:s9] =	stream.linear.scatter [tilespmem:s6], [sflag:$0x3], $0x2000, $0x38;
	[tilespmem:$0x18400] =	vst v63  }
0x4b: {  	_ =	swait.ge [sflag:s28], $0x2000  }
0x4c: {  	[sflag:s28] =	ssyncset.done $0x0  }
0x4d: {  	[sflag:s28] =	ssyncadd.s32 $0xFFFFE000  }
0x4e: {  	[spmem:s10] =	stream.linear.scatter [tilespmem:s6], [sflag:$0x3], $0x2000, $0x38;
	[tilespmem:$0x18400] =	vst v63  }
0x4f: {  	_ =	swait.ge [sflag:s28], $0x2000  }
0x50: {  	[sflag:s28] =	ssyncset.done $0x0  }
0x51: {  	[sflag:s28] =	ssyncadd.s32 $0xFFFFE000  }
0x52: {  	[spmem:s11] =	stream.linear.scatter [tilespmem:s6], [sflag:$0x3], $0x2000, $0x38;
	[tilespmem:$0x18400] =	vst v63  }
0x53: {  	_ =	swait.ge [sflag:s28], $0x2000  }
0x54: {  	[sflag:s28] =	ssyncset.done $0x0  }
0x55: {  	[sflag:s28] =	ssyncadd.s32 $0xFFFFE000  }
0x56: {  	[spmem:s12] =	stream.linear.scatter [tilespmem:s6], [sflag:$0x3], $0x2000, $0x38;
	[tilespmem:$0x18400] =	vst v63  }
0x57: {  	_ =	swait.ge [sflag:s28], $0x2000  }
0x58: {  	[sflag:s28] =	ssyncset.done $0x0  }
0x59: {  	[sflag:s28] =	ssyncadd.s32 $0xFFFFE000  }
0x5a: {  	[spmem:s13] =	stream.linear.scatter [tilespmem:s6], [sflag:$0x3], $0x2000, $0x38;
	[tilespmem:$0x18400] =	vst v63  }
0x5b: {  	_ =	swait.ge [sflag:s28], $0x2000  }
0x5c: {  	[sflag:s28] =	ssyncset.done $0x0  }
0x5d: {  	[sflag:s28] =	ssyncadd.s32 $0xFFFFE000  }
0x5e: {  	[bflag:$0x0] =	sbarrier.arrive $0xFFFF  }
0x5f: {  	[tilespmem:s29], [sflag:$0x3] =	stream.linear.gather [hbm4b:s5+s3], $0x400, $0x38;
	[tilespmem:$0x18400] =	vst v63  }
0x60: {  	_ =	swait.ge [sflag:s28], $0x400  }
0x61: {  	[sflag:s28] =	ssyncset.done $0x0  }
0x62: {  	s6 =	sadd.s32 $0x0, s19;
	[sflag:s28] =	ssyncadd.s32 $0xFFFFFC00  }
0x63: {  	[tilespmem:s3], [sflag:$0x1] =	stream.linear.gather [hbm4b:s6+s3], $0x2000, $0x38;
	[tilespmem:$0x18400] =	vst v63  }
0x64: {  	s14 =	sadd.s32 $0x400, s6  }
0x65: {  	[tilespmem:s30], [sflag:$0x2] =	stream.linear.gather [hbm4b:s14+s3], $0x2000, $0x38;
	[tilespmem:$0x18400] =	vst v63  }
0x66: {  	_ =	swait.ge [sflag:s31], $0x2000  }
0x67: {  	[sflag:s31] =	ssyncset.done $0x0  }
0x68: {  	[sflag:s31] =	ssyncadd.s32 $0xFFFFE000  }
0x69: {  	[spmem:s2] =	stream.indirect.scatter.add.f32 [tilespmem:s3], [sflag:$0x3], $0x80, s29, s1, $0xb8;
	[tilespmem:$0x18400] =	vst v63  }
0x6a: {  	_ =	swait.ge [sflag:s28], $0x2000  }
0x6b: {  	[sflag:s28] =	ssyncset.done $0x0  }
0x6c: {  	s21 =	sadd.s32 $0x800, s6;
	[sflag:s28] =	ssyncadd.s32 $0xFFFFE000  }
0x6d: {  	[tilespmem:s3], [sflag:$0x1] =	stream.linear.gather [hbm4b:s21+s3], $0x2000, $0x38;
	[tilespmem:$0x18400] =	vst v63  }
0x6e: {  	_ =	swait.ge [sflag:s15], $0x2000  }
0x6f: {  	[sflag:s15] =	ssyncset.done $0x0  }
0x70: {  	[sflag:s15] =	ssyncadd.s32 $0xFFFFE000  }
0x71: {  	[spmem:s2] =	stream.indirect.scatter.add.f32 [tilespmem:s30], [sflag:$0x3], $0x80, s16, s1, $0xb8;
	[tilespmem:$0x18400] =	vst v63  }
0x72: {  	_ =	swait.ge [sflag:s28], $0x2000  }
0x73: {  	[sflag:s28] =	ssyncset.done $0x0  }
0x74: {  	s7 =	sadd.s32 $0xC00, s6;
	[sflag:s28] =	ssyncadd.s32 $0xFFFFE000  }
0x75: {  	[tilespmem:s30], [sflag:$0x2] =	stream.linear.gather [hbm4b:s7+s3], $0x2000, $0x38;
	[tilespmem:$0x18400] =	vst v63  }
0x76: {  	_ =	swait.ge [sflag:s31], $0x2000  }
0x77: {  	[sflag:s31] =	ssyncset.done $0x0  }
0x78: {  	[sflag:s31] =	ssyncadd.s32 $0xFFFFE000  }
0x79: {  	[spmem:s2] =	stream.indirect.scatter.add.f32 [tilespmem:s3], [sflag:$0x3], $0x80, s17, s1, $0xb8;
	[tilespmem:$0x18400] =	vst v63  }
0x7a: {  	_ =	swait.ge [sflag:s28], $0x2000  }
0x7b: {  	[sflag:s28] =	ssyncset.done $0x0  }
0x7c: {  	s21 =	sadd.s32 $0x1000, s6;
	[sflag:s28] =	ssyncadd.s32 $0xFFFFE000  }
0x7d: {  	[tilespmem:s3], [sflag:$0x1] =	stream.linear.gather [hbm4b:s21+s3], $0x2000, $0x38;
	[tilespmem:$0x18400] =	vst v63  }
0x7e: {  	_ =	swait.ge [sflag:s15], $0x2000  }
0x7f: {  	[sflag:s15] =	ssyncset.done $0x0  }
0x80: {  	[sflag:s15] =	ssyncadd.s32 $0xFFFFE000  }
0x81: {  	[spmem:s2] =	stream.indirect.scatter.add.f32 [tilespmem:s30], [sflag:$0x3], $0x80, s18, s1, $0xb8;
	[tilespmem:$0x18400] =	vst v63  }
0x82: {  	_ =	swait.ge [sflag:s28], $0x2000  }
0x83: {  	[sflag:s28] =	ssyncset.done $0x0  }
0x84: {  	s7 =	sadd.s32 $0x1400, s6;
	[sflag:s28] =	ssyncadd.s32 $0xFFFFE000  }
0x85: {  	[tilespmem:s30], [sflag:$0x2] =	stream.linear.gather [hbm4b:s7+s3], $0x2000, $0x38;
	[tilespmem:$0x18400] =	vst v63  }
0x86: {  	_ =	swait.ge [sflag:s31], $0x2000  }
0x87: {  	[sflag:s31] =	ssyncset.done $0x0  }
0x88: {  	[sflag:s31] =	ssyncadd.s32 $0xFFFFE000  }
0x89: {  	[spmem:s2] =	stream.indirect.scatter.add.f32 [tilespmem:s3], [sflag:$0x3], $0x80, s20, s1, $0xb8;
	[tilespmem:$0x18400] =	vst v63  }
0x8a: {  	_ =	swait.ge [sflag:s28], $0x2000  }
0x8b: {  	[sflag:s28] =	ssyncset.done $0x0  }
0x8c: {  	s21 =	sadd.s32 $0x1800, s6;
	[sflag:s28] =	ssyncadd.s32 $0xFFFFE000  }
0x8d: {  	[tilespmem:s3], [sflag:$0x1] =	stream.linear.gather [hbm4b:s21+s3], $0x2000, $0x38;
	[tilespmem:$0x18400] =	vst v63  }
0x8e: {  	_ =	swait.ge [sflag:s15], $0x2000  }
0x8f: {  	[sflag:s15] =	ssyncset.done $0x0  }
0x90: {  	[sflag:s15] =	ssyncadd.s32 $0xFFFFE000  }
0x91: {  	[spmem:s2] =	stream.indirect.scatter.add.f32 [tilespmem:s30], [sflag:$0x3], $0x80, s0, s1, $0xb8;
	[tilespmem:$0x18400] =	vst v63  }
0x92: {  	_ =	swait.ge [sflag:s28], $0x2000  }
0x93: {  	[sflag:s28] =	ssyncset.done $0x0  }
0x94: {  	s6 =	sadd.s32 $0x1C00, s6;
	[sflag:s28] =	ssyncadd.s32 $0xFFFFE000  }
0x95: {  	[tilespmem:s30], [sflag:$0x2] =	stream.linear.gather [hbm4b:s6+s3], $0x2000, $0x38;
	[tilespmem:$0x18400] =	vst v63  }
0x96: {  	_ =	swait.ge [sflag:s31], $0x2000  }
0x97: {  	[sflag:s31] =	ssyncset.done $0x0  }
0x98: {  	[sflag:s31] =	ssyncadd.s32 $0xFFFFE000  }
0x99: {  	[spmem:s2] =	stream.indirect.scatter.add.f32 [tilespmem:s3], [sflag:$0x3], $0x80, s22, s1, $0xb8;
	[tilespmem:$0x18400] =	vst v63  }
0x9a: {  	_ =	swait.ge [sflag:s28], $0x2000  }
0x9b: {  	[sflag:s28] =	ssyncset.done $0x0  }
0x9c: {  	[sflag:s28] =	ssyncadd.s32 $0xFFFFE000  }
0x9d: {  	_ =	swait.ge [sflag:s15], $0x2000  }
0x9e: {  	[sflag:s15] =	ssyncset.done $0x0  }
0x9f: {  	[sflag:s15] =	ssyncadd.s32 $0xFFFFE000  }
0xa0: {  	[spmem:s2] =	stream.indirect.scatter.add.f32 [tilespmem:s30], [sflag:$0x3], $0x80, s23, s1, $0xb8;
	[tilespmem:$0x18400] =	vst v63  }
0xa1: {  	_ =	swait.ge [sflag:s28], $0x2000  }
0xa2: {  	s14 =	simm.s32 $0x2000;
	s21 =	smov.u32 s5;
	[sflag:s28] =	ssyncset.done $0x0  }
.LBB2_4:
0xa3: {  	p1 =	sne.s32 s14, $0x24000;
	[sflag:s28] =	ssyncadd.s32 $0xFFFFE000;
	s21 =	sadd.s32 $0x80, s21  }
0xa4: {  	[tilespmem:s29], [sflag:$0x3] =	stream.linear.gather [hbm4b:s21+s3], $0x400, $0x38;
	[tilespmem:$0x18400] =	vst v63  }
0xa5: {  	s6 =	smov.u32 s14;
	s14 =	sadd.s32 $0x2000, s14;
	_ =	swait.ge [sflag:s28], $0x400  }
0xa6: {  	[sflag:s28] =	ssyncset.done $0x0  }
0xa7: {  	s6 =	sadd.s32 s6, s19;
	[sflag:s28] =	ssyncadd.s32 $0xFFFFFC00  }
0xa8: {  	[tilespmem:s3], [sflag:$0x1] =	stream.linear.gather [hbm4b:s6+s3], $0x2000, $0x38;
	[tilespmem:$0x18400] =	vst v63  }
0xa9: {  	s7 =	sadd.s32 $0x400, s6  }
0xaa: {  	[tilespmem:s30], [sflag:$0x2] =	stream.linear.gather [hbm4b:s7+s3], $0x2000, $0x38;
	[tilespmem:$0x18400] =	vst v63  }
0xab: {  	_ =	swait.ge [sflag:s31], $0x2000  }
0xac: {  	[sflag:s31] =	ssyncset.done $0x0  }
0xad: {  	[sflag:s31] =	ssyncadd.s32 $0xFFFFE000  }
0xae: {  	[spmem:s2] =	stream.indirect.scatter.add.f32 [tilespmem:s3], [sflag:$0x3], $0x80, s29, s1, $0xb8;
	[tilespmem:$0x18400] =	vst v63  }
0xaf: {  	_ =	swait.ge [sflag:s28], $0x2000  }
0xb0: {  	[sflag:s28] =	ssyncset.done $0x0  }
0xb1: {  	s7 =	sadd.s32 $0x800, s6;
	[sflag:s28] =	ssyncadd.s32 $0xFFFFE000  }
0xb2: {  	[tilespmem:s3], [sflag:$0x1] =	stream.linear.gather [hbm4b:s7+s3], $0x2000, $0x38;
	[tilespmem:$0x18400] =	vst v63  }
0xb3: {  	_ =	swait.ge [sflag:s15], $0x2000  }
0xb4: {  	[sflag:s15] =	ssyncset.done $0x0  }
0xb5: {  	[sflag:s15] =	ssyncadd.s32 $0xFFFFE000  }
0xb6: {  	[spmem:s2] =	stream.indirect.scatter.add.f32 [tilespmem:s30], [sflag:$0x3], $0x80, s16, s1, $0xb8;
	[tilespmem:$0x18400] =	vst v63  }
0xb7: {  	_ =	swait.ge [sflag:s28], $0x2000  }
0xb8: {  	[sflag:s28] =	ssyncset.done $0x0  }
0xb9: {  	s7 =	sadd.s32 $0xC00, s6;
	[sflag:s28] =	ssyncadd.s32 $0xFFFFE000  }
0xba: {  	[tilespmem:s30], [sflag:$0x2] =	stream.linear.gather [hbm4b:s7+s3], $0x2000, $0x38;
	[tilespmem:$0x18400] =	vst v63  }
0xbb: {  	_ =	swait.ge [sflag:s31], $0x2000  }
0xbc: {  	[sflag:s31] =	ssyncset.done $0x0  }
0xbd: {  	[sflag:s31] =	ssyncadd.s32 $0xFFFFE000  }
0xbe: {  	[spmem:s2] =	stream.indirect.scatter.add.f32 [tilespmem:s3], [sflag:$0x3], $0x80, s17, s1, $0xb8;
	[tilespmem:$0x18400] =	vst v63  }
0xbf: {  	_ =	swait.ge [sflag:s28], $0x2000  }
0xc0: {  	[sflag:s28] =	ssyncset.done $0x0  }
0xc1: {  	s7 =	sadd.s32 $0x1000, s6;
	[sflag:s28] =	ssyncadd.s32 $0xFFFFE000  }
0xc2: {  	[tilespmem:s3], [sflag:$0x1] =	stream.linear.gather [hbm4b:s7+s3], $0x2000, $0x38;
	[tilespmem:$0x18400] =	vst v63  }
0xc3: {  	_ =	swait.ge [sflag:s15], $0x2000  }
0xc4: {  	[sflag:s15] =	ssyncset.done $0x0  }
0xc5: {  	[sflag:s15] =	ssyncadd.s32 $0xFFFFE000  }
0xc6: {  	[spmem:s2] =	stream.indirect.scatter.add.f32 [tilespmem:s30], [sflag:$0x3], $0x80, s18, s1, $0xb8;
	[tilespmem:$0x18400] =	vst v63  }
0xc7: {  	_ =	swait.ge [sflag:s28], $0x2000  }
0xc8: {  	[sflag:s28] =	ssyncset.done $0x0  }
0xc9: {  	s7 =	sadd.s32 $0x1400, s6;
	[sflag:s28] =	ssyncadd.s32 $0xFFFFE000  }
0xca: {  	[tilespmem:s30], [sflag:$0x2] =	stream.linear.gather [hbm4b:s7+s3], $0x2000, $0x38;
	[tilespmem:$0x18400] =	vst v63  }
0xcb: {  	_ =	swait.ge [sflag:s31], $0x2000  }
0xcc: {  	[sflag:s31] =	ssyncset.done $0x0  }
0xcd: {  	[sflag:s31] =	ssyncadd.s32 $0xFFFFE000  }
0xce: {  	[spmem:s2] =	stream.indirect.scatter.add.f32 [tilespmem:s3], [sflag:$0x3], $0x80, s20, s1, $0xb8;
	[tilespmem:$0x18400] =	vst v63  }
0xcf: {  	_ =	swait.ge [sflag:s28], $0x2000  }
0xd0: {  	[sflag:s28] =	ssyncset.done $0x0  }
0xd1: {  	s7 =	sadd.s32 $0x1800, s6;
	[sflag:s28] =	ssyncadd.s32 $0xFFFFE000  }
0xd2: {  	[tilespmem:s3], [sflag:$0x1] =	stream.linear.gather [hbm4b:s7+s3], $0x2000, $0x38;
	[tilespmem:$0x18400] =	vst v63  }
0xd3: {  	_ =	swait.ge [sflag:s15], $0x2000  }
0xd4: {  	[sflag:s15] =	ssyncset.done $0x0  }
0xd5: {  	[sflag:s15] =	ssyncadd.s32 $0xFFFFE000  }
0xd6: {  	[spmem:s2] =	stream.indirect.scatter.add.f32 [tilespmem:s30], [sflag:$0x3], $0x80, s0, s1, $0xb8;
	[tilespmem:$0x18400] =	vst v63  }
0xd7: {  	_ =	swait.ge [sflag:s28], $0x2000  }
0xd8: {  	[sflag:s28] =	ssyncset.done $0x0  }
0xd9: {  	s6 =	sadd.s32 $0x1C00, s6;
	[sflag:s28] =	ssyncadd.s32 $0xFFFFE000  }
0xda: {  	[tilespmem:s30], [sflag:$0x2] =	stream.linear.gather [hbm4b:s6+s3], $0x2000, $0x38;
	[tilespmem:$0x18400] =	vst v63  }
0xdb: {  	_ =	swait.ge [sflag:s31], $0x2000  }
0xdc: {  	[sflag:s31] =	ssyncset.done $0x0  }
0xdd: {  	[sflag:s31] =	ssyncadd.s32 $0xFFFFE000  }
0xde: {  	[spmem:s2] =	stream.indirect.scatter.add.f32 [tilespmem:s3], [sflag:$0x3], $0x80, s22, s1, $0xb8;
	[tilespmem:$0x18400] =	vst v63  }
0xdf: {  	_ =	swait.ge [sflag:s28], $0x2000  }
0xe0: {  	[sflag:s28] =	ssyncset.done $0x0  }
0xe1: {  	[sflag:s28] =	ssyncadd.s32 $0xFFFFE000  }
0xe2: {  	_ =	swait.ge [sflag:s15], $0x2000  }
.Ltmp3:
0xe3: {  	[sflag:s15] =	ssyncset.done $0x0;
	(pc) =	sbr.rel @p1 .LBB2_4-.Ltmp3, $4  }
0xe4: {  	[sflag:s15] =	ssyncadd.s32 $0xFFFFE000  }
0xe5: {  	[spmem:s2] =	stream.indirect.scatter.add.f32 [tilespmem:s30], [sflag:$0x3], $0x80, s23, s1, $0xb8;
	[tilespmem:$0x18400] =	vst v63  }
0xe6: {  	_ =	swait.ge [sflag:s28], $0x2000  }
0xe7: {  	[sflag:s28] =	ssyncset.done $0x0  }
.Ltmp4:
0xe8: {  	(pc) =	sbr.rel @p0 .LBB2_7-.Ltmp4, $2  }
0xe9: {  	_ =	sdelay $0x2  }
0xea: {  	[sflag:s28] =	ssyncadd.s32 $0xFFFFE000  }
0xeb: {  	s6 =	rddreg [dreg:$0x8]  }
0xec: {  	[tilespmem:s29], [sflag:$0x3] =	stream.linear.gather [hbm4b:s6+s3], $0x400, $0x38;
	[tilespmem:$0x18400] =	vst v63  }
0xed: {  	_ =	swait.ge [sflag:s28], $0x400  }
0xee: {  	[sflag:s28] =	ssyncset.done $0x0  }
0xef: {  	s14 =	rddreg [dreg:$0x7];
	[sflag:s28] =	ssyncadd.s32 $0xFFFFFC00  }
0xf0: {  	[tilespmem:s3], [sflag:$0x1] =	stream.linear.gather [hbm4b:s14+s3], $0x2000, $0x38;
	[tilespmem:$0x18400] =	vst v63  }
0xf1: {  	s21 =	rddreg [dreg:$0x9]  }
0xf2: {  	[tilespmem:s30], [sflag:$0x2] =	stream.linear.gather [hbm4b:s21+s3], $0x2000, $0x38;
	[tilespmem:$0x18400] =	vst v63  }
0xf3: {  	_ =	swait.ge [sflag:s31], $0x2000  }
0xf4: {  	[sflag:s31] =	ssyncset.done $0x0  }
0xf5: {  	[sflag:s31] =	ssyncadd.s32 $0xFFFFE000  }
0xf6: {  	[spmem:s2] =	stream.indirect.scatter.add.f32 [tilespmem:s3], [sflag:$0x3], $0x80, s29, s1, $0xb8;
	[tilespmem:$0x18400] =	vst v63  }
0xf7: {  	_ =	swait.ge [sflag:s28], $0x2000  }
0xf8: {  	[sflag:s28] =	ssyncset.done $0x0  }
0xf9: {  	s7 =	rddreg [dreg:$0xa];
	[sflag:s28] =	ssyncadd.s32 $0xFFFFE000  }
0xfa: {  	[tilespmem:s3], [sflag:$0x1] =	stream.linear.gather [hbm4b:s7+s3], $0x2000, $0x38;
	[tilespmem:$0x18400] =	vst v63  }
0xfb: {  	_ =	swait.ge [sflag:s15], $0x2000  }
0xfc: {  	[sflag:s15] =	ssyncset.done $0x0  }
0xfd: {  	[sflag:s15] =	ssyncadd.s32 $0xFFFFE000  }
0xfe: {  	[spmem:s2] =	stream.indirect.scatter.add.f32 [tilespmem:s30], [sflag:$0x3], $0x80, s16, s1, $0xb8;
	[tilespmem:$0x18400] =	vst v63  }
0xff: {  	_ =	swait.ge [sflag:s28], $0x2000  }
0x100: {  	[sflag:s28] =	ssyncset.done $0x0  }
0x101: {  	s14 =	rddreg [dreg:$0xb];
	[sflag:s28] =	ssyncadd.s32 $0xFFFFE000  }
0x102: {  	[tilespmem:s30], [sflag:$0x2] =	stream.linear.gather [hbm4b:s14+s3], $0x2000, $0x38;
	[tilespmem:$0x18400] =	vst v63  }
0x103: {  	_ =	swait.ge [sflag:s31], $0x2000  }
0x104: {  	[sflag:s31] =	ssyncset.done $0x0  }
0x105: {  	[sflag:s31] =	ssyncadd.s32 $0xFFFFE000  }
0x106: {  	[spmem:s2] =	stream.indirect.scatter.add.f32 [tilespmem:s3], [sflag:$0x3], $0x80, s17, s1, $0xb8;
	[tilespmem:$0x18400] =	vst v63  }
0x107: {  	_ =	swait.ge [sflag:s28], $0x2000  }
0x108: {  	[sflag:s28] =	ssyncset.done $0x0  }
0x109: {  	s21 =	rddreg [dreg:$0xc];
	[sflag:s28] =	ssyncadd.s32 $0xFFFFE000  }
0x10a: {  	[tilespmem:s3], [sflag:$0x1] =	stream.linear.gather [hbm4b:s21+s3], $0x2000, $0x38;
	[tilespmem:$0x18400] =	vst v63  }
0x10b: {  	_ =	swait.ge [sflag:s15], $0x2000  }
0x10c: {  	[sflag:s15] =	ssyncset.done $0x0  }
0x10d: {  	[sflag:s15] =	ssyncadd.s32 $0xFFFFE000  }
0x10e: {  	[spmem:s2] =	stream.indirect.scatter.add.f32 [tilespmem:s30], [sflag:$0x3], $0x80, s18, s1, $0xb8;
	[tilespmem:$0x18400] =	vst v63  }
0x10f: {  	_ =	swait.ge [sflag:s28], $0x2000  }
0x110: {  	[sflag:s28] =	ssyncset.done $0x0  }
0x111: {  	s7 =	rddreg [dreg:$0xd];
	[sflag:s28] =	ssyncadd.s32 $0xFFFFE000  }
0x112: {  	[tilespmem:s30], [sflag:$0x2] =	stream.linear.gather [hbm4b:s7+s3], $0x2000, $0x38;
	[tilespmem:$0x18400] =	vst v63  }
0x113: {  	_ =	swait.ge [sflag:s31], $0x2000  }
0x114: {  	[sflag:s31] =	ssyncset.done $0x0  }
0x115: {  	[sflag:s31] =	ssyncadd.s32 $0xFFFFE000  }
0x116: {  	[spmem:s2] =	stream.indirect.scatter.add.f32 [tilespmem:s3], [sflag:$0x3], $0x80, s20, s1, $0xb8;
	[tilespmem:$0x18400] =	vst v63  }
0x117: {  	_ =	swait.ge [sflag:s28], $0x2000  }
0x118: {  	[sflag:s28] =	ssyncset.done $0x0  }
0x119: {  	s14 =	rddreg [dreg:$0xe];
	[sflag:s28] =	ssyncadd.s32 $0xFFFFE000  }
0x11a: {  	[tilespmem:s3], [sflag:$0x1] =	stream.linear.gather [hbm4b:s14+s3], $0x2000, $0x38;
	[tilespmem:$0x18400] =	vst v63  }
0x11b: {  	_ =	swait.ge [sflag:s15], $0x2000  }
0x11c: {  	[sflag:s15] =	ssyncset.done $0x0  }
0x11d: {  	[sflag:s15] =	ssyncadd.s32 $0xFFFFE000  }
0x11e: {  	[spmem:s2] =	stream.indirect.scatter.add.f32 [tilespmem:s30], [sflag:$0x3], $0x80, s0, s1, $0xb8;
	[tilespmem:$0x18400] =	vst v63  }
0x11f: {  	_ =	swait.ge [sflag:s28], $0x2000  }
0x120: {  	[sflag:s28] =	ssyncset.done $0x0  }
0x121: {  	s21 =	rddreg [dreg:$0xf];
	[sflag:s28] =	ssyncadd.s32 $0xFFFFE000  }
0x122: {  	[tilespmem:s30], [sflag:$0x2] =	stream.linear.gather [hbm4b:s21+s3], $0x2000, $0x38;
	[tilespmem:$0x18400] =	vst v63  }
0x123: {  	_ =	swait.ge [sflag:s31], $0x2000  }
0x124: {  	[sflag:s31] =	ssyncset.done $0x0  }
0x125: {  	[sflag:s31] =	ssyncadd.s32 $0xFFFFE000  }
0x126: {  	[spmem:s2] =	stream.indirect.scatter.add.f32 [tilespmem:s3], [sflag:$0x3], $0x80, s22, s1, $0xb8;
	[tilespmem:$0x18400] =	vst v63  }
0x127: {  	_ =	swait.ge [sflag:s28], $0x2000  }
0x128: {  	[sflag:s28] =	ssyncset.done $0x0  }
0x129: {  	[sflag:s28] =	ssyncadd.s32 $0xFFFFE000  }
0x12a: {  	_ =	swait.ge [sflag:s15], $0x2000  }
0x12b: {  	[sflag:s15] =	ssyncset.done $0x0  }
.Ltmp5:
0x12c: {  	[sflag:s15] =	ssyncadd.s32 $0xFFFFE000;
	(pc) =	sbr.rel .LBB2_7-.Ltmp5, $4  }
0x12d: {  	[spmem:s2] =	stream.indirect.scatter.add.f32 [tilespmem:s30], [sflag:$0x3], $0x80, s23, s1, $0xb8;
	[tilespmem:$0x18400] =	vst v63  }
0x12e: {  	_ =	swait.ge [sflag:s28], $0x2000  }
0x12f: {  	[sflag:s28] =	ssyncset.done $0x0  }
0x130: {  	[sflag:s28] =	ssyncadd.s32 $0xFFFFE000  }
.LBB2_8:
0x131: {  	_ =	sfence.sel $0x180000  }
0x132: {  	[bflag:$0x0] =	sbarrier.arrive $0xFFFF  }
0x133: {  	_ =	strace $0x9000004A  }
0x134: {  	s0 =	stileid.u32;
	[bflag:$0x2] =	sbarrier.arrive $0xFFFF  }
0x135: {  	p0 =	sne.s32 s0, $0x0;
	s0 =	rddreg [dreg:$0x3]  }
0x136: {  	s0 =	sadd.s32 @!p0 $0x100000, s0  }
0x137: {  	[sflag:s0] =	ssyncadd.tile.s32 @!p0 $0x1;
	_ =	shalt  }
.Lfunc_end2:
_tile_overlayer_lowered:
.L_overlay_start_2:
0x138: {  	(tag) =	ssettag $0x2  }
0x139: {  	s0 =	rddreg [dreg:$0x0];
	s2 =	stileid.u32  }
0x13a: {  	s1 =	rddreg [dreg:$0x1];
	p0 =	sne.s32 s2, $0x0  }
0x13b: {  	s3 =	rddreg [dreg:$0x2];
	[bflag:$0x3] =	sbarrier.arrive $0xFFFF;
	s2 =	simm.s32 @!p0 $0x1C03  }
0x13c: {  	[timem:s3], [sflag:s2] =	dma.local @!p0 [hbm:s0], s1  }
0x13d: {  	s0 =	simm.s32 @!p0 $0x3  }
0x13e: {  	_ =	swait.ge @!p0 [sflag:s0], s1  }
0x13f: {  	s1 =	ssub.s32 @!p0 $0x0, s1;
	[sflag:s0] =	ssyncset.done @!p0 $0x0  }
0x140: {  	[sflag:s0] =	ssyncadd.s32 @!p0 s1  }
0x141: {  	[bflag:$0x3] =	sbarrier.arrive $0xFFFF  }
0x142: {  	_ =	shalt  }

</sc_bundles>
